<compile_context>
chip_gen: v7x
topology: tpu7x:2x2x1
jax: 0.10.2.dev20260603
libtpu: 0.0.44.dev20260713+nightly
codegen_flags: <defaults>
</compile_context>

<pallas_src>
import functools

import jax
import jax.numpy as jnp
from jax import lax
from jax.experimental import pallas as pl
from jax.experimental.pallas import tpu as pltpu
from jax.experimental.pallas import tpu_sc as plsc

N = 10000
E = 320000
D = 128
NC, NS = 2, 16
NW = NC * NS
EPW = E // NW
CS = 128
NCHUNK = 79
EPW_PAD = NCHUNK * CS
PAD = EPW_PAD - EPW
NPAD = 10240
RPT = NPAD // NS
DUMMY = 10016

ROWBLK = 1000
GRID = N // ROWBLK

_sc_mesh = plsc.VectorSubcoreMesh(core_axis_name="c", subcore_axis_name="s")


@functools.partial(
    pl.kernel,
    out_type=jax.ShapeDtypeStruct((NC, NPAD), jnp.float32),
    mesh=_sc_mesh,
    scratch_types=[
        pltpu.VMEM((NCHUNK, CS), jnp.int32),
        pltpu.VMEM((CS,), jnp.float32),
        pltpu.VMEM((NPAD,), jnp.float32),
        pltpu.VMEM((NS, RPT), jnp.float32),
        pltpu.VMEM((RPT,), jnp.float32),
        pltpu.VMEM_SHARED((NS * NPAD,), jnp.float32),
        pltpu.SemaphoreType.DMA,
    ],
)
def _sc_degree(dst3, ones_h, zeros_h, d, dst_v, ones_v, z_v, tb, ob, acc, sem):
    cid = lax.axis_index("c")
    sid = lax.axis_index("s")
    wid = cid * NS + sid
    pltpu.sync_copy(zeros_h, z_v)
    pltpu.sync_copy(z_v, acc.at[pl.ds(sid * NPAD, NPAD)])
    pltpu.sync_copy(ones_h, ones_v)
    pltpu.sync_copy(dst3.at[wid], dst_v)
    plsc.subcore_barrier()

    @pl.loop(0, NCHUNK)
    def _chunk(j):
        pltpu.async_copy(ones_v, acc.at[dst_v.at[j]], sem, add=True).wait()

    plsc.subcore_barrier()
    for t in range(NS):
        pltpu.sync_copy(acc.at[pl.ds(t * NPAD + sid * RPT, RPT)], tb.at[t])

    @pl.loop(0, RPT // 16)
    def _red(r):
        s = tb[0, pl.ds(r * 16, 16)]
        for t in range(1, NS):
            s = s + tb[t, pl.ds(r * 16, 16)]
        ob[pl.ds(r * 16, 16)] = s

    pltpu.sync_copy(ob, d.at[cid].at[pl.ds(sid * RPT, RPT)])


@functools.partial(
    pl.kernel,
    out_type=jax.ShapeDtypeStruct((NC, NPAD, D), jnp.float32),
    mesh=_sc_mesh,
    scratch_types=[
        pltpu.VMEM((NCHUNK, CS), jnp.int32),
        pltpu.VMEM((NCHUNK, CS), jnp.int32),
        pltpu.VMEM((CS, D), jnp.float32),
        pltpu.VMEM_SHARED((NPAD, D), jnp.float32),
        pltpu.SemaphoreType.DMA,
        pltpu.SemaphoreType.DMA,
    ],
)
def _sc_scatter(g, src3, dst3, zeros_h, o, src_v, dst_v, buf, acc, sg, ss):
    cid = lax.axis_index("c")
    sid = lax.axis_index("s")
    wid = cid * NS + sid

    pltpu.sync_copy(zeros_h, buf)
    for t in range(RPT // CS):
        pltpu.sync_copy(buf, acc.at[pl.ds(sid * RPT + t * CS, CS)])
    pltpu.sync_copy(src3.at[wid], src_v)
    pltpu.sync_copy(dst3.at[wid], dst_v)
    plsc.subcore_barrier()

    @pl.loop(0, NCHUNK)
    def _chunk(j):
        pltpu.async_copy(g.at[src_v.at[j]], buf, sg).wait()
        pltpu.async_copy(buf, acc.at[dst_v.at[j]], ss, add=True).wait()

    plsc.subcore_barrier()
    pltpu.sync_copy(
        acc.at[pl.ds(sid * RPT, RPT)], o.at[cid].at[pl.ds(sid * RPT, RPT)]
    )


def _mm1_body(x_ref, w_ref, d0_ref, d1_ref, g_ref):
    inv = lax.rsqrt(d0_ref[0] + d1_ref[0] + 1.0)
    h = jnp.dot(x_ref[...], w_ref[...], preferred_element_type=jnp.float32)
    g_ref[...] = h * inv


_mm1 = pl.pallas_call(
    _mm1_body,
    grid=(GRID,),
    in_specs=[
        pl.BlockSpec((ROWBLK, D), lambda i: (i, 0)),
        pl.BlockSpec((D, D), lambda i: (0, 0)),
        pl.BlockSpec((1, ROWBLK, 1), lambda i: (0, i, 0)),
        pl.BlockSpec((1, ROWBLK, 1), lambda i: (1, i, 0)),
    ],
    out_specs=pl.BlockSpec((ROWBLK, D), lambda i: (i, 0)),
    out_shape=jax.ShapeDtypeStruct((N, D), jnp.float32),
)


def _mm2_body(a0_ref, a1_ref, g1_ref, d0_ref, d1_ref, b1_ref, w2_ref, g2_ref):
    inv = lax.rsqrt(d0_ref[0] + d1_ref[0] + 1.0)
    t = inv * (a0_ref[0] + a1_ref[0] + g1_ref[...]) + b1_ref[...]
    t = jnp.maximum(t, 0.0)
    g2_ref[...] = jnp.dot(t, w2_ref[...], preferred_element_type=jnp.float32) * inv


_mm2 = pl.pallas_call(
    _mm2_body,
    grid=(GRID,),
    in_specs=[
        pl.BlockSpec((1, ROWBLK, D), lambda i: (0, i, 0)),
        pl.BlockSpec((1, ROWBLK, D), lambda i: (1, i, 0)),
        pl.BlockSpec((ROWBLK, D), lambda i: (i, 0)),
        pl.BlockSpec((1, ROWBLK, 1), lambda i: (0, i, 0)),
        pl.BlockSpec((1, ROWBLK, 1), lambda i: (1, i, 0)),
        pl.BlockSpec((1, D), lambda i: (0, 0)),
        pl.BlockSpec((D, D), lambda i: (0, 0)),
    ],
    out_specs=pl.BlockSpec((ROWBLK, D), lambda i: (i, 0)),
    out_shape=jax.ShapeDtypeStruct((N, D), jnp.float32),
)


def _fin_body(c0_ref, c1_ref, g2_ref, d0_ref, d1_ref, b2_ref, out_ref):
    inv = lax.rsqrt(d0_ref[0] + d1_ref[0] + 1.0)
    out_ref[...] = inv * (c0_ref[0] + c1_ref[0] + g2_ref[...]) + b2_ref[...]


_fin = pl.pallas_call(
    _fin_body,
    grid=(GRID,),
    in_specs=[
        pl.BlockSpec((1, ROWBLK, D), lambda i: (0, i, 0)),
        pl.BlockSpec((1, ROWBLK, D), lambda i: (1, i, 0)),
        pl.BlockSpec((ROWBLK, D), lambda i: (i, 0)),
        pl.BlockSpec((1, ROWBLK, 1), lambda i: (0, i, 0)),
        pl.BlockSpec((1, ROWBLK, 1), lambda i: (1, i, 0)),
        pl.BlockSpec((1, D), lambda i: (0, 0)),
    ],
    out_specs=pl.BlockSpec((ROWBLK, D), lambda i: (i, 0)),
    out_shape=jax.ShapeDtypeStruct((N, D), jnp.float32),
)


def kernel(x, edge_index, W1, b1, W2, b2):
    src = edge_index[0].astype(jnp.int32)
    dst = edge_index[1].astype(jnp.int32)
    src3 = jnp.concatenate(
        [src.reshape(NW, EPW), jnp.zeros((NW, PAD), jnp.int32)], axis=1
    ).reshape(NW, NCHUNK, CS)
    dst3 = jnp.concatenate(
        [dst.reshape(NW, EPW), jnp.full((NW, PAD), DUMMY, jnp.int32)], axis=1
    ).reshape(NW, NCHUNK, CS)
    tile_off = ((jnp.arange(NW, dtype=jnp.int32) % NS) * NPAD)[:, None, None]
    dst3d = dst3 + tile_off
    ones_h = jnp.ones((CS,), jnp.float32)
    zeros1_h = jnp.zeros((NPAD,), jnp.float32)
    zeros2_h = jnp.zeros((CS, D), jnp.float32)
    b1r = b1.reshape(1, D)
    b2r = b2.reshape(1, D)

    d = _sc_degree(dst3d, ones_h, zeros1_h)
    dr = d.reshape(NC, NPAD, 1)
    g1 = _mm1(x, W1, dr, dr)
    a = _sc_scatter(g1, src3, dst3, zeros2_h)
    g2 = _mm2(a, a, g1, dr, dr, b1r, W2)
    c = _sc_scatter(g2, src3, dst3, zeros2_h)
    return _fin(c, c, g2, dr, dr, b2r)

# --- scband reference (transcript-rebuilt; emitter-appended) ---
"""Pipeline reference for scband-encoder-13383118094555 (READ-ONLY COPY).

The authoritative reference and input builder live on the scoring server;
editing this copy changes nothing except your own understanding.
"""

import jax, jax.numpy as jnp
import numpy as np

N_NODES = 10000
N_EDGES = 320000
IN_CH = 128
HID_CH = 128


def gcn_conv(x, edge_index, W, b):
    """Faithful GCNConv: add self-loops, symmetric deg^{-1/2} normalization,
    linear transform, scatter-add aggregation (gather/scatter heavy)."""
    N = x.shape[0]
    self_loops = jnp.arange(N, dtype=edge_index.dtype)
    src = jnp.concatenate([edge_index[0], self_loops])
    dst = jnp.concatenate([edge_index[1], self_loops])
    h = x @ W
    ones = jnp.ones(src.shape[0], dtype=h.dtype)
    deg = jax.ops.segment_sum(ones, dst, num_segments=N)
    inv_sqrt = jnp.where(deg > 0, jax.lax.rsqrt(jnp.maximum(deg, 1e-12)), 0.0)
    norm = inv_sqrt[src] * inv_sqrt[dst]
    msgs = h[src] * norm[:, None]
    out = jax.ops.segment_sum(msgs, dst, num_segments=N)
    return out + b


def setup_inputs(seed: int = 0) -> dict:
    key = jax.random.key(seed)
    k1, k2, k3, k4 = jax.random.split(key, 4)
    x = jax.random.normal(k1, (N_NODES, IN_CH), dtype=jnp.float32)
    edge_index = jax.random.randint(k2, (2, N_EDGES), 0, N_NODES, dtype=jnp.int64)
    s1 = (6.0 / (IN_CH + HID_CH)) ** 0.5
    s2 = (6.0 / (HID_CH + HID_CH)) ** 0.5
    W1 = jax.random.uniform(k3, (IN_CH, HID_CH), dtype=jnp.float32, minval=-s1, maxval=s1)
    W2 = jax.random.uniform(k4, (HID_CH, HID_CH), dtype=jnp.float32, minval=-s2, maxval=s2)
    b1 = jnp.zeros((HID_CH,), dtype=jnp.float32)
    b2 = jnp.zeros((HID_CH,), dtype=jnp.float32)
    return {"x": x, "edge_index": edge_index, "W1": W1, "b1": b1, "W2": W2, "b2": b2}


def reference(x, edge_index, W1, b1, W2, b2):
    h = jax.nn.relu(gcn_conv(x, edge_index, W1, b1))
    return gcn_conv(h, edge_index, W2, b2)

if __name__ == "__main__":
    import jax
    _d = setup_inputs()
    print(jax.jit(kernel)(*tuple(_d.values())))

</pallas_src>

<mosaic_0001>
#map = affine_map<(d0, d1) -> (0, 0, 0)>
#map1 = affine_map<(d0, d1) -> (0)>
#map2 = affine_map<(d0, d1) -> (0, 0)>
module attributes {stable_mosaic.version = 14 : i64} {
  func.func @_sc_degree(%arg0: i32, %arg1: i32, %arg2: memref<32x79x128xi32, #tpu.memory_space<hbm>>, %arg3: memref<128xf32, #tpu.memory_space<hbm>>, %arg4: memref<10240xf32, #tpu.memory_space<hbm>>, %arg5: memref<2x10240xf32, #tpu.memory_space<hbm>>, %arg6: memref<79x128xi32, #tpu.memory_space<vmem>>, %arg7: memref<128xf32, #tpu.memory_space<vmem>>, %arg8: memref<10240xf32, #tpu.memory_space<vmem>>, %arg9: memref<16x640xf32, #tpu.memory_space<vmem>>, %arg10: memref<640xf32, #tpu.memory_space<vmem>>, %arg11: memref<163840xf32, #tpu.memory_space<vmem_shared>>, %arg12: memref<!tpu.dma_semaphore, #tpu.memory_space<semaphore_mem>>) attributes {dimension_semantics = [#tpu.dimension_semantics<core_parallel>, #tpu.dimension_semantics<subcore_parallel>], iteration_bounds = array<i64: 2, 16>, scalar_prefetch = 0 : i64, scratch_operands = 7 : i64, tpu.core_type = #tpu.core_type<sc_vector_subcore>, window_params = [{transform_indices = #map}, {transform_indices = #map1}, {transform_indices = #map1}, {transform_indices = #map2}]} {
    %mul3A = arith.constant 16 : i32
    %mul3A_0 = arith.muli %arg0, %mul3A : i32
    %add3A = arith.addi %mul3A_0, %arg1 : i32
    "tpu.region"() ({
      %run_scoped3A_94 = tpu.sem_alloc : memref<!tpu.dma_semaphore, #tpu.memory_space<semaphore_mem>>
      tpu.enqueue_dma source(%arg4 : memref<10240xf32, #tpu.memory_space<hbm>>) target(%arg8 : memref<10240xf32, #tpu.memory_space<vmem>>) target_semaphore(%run_scoped3A_94 : memref<!tpu.dma_semaphore, #tpu.memory_space<semaphore_mem>>)
      tpu.wait_dma2 semaphore(%run_scoped3A_94 : memref<!tpu.dma_semaphore, #tpu.memory_space<semaphore_mem>>) src(%arg4 : memref<10240xf32, #tpu.memory_space<hbm>>) dst(%arg8 : memref<10240xf32, #tpu.memory_space<vmem>>)
      tpu.yield
    }) : () -> ()
    %mul3A_1 = arith.constant 10240 : i32
    %mul3A_2 = arith.muli %arg1, %mul3A_1 : i32
    "tpu.region"() ({
      %run_scoped3A_94 = tpu.sem_alloc : memref<!tpu.dma_semaphore, #tpu.memory_space<semaphore_mem>>
      %dma_start3A = tpu.memref_slice %arg11[%mul3A_2] : memref<163840xf32, #tpu.memory_space<vmem_shared>> -> memref<10240xf32, #tpu.memory_space<vmem_shared>>
      %dma_start3A_95 = tpu.memref_slice %arg11[%mul3A_2] : memref<163840xf32, #tpu.memory_space<vmem_shared>> -> memref<10240xf32, #tpu.memory_space<vmem_shared>>
      tpu.enqueue_dma source(%arg8 : memref<10240xf32, #tpu.memory_space<vmem>>) target(%dma_start3A_95 : memref<10240xf32, #tpu.memory_space<vmem_shared>>) target_semaphore(%run_scoped3A_94 : memref<!tpu.dma_semaphore, #tpu.memory_space<semaphore_mem>>)
      %dma_wait3A = tpu.memref_slice %arg11[%mul3A_2] : memref<163840xf32, #tpu.memory_space<vmem_shared>> -> memref<10240xf32, #tpu.memory_space<vmem_shared>>
      %dma_wait3A_96 = tpu.memref_slice %arg11[%mul3A_2] : memref<163840xf32, #tpu.memory_space<vmem_shared>> -> memref<10240xf32, #tpu.memory_space<vmem_shared>>
      tpu.wait_dma2 semaphore(%run_scoped3A_94 : memref<!tpu.dma_semaphore, #tpu.memory_space<semaphore_mem>>) src(%arg8 : memref<10240xf32, #tpu.memory_space<vmem>>) dst(%dma_wait3A_96 : memref<10240xf32, #tpu.memory_space<vmem_shared>>)
      tpu.yield
    }) : () -> ()
    "tpu.region"() ({
      %run_scoped3A_94 = tpu.sem_alloc : memref<!tpu.dma_semaphore, #tpu.memory_space<semaphore_mem>>
      tpu.enqueue_dma source(%arg3 : memref<128xf32, #tpu.memory_space<hbm>>) target(%arg7 : memref<128xf32, #tpu.memory_space<vmem>>) target_semaphore(%run_scoped3A_94 : memref<!tpu.dma_semaphore, #tpu.memory_space<semaphore_mem>>)
      tpu.wait_dma2 semaphore(%run_scoped3A_94 : memref<!tpu.dma_semaphore, #tpu.memory_space<semaphore_mem>>) src(%arg3 : memref<128xf32, #tpu.memory_space<hbm>>) dst(%arg7 : memref<128xf32, #tpu.memory_space<vmem>>)
      tpu.yield
    }) : () -> ()
    "tpu.region"() ({
      %run_scoped3A_94 = tpu.sem_alloc : memref<!tpu.dma_semaphore, #tpu.memory_space<semaphore_mem>>
      %dma_start3A = arith.constant 0 : i32
      %dma_start3A_95 = arith.constant 0 : i32
      %dma_start3A_96 = tpu.memref_slice %arg2[%add3A, %dma_start3A, %dma_start3A_95] : memref<32x79x128xi32, #tpu.memory_space<hbm>> -> memref<1x79x128xi32, #tpu.memory_space<hbm>>
      %dma_start3A_97 = tpu.memref_squeeze %dma_start3A_96 : memref<1x79x128xi32, #tpu.memory_space<hbm>> -> memref<79x128xi32, #tpu.memory_space<hbm>>
      %dma_start3A_98 = arith.constant 0 : i32
      %dma_start3A_99 = arith.constant 0 : i32
      %dma_start3A_100 = tpu.memref_slice %arg2[%add3A, %dma_start3A_98, %dma_start3A_99] : memref<32x79x128xi32, #tpu.memory_space<hbm>> -> memref<1x79x128xi32, #tpu.memory_space<hbm>>
      %dma_start3A_101 = tpu.memref_squeeze %dma_start3A_100 : memref<1x79x128xi32, #tpu.memory_space<hbm>> -> memref<79x128xi32, #tpu.memory_space<hbm>>
      tpu.enqueue_dma source(%dma_start3A_101 : memref<79x128xi32, #tpu.memory_space<hbm>>) target(%arg6 : memref<79x128xi32, #tpu.memory_space<vmem>>) target_semaphore(%run_scoped3A_94 : memref<!tpu.dma_semaphore, #tpu.memory_space<semaphore_mem>>)
      %dma_wait3A = arith.constant 0 : i32
      %dma_wait3A_102 = arith.constant 0 : i32
      %dma_wait3A_103 = tpu.memref_slice %arg2[%add3A, %dma_wait3A, %dma_wait3A_102] : memref<32x79x128xi32, #tpu.memory_space<hbm>> -> memref<1x79x128xi32, #tpu.memory_space<hbm>>
      %dma_wait3A_104 = tpu.memref_squeeze %dma_wait3A_103 : memref<1x79x128xi32, #tpu.memory_space<hbm>> -> memref<79x128xi32, #tpu.memory_space<hbm>>
      %dma_wait3A_105 = arith.constant 0 : i32
      %dma_wait3A_106 = arith.constant 0 : i32
      %dma_wait3A_107 = tpu.memref_slice %arg2[%add3A, %dma_wait3A_105, %dma_wait3A_106] : memref<32x79x128xi32, #tpu.memory_space<hbm>> -> memref<1x79x128xi32, #tpu.memory_space<hbm>>
      %dma_wait3A_108 = tpu.memref_squeeze %dma_wait3A_107 : memref<1x79x128xi32, #tpu.memory_space<hbm>> -> memref<79x128xi32, #tpu.memory_space<hbm>>
      tpu.wait_dma2 semaphore(%run_scoped3A_94 : memref<!tpu.dma_semaphore, #tpu.memory_space<semaphore_mem>>) src(%dma_wait3A_108 : memref<79x128xi32, #tpu.memory_space<hbm>>) dst(%arg6 : memref<79x128xi32, #tpu.memory_space<vmem>>)
      tpu.yield
    }) : () -> ()
    %barrier3A = arith.constant 0 : index
    tpu.barrier barrier_id(%barrier3A)
    %scan3A = arith.constant 0 : i32
    %scan3A_3 = arith.constant 79 : i32
    %scan3A_4 = arith.addi %scan3A, %scan3A_3 : i32
    %scan3A_5 = arith.constant 1 : i32
    scf.for %scan3A_94 = %scan3A to %scan3A_4 step %scan3A_5  : i32 {
      %mul3A_95 = arith.constant 1 : i32
      %mul3A_96 = arith.muli %scan3A_94, %mul3A_95 : i32
      %add3A_97 = arith.constant 0 : i32
      %add3A_98 = arith.addi %add3A_97, %mul3A_96 : i32
      %dma_start3A = arith.constant 0 : i32
      %dma_start3A_99 = tpu.memref_slice %arg6[%add3A_98, %dma_start3A] : memref<79x128xi32, #tpu.memory_space<vmem>> -> memref<1x128xi32, #tpu.memory_space<vmem>>
      %dma_start3A_100 = tpu.memref_squeeze %dma_start3A_99 : memref<1x128xi32, #tpu.memory_space<vmem>> -> memref<128xi32, #tpu.memory_space<vmem>>
      %dma_start3A_101 = arith.constant 0 : i32
      %dma_start3A_102 = tpu.memref_slice %arg11[%dma_start3A_101] : memref<163840xf32, #tpu.memory_space<vmem_shared>> -> memref<163840xf32, #tpu.memory_space<vmem_shared>>
      tpu.enqueue_indirect_dma source(%arg7 : memref<128xf32, #tpu.memory_space<vmem>>) target(%dma_start3A_102 : memref<163840xf32, #tpu.memory_space<vmem_shared>>) offsets(%dma_start3A_100 : memref<128xi32, #tpu.memory_space<vmem>>) semaphore(%arg12 : memref<!tpu.dma_semaphore, #tpu.memory_space<semaphore_mem>>) {add = true}
      %dma_wait3A = arith.constant 0 : i32
      %dma_wait3A_103 = tpu.memref_slice %arg6[%add3A_98, %dma_wait3A] : memref<79x128xi32, #tpu.memory_space<vmem>> -> memref<1x128xi32, #tpu.memory_space<vmem>>
      %dma_wait3A_104 = tpu.memref_squeeze %dma_wait3A_103 : memref<1x128xi32, #tpu.memory_space<vmem>> -> memref<128xi32, #tpu.memory_space<vmem>>
      %dma_wait3A_105 = arith.constant 0 : i32
      %dma_wait3A_106 = tpu.memref_slice %arg11[%dma_wait3A_105] : memref<163840xf32, #tpu.memory_space<vmem_shared>> -> memref<163840xf32, #tpu.memory_space<vmem_shared>>
      tpu.wait_indirect_dma semaphore(%arg12 : memref<!tpu.dma_semaphore, #tpu.memory_space<semaphore_mem>>) src(%arg7 : memref<128xf32, #tpu.memory_space<vmem>>) dst(%dma_wait3A_106 : memref<163840xf32, #tpu.memory_space<vmem_shared>>)
    }
    %scan3A_6 = arith.constant 79 : i32
    %barrier3A_7 = arith.constant 0 : index
    tpu.barrier barrier_id(%barrier3A_7)
    %mul3A_8 = arith.constant 640 : i32
    %mul3A_9 = arith.muli %arg1, %mul3A_8 : i32
    %add3A_10 = arith.constant 0 : i32
    %add3A_11 = arith.addi %add3A_10, %mul3A_9 : i32
    %run_scoped3A = arith.constant 0 : i32
    "tpu.region"() ({
      %run_scoped3A_94 = tpu.sem_alloc : memref<!tpu.dma_semaphore, #tpu.memory_space<semaphore_mem>>
      %dma_start3A = arith.constant 0 : i32
      %dma_start3A_95 = tpu.memref_slice %arg9[%run_scoped3A, %dma_start3A] : memref<16x640xf32, #tpu.memory_space<vmem>> -> memref<1x640xf32, #tpu.memory_space<vmem>>
      %dma_start3A_96 = tpu.memref_squeeze %dma_start3A_95 : memref<1x640xf32, #tpu.memory_space<vmem>> -> memref<640xf32, #tpu.memory_space<vmem>>
      %dma_start3A_97 = tpu.memref_slice %arg11[%add3A_11] : memref<163840xf32, #tpu.memory_space<vmem_shared>> -> memref<640xf32, #tpu.memory_space<vmem_shared>>
      %dma_start3A_98 = arith.constant 0 : i32
      %dma_start3A_99 = tpu.memref_slice %arg9[%run_scoped3A, %dma_start3A_98] : memref<16x640xf32, #tpu.memory_space<vmem>> -> memref<1x640xf32, #tpu.memory_space<vmem>>
      %dma_start3A_100 = tpu.memref_squeeze %dma_start3A_99 : memref<1x640xf32, #tpu.memory_space<vmem>> -> memref<640xf32, #tpu.memory_space<vmem>>
      %dma_start3A_101 = tpu.memref_slice %arg11[%add3A_11] : memref<163840xf32, #tpu.memory_space<vmem_shared>> -> memref<640xf32, #tpu.memory_space<vmem_shared>>
      tpu.enqueue_dma source(%dma_start3A_101 : memref<640xf32, #tpu.memory_space<vmem_shared>>) target(%dma_start3A_100 : memref<640xf32, #tpu.memory_space<vmem>>) target_semaphore(%run_scoped3A_94 : memref<!tpu.dma_semaphore, #tpu.memory_space<semaphore_mem>>)
      %dma_wait3A = arith.constant 0 : i32
      %dma_wait3A_102 = tpu.memref_slice %arg9[%run_scoped3A, %dma_wait3A] : memref<16x640xf32, #tpu.memory_space<vmem>> -> memref<1x640xf32, #tpu.memory_space<vmem>>
      %dma_wait3A_103 = tpu.memref_squeeze %dma_wait3A_102 : memref<1x640xf32, #tpu.memory_space<vmem>> -> memref<640xf32, #tpu.memory_space<vmem>>
      %dma_wait3A_104 = tpu.memref_slice %arg11[%add3A_11] : memref<163840xf32, #tpu.memory_space<vmem_shared>> -> memref<640xf32, #tpu.memory_space<vmem_shared>>
      %dma_wait3A_105 = arith.constant 0 : i32
      %dma_wait3A_106 = tpu.memref_slice %arg9[%run_scoped3A, %dma_wait3A_105] : memref<16x640xf32, #tpu.memory_space<vmem>> -> memref<1x640xf32, #tpu.memory_space<vmem>>
      %dma_wait3A_107 = tpu.memref_squeeze %dma_wait3A_106 : memref<1x640xf32, #tpu.memory_space<vmem>> -> memref<640xf32, #tpu.memory_space<vmem>>
      %dma_wait3A_108 = tpu.memref_slice %arg11[%add3A_11] : memref<163840xf32, #tpu.memory_space<vmem_shared>> -> memref<640xf32, #tpu.memory_space<vmem_shared>>
      tpu.wait_dma2 semaphore(%run_scoped3A_94 : memref<!tpu.dma_semaphore, #tpu.memory_space<semaphore_mem>>) src(%dma_wait3A_108 : memref<640xf32, #tpu.memory_space<vmem_shared>>) dst(%dma_wait3A_107 : memref<640xf32, #tpu.memory_space<vmem>>)
      tpu.yield
    }) : () -> ()
    %mul3A_12 = arith.constant 640 : i32
    %mul3A_13 = arith.muli %arg1, %mul3A_12 : i32
    %add3A_14 = arith.constant 10240 : i32
    %add3A_15 = arith.addi %add3A_14, %mul3A_13 : i32
    %run_scoped3A_16 = arith.constant 1 : i32
    "tpu.region"() ({
      %run_scoped3A_94 = tpu.sem_alloc : memref<!tpu.dma_semaphore, #tpu.memory_space<semaphore_mem>>
      %dma_start3A = arith.constant 0 : i32
      %dma_start3A_95 = tpu.memref_slice %arg9[%run_scoped3A_16, %dma_start3A] : memref<16x640xf32, #tpu.memory_space<vmem>> -> memref<1x640xf32, #tpu.memory_space<vmem>>
      %dma_start3A_96 = tpu.memref_squeeze %dma_start3A_95 : memref<1x640xf32, #tpu.memory_space<vmem>> -> memref<640xf32, #tpu.memory_space<vmem>>
      %dma_start3A_97 = tpu.memref_slice %arg11[%add3A_15] : memref<163840xf32, #tpu.memory_space<vmem_shared>> -> memref<640xf32, #tpu.memory_space<vmem_shared>>
      %dma_start3A_98 = arith.constant 0 : i32
      %dma_start3A_99 = tpu.memref_slice %arg9[%run_scoped3A_16, %dma_start3A_98] : memref<16x640xf32, #tpu.memory_space<vmem>> -> memref<1x640xf32, #tpu.memory_space<vmem>>
      %dma_start3A_100 = tpu.memref_squeeze %dma_start3A_99 : memref<1x640xf32, #tpu.memory_space<vmem>> -> memref<640xf32, #tpu.memory_space<vmem>>
      %dma_start3A_101 = tpu.memref_slice %arg11[%add3A_15] : memref<163840xf32, #tpu.memory_space<vmem_shared>> -> memref<640xf32, #tpu.memory_space<vmem_shared>>
      tpu.enqueue_dma source(%dma_start3A_101 : memref<640xf32, #tpu.memory_space<vmem_shared>>) target(%dma_start3A_100 : memref<640xf32, #tpu.memory_space<vmem>>) target_semaphore(%run_scoped3A_94 : memref<!tpu.dma_semaphore, #tpu.memory_space<semaphore_mem>>)
      %dma_wait3A = arith.constant 0 : i32
      %dma_wait3A_102 = tpu.memref_slice %arg9[%run_scoped3A_16, %dma_wait3A] : memref<16x640xf32, #tpu.memory_space<vmem>> -> memref<1x640xf32, #tpu.memory_space<vmem>>
      %dma_wait3A_103 = tpu.memref_squeeze %dma_wait3A_102 : memref<1x640xf32, #tpu.memory_space<vmem>> -> memref<640xf32, #tpu.memory_space<vmem>>
      %dma_wait3A_104 = tpu.memref_slice %arg11[%add3A_15] : memref<163840xf32, #tpu.memory_space<vmem_shared>> -> memref<640xf32, #tpu.memory_space<vmem_shared>>
      %dma_wait3A_105 = arith.constant 0 : i32
      %dma_wait3A_106 = tpu.memref_slice %arg9[%run_scoped3A_16, %dma_wait3A_105] : memref<16x640xf32, #tpu.memory_space<vmem>> -> memref<1x640xf32, #tpu.memory_space<vmem>>
      %dma_wait3A_107 = tpu.memref_squeeze %dma_wait3A_106 : memref<1x640xf32, #tpu.memory_space<vmem>> -> memref<640xf32, #tpu.memory_space<vmem>>
      %dma_wait3A_108 = tpu.memref_slice %arg11[%add3A_15] : memref<163840xf32, #tpu.memory_space<vmem_shared>> -> memref<640xf32, #tpu.memory_space<vmem_shared>>
      tpu.wait_dma2 semaphore(%run_scoped3A_94 : memref<!tpu.dma_semaphore, #tpu.memory_space<semaphore_mem>>) src(%dma_wait3A_108 : memref<640xf32, #tpu.memory_space<vmem_shared>>) dst(%dma_wait3A_107 : memref<640xf32, #tpu.memory_space<vmem>>)
      tpu.yield
    }) : () -> ()
    %mul3A_17 = arith.constant 640 : i32
    %mul3A_18 = arith.muli %arg1, %mul3A_17 : i32
    %add3A_19 = arith.constant 20480 : i32
    %add3A_20 = arith.addi %add3A_19, %mul3A_18 : i32
    %run_scoped3A_21 = arith.constant 2 : i32
    "tpu.region"() ({
      %run_scoped3A_94 = tpu.sem_alloc : memref<!tpu.dma_semaphore, #tpu.memory_space<semaphore_mem>>
      %dma_start3A = arith.constant 0 : i32
      %dma_start3A_95 = tpu.memref_slice %arg9[%run_scoped3A_21, %dma_start3A] : memref<16x640xf32, #tpu.memory_space<vmem>> -> memref<1x640xf32, #tpu.memory_space<vmem>>
      %dma_start3A_96 = tpu.memref_squeeze %dma_start3A_95 : memref<1x640xf32, #tpu.memory_space<vmem>> -> memref<640xf32, #tpu.memory_space<vmem>>
      %dma_start3A_97 = tpu.memref_slice %arg11[%add3A_20] : memref<163840xf32, #tpu.memory_space<vmem_shared>> -> memref<640xf32, #tpu.memory_space<vmem_shared>>
      %dma_start3A_98 = arith.constant 0 : i32
      %dma_start3A_99 = tpu.memref_slice %arg9[%run_scoped3A_21, %dma_start3A_98] : memref<16x640xf32, #tpu.memory_space<vmem>> -> memref<1x640xf32, #tpu.memory_space<vmem>>
      %dma_start3A_100 = tpu.memref_squeeze %dma_start3A_99 : memref<1x640xf32, #tpu.memory_space<vmem>> -> memref<640xf32, #tpu.memory_space<vmem>>
      %dma_start3A_101 = tpu.memref_slice %arg11[%add3A_20] : memref<163840xf32, #tpu.memory_space<vmem_shared>> -> memref<640xf32, #tpu.memory_space<vmem_shared>>
      tpu.enqueue_dma source(%dma_start3A_101 : memref<640xf32, #tpu.memory_space<vmem_shared>>) target(%dma_start3A_100 : memref<640xf32, #tpu.memory_space<vmem>>) target_semaphore(%run_scoped3A_94 : memref<!tpu.dma_semaphore, #tpu.memory_space<semaphore_mem>>)
      %dma_wait3A = arith.constant 0 : i32
      %dma_wait3A_102 = tpu.memref_slice %arg9[%run_scoped3A_21, %dma_wait3A] : memref<16x640xf32, #tpu.memory_space<vmem>> -> memref<1x640xf32, #tpu.memory_space<vmem>>
      %dma_wait3A_103 = tpu.memref_squeeze %dma_wait3A_102 : memref<1x640xf32, #tpu.memory_space<vmem>> -> memref<640xf32, #tpu.memory_space<vmem>>
      %dma_wait3A_104 = tpu.memref_slice %arg11[%add3A_20] : memref<163840xf32, #tpu.memory_space<vmem_shared>> -> memref<640xf32, #tpu.memory_space<vmem_shared>>
      %dma_wait3A_105 = arith.constant 0 : i32
      %dma_wait3A_106 = tpu.memref_slice %arg9[%run_scoped3A_21, %dma_wait3A_105] : memref<16x640xf32, #tpu.memory_space<vmem>> -> memref<1x640xf32, #tpu.memory_space<vmem>>
      %dma_wait3A_107 = tpu.memref_squeeze %dma_wait3A_106 : memref<1x640xf32, #tpu.memory_space<vmem>> -> memref<640xf32, #tpu.memory_space<vmem>>
      %dma_wait3A_108 = tpu.memref_slice %arg11[%add3A_20] : memref<163840xf32, #tpu.memory_space<vmem_shared>> -> memref<640xf32, #tpu.memory_space<vmem_shared>>
      tpu.wait_dma2 semaphore(%run_scoped3A_94 : memref<!tpu.dma_semaphore, #tpu.memory_space<semaphore_mem>>) src(%dma_wait3A_108 : memref<640xf32, #tpu.memory_space<vmem_shared>>) dst(%dma_wait3A_107 : memref<640xf32, #tpu.memory_space<vmem>>)
      tpu.yield
    }) : () -> ()
    %mul3A_22 = arith.constant 640 : i32
    %mul3A_23 = arith.muli %arg1, %mul3A_22 : i32
    %add3A_24 = arith.constant 30720 : i32
    %add3A_25 = arith.addi %add3A_24, %mul3A_23 : i32
    %run_scoped3A_26 = arith.constant 3 : i32
    "tpu.region"() ({
      %run_scoped3A_94 = tpu.sem_alloc : memref<!tpu.dma_semaphore, #tpu.memory_space<semaphore_mem>>
      %dma_start3A = arith.constant 0 : i32
      %dma_start3A_95 = tpu.memref_slice %arg9[%run_scoped3A_26, %dma_start3A] : memref<16x640xf32, #tpu.memory_space<vmem>> -> memref<1x640xf32, #tpu.memory_space<vmem>>
      %dma_start3A_96 = tpu.memref_squeeze %dma_start3A_95 : memref<1x640xf32, #tpu.memory_space<vmem>> -> memref<640xf32, #tpu.memory_space<vmem>>
      %dma_start3A_97 = tpu.memref_slice %arg11[%add3A_25] : memref<163840xf32, #tpu.memory_space<vmem_shared>> -> memref<640xf32, #tpu.memory_space<vmem_shared>>
      %dma_start3A_98 = arith.constant 0 : i32
      %dma_start3A_99 = tpu.memref_slice %arg9[%run_scoped3A_26, %dma_start3A_98] : memref<16x640xf32, #tpu.memory_space<vmem>> -> memref<1x640xf32, #tpu.memory_space<vmem>>
      %dma_start3A_100 = tpu.memref_squeeze %dma_start3A_99 : memref<1x640xf32, #tpu.memory_space<vmem>> -> memref<640xf32, #tpu.memory_space<vmem>>
      %dma_start3A_101 = tpu.memref_slice %arg11[%add3A_25] : memref<163840xf32, #tpu.memory_space<vmem_shared>> -> memref<640xf32, #tpu.memory_space<vmem_shared>>
      tpu.enqueue_dma source(%dma_start3A_101 : memref<640xf32, #tpu.memory_space<vmem_shared>>) target(%dma_start3A_100 : memref<640xf32, #tpu.memory_space<vmem>>) target_semaphore(%run_scoped3A_94 : memref<!tpu.dma_semaphore, #tpu.memory_space<semaphore_mem>>)
      %dma_wait3A = arith.constant 0 : i32
      %dma_wait3A_102 = tpu.memref_slice %arg9[%run_scoped3A_26, %dma_wait3A] : memref<16x640xf32, #tpu.memory_space<vmem>> -> memref<1x640xf32, #tpu.memory_space<vmem>>
      %dma_wait3A_103 = tpu.memref_squeeze %dma_wait3A_102 : memref<1x640xf32, #tpu.memory_space<vmem>> -> memref<640xf32, #tpu.memory_space<vmem>>
      %dma_wait3A_104 = tpu.memref_slice %arg11[%add3A_25] : memref<163840xf32, #tpu.memory_space<vmem_shared>> -> memref<640xf32, #tpu.memory_space<vmem_shared>>
      %dma_wait3A_105 = arith.constant 0 : i32
      %dma_wait3A_106 = tpu.memref_slice %arg9[%run_scoped3A_26, %dma_wait3A_105] : memref<16x640xf32, #tpu.memory_space<vmem>> -> memref<1x640xf32, #tpu.memory_space<vmem>>
      %dma_wait3A_107 = tpu.memref_squeeze %dma_wait3A_106 : memref<1x640xf32, #tpu.memory_space<vmem>> -> memref<640xf32, #tpu.memory_space<vmem>>
      %dma_wait3A_108 = tpu.memref_slice %arg11[%add3A_25] : memref<163840xf32, #tpu.memory_space<vmem_shared>> -> memref<640xf32, #tpu.memory_space<vmem_shared>>
      tpu.wait_dma2 semaphore(%run_scoped3A_94 : memref<!tpu.dma_semaphore, #tpu.memory_space<semaphore_mem>>) src(%dma_wait3A_108 : memref<640xf32, #tpu.memory_space<vmem_shared>>) dst(%dma_wait3A_107 : memref<640xf32, #tpu.memory_space<vmem>>)
      tpu.yield
    }) : () -> ()
    %mul3A_27 = arith.constant 640 : i32
    %mul3A_28 = arith.muli %arg1, %mul3A_27 : i32
    %add3A_29 = arith.constant 40960 : i32
    %add3A_30 = arith.addi %add3A_29, %mul3A_28 : i32
    %run_scoped3A_31 = arith.constant 4 : i32
    "tpu.region"() ({
      %run_scoped3A_94 = tpu.sem_alloc : memref<!tpu.dma_semaphore, #tpu.memory_space<semaphore_mem>>
      %dma_start3A = arith.constant 0 : i32
      %dma_start3A_95 = tpu.memref_slice %arg9[%run_scoped3A_31, %dma_start3A] : memref<16x640xf32, #tpu.memory_space<vmem>> -> memref<1x640xf32, #tpu.memory_space<vmem>>
      %dma_start3A_96 = tpu.memref_squeeze %dma_start3A_95 : memref<1x640xf32, #tpu.memory_space<vmem>> -> memref<640xf32, #tpu.memory_space<vmem>>
      %dma_start3A_97 = tpu.memref_slice %arg11[%add3A_30] : memref<163840xf32, #tpu.memory_space<vmem_shared>> -> memref<640xf32, #tpu.memory_space<vmem_shared>>
      %dma_start3A_98 = arith.constant 0 : i32
      %dma_start3A_99 = tpu.memref_slice %arg9[%run_scoped3A_31, %dma_start3A_98] : memref<16x640xf32, #tpu.memory_space<vmem>> -> memref<1x640xf32, #tpu.memory_space<vmem>>
      %dma_start3A_100 = tpu.memref_squeeze %dma_start3A_99 : memref<1x640xf32, #tpu.memory_space<vmem>> -> memref<640xf32, #tpu.memory_space<vmem>>
      %dma_start3A_101 = tpu.memref_slice %arg11[%add3A_30] : memref<163840xf32, #tpu.memory_space<vmem_shared>> -> memref<640xf32, #tpu.memory_space<vmem_shared>>
      tpu.enqueue_dma source(%dma_start3A_101 : memref<640xf32, #tpu.memory_space<vmem_shared>>) target(%dma_start3A_100 : memref<640xf32, #tpu.memory_space<vmem>>) target_semaphore(%run_scoped3A_94 : memref<!tpu.dma_semaphore, #tpu.memory_space<semaphore_mem>>)
      %dma_wait3A = arith.constant 0 : i32
      %dma_wait3A_102 = tpu.memref_slice %arg9[%run_scoped3A_31, %dma_wait3A] : memref<16x640xf32, #tpu.memory_space<vmem>> -> memref<1x640xf32, #tpu.memory_space<vmem>>
      %dma_wait3A_103 = tpu.memref_squeeze %dma_wait3A_102 : memref<1x640xf32, #tpu.memory_space<vmem>> -> memref<640xf32, #tpu.memory_space<vmem>>
      %dma_wait3A_104 = tpu.memref_slice %arg11[%add3A_30] : memref<163840xf32, #tpu.memory_space<vmem_shared>> -> memref<640xf32, #tpu.memory_space<vmem_shared>>
      %dma_wait3A_105 = arith.constant 0 : i32
      %dma_wait3A_106 = tpu.memref_slice %arg9[%run_scoped3A_31, %dma_wait3A_105] : memref<16x640xf32, #tpu.memory_space<vmem>> -> memref<1x640xf32, #tpu.memory_space<vmem>>
      %dma_wait3A_107 = tpu.memref_squeeze %dma_wait3A_106 : memref<1x640xf32, #tpu.memory_space<vmem>> -> memref<640xf32, #tpu.memory_space<vmem>>
      %dma_wait3A_108 = tpu.memref_slice %arg11[%add3A_30] : memref<163840xf32, #tpu.memory_space<vmem_shared>> -> memref<640xf32, #tpu.memory_space<vmem_shared>>
      tpu.wait_dma2 semaphore(%run_scoped3A_94 : memref<!tpu.dma_semaphore, #tpu.memory_space<semaphore_mem>>) src(%dma_wait3A_108 : memref<640xf32, #tpu.memory_space<vmem_shared>>) dst(%dma_wait3A_107 : memref<640xf32, #tpu.memory_space<vmem>>)
      tpu.yield
    }) : () -> ()
    %mul3A_32 = arith.constant 640 : i32
    %mul3A_33 = arith.muli %arg1, %mul3A_32 : i32
    %add3A_34 = arith.constant 51200 : i32
    %add3A_35 = arith.addi %add3A_34, %mul3A_33 : i32
    %run_scoped3A_36 = arith.constant 5 : i32
    "tpu.region"() ({
      %run_scoped3A_94 = tpu.sem_alloc : memref<!tpu.dma_semaphore, #tpu.memory_space<semaphore_mem>>
      %dma_start3A = arith.constant 0 : i32
      %dma_start3A_95 = tpu.memref_slice %arg9[%run_scoped3A_36, %dma_start3A] : memref<16x640xf32, #tpu.memory_space<vmem>> -> memref<1x640xf32, #tpu.memory_space<vmem>>
      %dma_start3A_96 = tpu.memref_squeeze %dma_start3A_95 : memref<1x640xf32, #tpu.memory_space<vmem>> -> memref<640xf32, #tpu.memory_space<vmem>>
      %dma_start3A_97 = tpu.memref_slice %arg11[%add3A_35] : memref<163840xf32, #tpu.memory_space<vmem_shared>> -> memref<640xf32, #tpu.memory_space<vmem_shared>>
      %dma_start3A_98 = arith.constant 0 : i32
      %dma_start3A_99 = tpu.memref_slice %arg9[%run_scoped3A_36, %dma_start3A_98] : memref<16x640xf32, #tpu.memory_space<vmem>> -> memref<1x640xf32, #tpu.memory_space<vmem>>
      %dma_start3A_100 = tpu.memref_squeeze %dma_start3A_99 : memref<1x640xf32, #tpu.memory_space<vmem>> -> memref<640xf32, #tpu.memory_space<vmem>>
      %dma_start3A_101 = tpu.memref_slice %arg11[%add3A_35] : memref<163840xf32, #tpu.memory_space<vmem_shared>> -> memref<640xf32, #tpu.memory_space<vmem_shared>>
      tpu.enqueue_dma source(%dma_start3A_101 : memref<640xf32, #tpu.memory_space<vmem_shared>>) target(%dma_start3A_100 : memref<640xf32, #tpu.memory_space<vmem>>) target_semaphore(%run_scoped3A_94 : memref<!tpu.dma_semaphore, #tpu.memory_space<semaphore_mem>>)
      %dma_wait3A = arith.constant 0 : i32
      %dma_wait3A_102 = tpu.memref_slice %arg9[%run_scoped3A_36, %dma_wait3A] : memref<16x640xf32, #tpu.memory_space<vmem>> -> memref<1x640xf32, #tpu.memory_space<vmem>>
      %dma_wait3A_103 = tpu.memref_squeeze %dma_wait3A_102 : memref<1x640xf32, #tpu.memory_space<vmem>> -> memref<640xf32, #tpu.memory_space<vmem>>
      %dma_wait3A_104 = tpu.memref_slice %arg11[%add3A_35] : memref<163840xf32, #tpu.memory_space<vmem_shared>> -> memref<640xf32, #tpu.memory_space<vmem_shared>>
      %dma_wait3A_105 = arith.constant 0 : i32
      %dma_wait3A_106 = tpu.memref_slice %arg9[%run_scoped3A_36, %dma_wait3A_105] : memref<16x640xf32, #tpu.memory_space<vmem>> -> memref<1x640xf32, #tpu.memory_space<vmem>>
      %dma_wait3A_107 = tpu.memref_squeeze %dma_wait3A_106 : memref<1x640xf32, #tpu.memory_space<vmem>> -> memref<640xf32, #tpu.memory_space<vmem>>
      %dma_wait3A_108 = tpu.memref_slice %arg11[%add3A_35] : memref<163840xf32, #tpu.memory_space<vmem_shared>> -> memref<640xf32, #tpu.memory_space<vmem_shared>>
      tpu.wait_dma2 semaphore(%run_scoped3A_94 : memref<!tpu.dma_semaphore, #tpu.memory_space<semaphore_mem>>) src(%dma_wait3A_108 : memref<640xf32, #tpu.memory_space<vmem_shared>>) dst(%dma_wait3A_107 : memref<640xf32, #tpu.memory_space<vmem>>)
      tpu.yield
    }) : () -> ()
    %mul3A_37 = arith.constant 640 : i32
    %mul3A_38 = arith.muli %arg1, %mul3A_37 : i32
    %add3A_39 = arith.constant 61440 : i32
    %add3A_40 = arith.addi %add3A_39, %mul3A_38 : i32
    %run_scoped3A_41 = arith.constant 6 : i32
    "tpu.region"() ({
      %run_scoped3A_94 = tpu.sem_alloc : memref<!tpu.dma_semaphore, #tpu.memory_space<semaphore_mem>>
      %dma_start3A = arith.constant 0 : i32
      %dma_start3A_95 = tpu.memref_slice %arg9[%run_scoped3A_41, %dma_start3A] : memref<16x640xf32, #tpu.memory_space<vmem>> -> memref<1x640xf32, #tpu.memory_space<vmem>>
      %dma_start3A_96 = tpu.memref_squeeze %dma_start3A_95 : memref<1x640xf32, #tpu.memory_space<vmem>> -> memref<640xf32, #tpu.memory_space<vmem>>
      %dma_start3A_97 = tpu.memref_slice %arg11[%add3A_40] : memref<163840xf32, #tpu.memory_space<vmem_shared>> -> memref<640xf32, #tpu.memory_space<vmem_shared>>
      %dma_start3A_98 = arith.constant 0 : i32
      %dma_start3A_99 = tpu.memref_slice %arg9[%run_scoped3A_41, %dma_start3A_98] : memref<16x640xf32, #tpu.memory_space<vmem>> -> memref<1x640xf32, #tpu.memory_space<vmem>>
      %dma_start3A_100 = tpu.memref_squeeze %dma_start3A_99 : memref<1x640xf32, #tpu.memory_space<vmem>> -> memref<640xf32, #tpu.memory_space<vmem>>
      %dma_start3A_101 = tpu.memref_slice %arg11[%add3A_40] : memref<163840xf32, #tpu.memory_space<vmem_shared>> -> memref<640xf32, #tpu.memory_space<vmem_shared>>
      tpu.enqueue_dma source(%dma_start3A_101 : memref<640xf32, #tpu.memory_space<vmem_shared>>) target(%dma_start3A_100 : memref<640xf32, #tpu.memory_space<vmem>>) target_semaphore(%run_scoped3A_94 : memref<!tpu.dma_semaphore, #tpu.memory_space<semaphore_mem>>)
      %dma_wait3A = arith.constant 0 : i32
      %dma_wait3A_102 = tpu.memref_slice %arg9[%run_scoped3A_41, %dma_wait3A] : memref<16x640xf32, #tpu.memory_space<vmem>> -> memref<1x640xf32, #tpu.memory_space<vmem>>
      %dma_wait3A_103 = tpu.memref_squeeze %dma_wait3A_102 : memref<1x640xf32, #tpu.memory_space<vmem>> -> memref<640xf32, #tpu.memory_space<vmem>>
      %dma_wait3A_104 = tpu.memref_slice %arg11[%add3A_40] : memref<163840xf32, #tpu.memory_space<vmem_shared>> -> memref<640xf32, #tpu.memory_space<vmem_shared>>
      %dma_wait3A_105 = arith.constant 0 : i32
      %dma_wait3A_106 = tpu.memref_slice %arg9[%run_scoped3A_41, %dma_wait3A_105] : memref<16x640xf32, #tpu.memory_space<vmem>> -> memref<1x640xf32, #tpu.memory_space<vmem>>
      %dma_wait3A_107 = tpu.memref_squeeze %dma_wait3A_106 : memref<1x640xf32, #tpu.memory_space<vmem>> -> memref<640xf32, #tpu.memory_space<vmem>>
      %dma_wait3A_108 = tpu.memref_slice %arg11[%add3A_40] : memref<163840xf32, #tpu.memory_space<vmem_shared>> -> memref<640xf32, #tpu.memory_space<vmem_shared>>
      tpu.wait_dma2 semaphore(%run_scoped3A_94 : memref<!tpu.dma_semaphore, #tpu.memory_space<semaphore_mem>>) src(%dma_wait3A_108 : memref<640xf32, #tpu.memory_space<vmem_shared>>) dst(%dma_wait3A_107 : memref<640xf32, #tpu.memory_space<vmem>>)
      tpu.yield
    }) : () -> ()
    %mul3A_42 = arith.constant 640 : i32
    %mul3A_43 = arith.muli %arg1, %mul3A_42 : i32
    %add3A_44 = arith.constant 71680 : i32
    %add3A_45 = arith.addi %add3A_44, %mul3A_43 : i32
    %run_scoped3A_46 = arith.constant 7 : i32
    "tpu.region"() ({
      %run_scoped3A_94 = tpu.sem_alloc : memref<!tpu.dma_semaphore, #tpu.memory_space<semaphore_mem>>
      %dma_start3A = arith.constant 0 : i32
      %dma_start3A_95 = tpu.memref_slice %arg9[%run_scoped3A_46, %dma_start3A] : memref<16x640xf32, #tpu.memory_space<vmem>> -> memref<1x640xf32, #tpu.memory_space<vmem>>
      %dma_start3A_96 = tpu.memref_squeeze %dma_start3A_95 : memref<1x640xf32, #tpu.memory_space<vmem>> -> memref<640xf32, #tpu.memory_space<vmem>>
      %dma_start3A_97 = tpu.memref_slice %arg11[%add3A_45] : memref<163840xf32, #tpu.memory_space<vmem_shared>> -> memref<640xf32, #tpu.memory_space<vmem_shared>>
      %dma_start3A_98 = arith.constant 0 : i32
      %dma_start3A_99 = tpu.memref_slice %arg9[%run_scoped3A_46, %dma_start3A_98] : memref<16x640xf32, #tpu.memory_space<vmem>> -> memref<1x640xf32, #tpu.memory_space<vmem>>
      %dma_start3A_100 = tpu.memref_squeeze %dma_start3A_99 : memref<1x640xf32, #tpu.memory_space<vmem>> -> memref<640xf32, #tpu.memory_space<vmem>>
      %dma_start3A_101 = tpu.memref_slice %arg11[%add3A_45] : memref<163840xf32, #tpu.memory_space<vmem_shared>> -> memref<640xf32, #tpu.memory_space<vmem_shared>>
      tpu.enqueue_dma source(%dma_start3A_101 : memref<640xf32, #tpu.memory_space<vmem_shared>>) target(%dma_start3A_100 : memref<640xf32, #tpu.memory_space<vmem>>) target_semaphore(%run_scoped3A_94 : memref<!tpu.dma_semaphore, #tpu.memory_space<semaphore_mem>>)
      %dma_wait3A = arith.constant 0 : i32
      %dma_wait3A_102 = tpu.memref_slice %arg9[%run_scoped3A_46, %dma_wait3A] : memref<16x640xf32, #tpu.memory_space<vmem>> -> memref<1x640xf32, #tpu.memory_space<vmem>>
      %dma_wait3A_103 = tpu.memref_squeeze %dma_wait3A_102 : memref<1x640xf32, #tpu.memory_space<vmem>> -> memref<640xf32, #tpu.memory_space<vmem>>
      %dma_wait3A_104 = tpu.memref_slice %arg11[%add3A_45] : memref<163840xf32, #tpu.memory_space<vmem_shared>> -> memref<640xf32, #tpu.memory_space<vmem_shared>>
      %dma_wait3A_105 = arith.constant 0 : i32
      %dma_wait3A_106 = tpu.memref_slice %arg9[%run_scoped3A_46, %dma_wait3A_105] : memref<16x640xf32, #tpu.memory_space<vmem>> -> memref<1x640xf32, #tpu.memory_space<vmem>>
      %dma_wait3A_107 = tpu.memref_squeeze %dma_wait3A_106 : memref<1x640xf32, #tpu.memory_space<vmem>> -> memref<640xf32, #tpu.memory_space<vmem>>
      %dma_wait3A_108 = tpu.memref_slice %arg11[%add3A_45] : memref<163840xf32, #tpu.memory_space<vmem_shared>> -> memref<640xf32, #tpu.memory_space<vmem_shared>>
      tpu.wait_dma2 semaphore(%run_scoped3A_94 : memref<!tpu.dma_semaphore, #tpu.memory_space<semaphore_mem>>) src(%dma_wait3A_108 : memref<640xf32, #tpu.memory_space<vmem_shared>>) dst(%dma_wait3A_107 : memref<640xf32, #tpu.memory_space<vmem>>)
      tpu.yield
    }) : () -> ()
    %mul3A_47 = arith.constant 640 : i32
    %mul3A_48 = arith.muli %arg1, %mul3A_47 : i32
    %add3A_49 = arith.constant 81920 : i32
    %add3A_50 = arith.addi %add3A_49, %mul3A_48 : i32
    %run_scoped3A_51 = arith.constant 8 : i32
    "tpu.region"() ({
      %run_scoped3A_94 = tpu.sem_alloc : memref<!tpu.dma_semaphore, #tpu.memory_space<semaphore_mem>>
      %dma_start3A = arith.constant 0 : i32
      %dma_start3A_95 = tpu.memref_slice %arg9[%run_scoped3A_51, %dma_start3A] : memref<16x640xf32, #tpu.memory_space<vmem>> -> memref<1x640xf32, #tpu.memory_space<vmem>>
      %dma_start3A_96 = tpu.memref_squeeze %dma_start3A_95 : memref<1x640xf32, #tpu.memory_space<vmem>> -> memref<640xf32, #tpu.memory_space<vmem>>
      %dma_start3A_97 = tpu.memref_slice %arg11[%add3A_50] : memref<163840xf32, #tpu.memory_space<vmem_shared>> -> memref<640xf32, #tpu.memory_space<vmem_shared>>
      %dma_start3A_98 = arith.constant 0 : i32
      %dma_start3A_99 = tpu.memref_slice %arg9[%run_scoped3A_51, %dma_start3A_98] : memref<16x640xf32, #tpu.memory_space<vmem>> -> memref<1x640xf32, #tpu.memory_space<vmem>>
      %dma_start3A_100 = tpu.memref_squeeze %dma_start3A_99 : memref<1x640xf32, #tpu.memory_space<vmem>> -> memref<640xf32, #tpu.memory_space<vmem>>
      %dma_start3A_101 = tpu.memref_slice %arg11[%add3A_50] : memref<163840xf32, #tpu.memory_space<vmem_shared>> -> memref<640xf32, #tpu.memory_space<vmem_shared>>
      tpu.enqueue_dma source(%dma_start3A_101 : memref<640xf32, #tpu.memory_space<vmem_shared>>) target(%dma_start3A_100 : memref<640xf32, #tpu.memory_space<vmem>>) target_semaphore(%run_scoped3A_94 : memref<!tpu.dma_semaphore, #tpu.memory_space<semaphore_mem>>)
      %dma_wait3A = arith.constant 0 : i32
      %dma_wait3A_102 = tpu.memref_slice %arg9[%run_scoped3A_51, %dma_wait3A] : memref<16x640xf32, #tpu.memory_space<vmem>> -> memref<1x640xf32, #tpu.memory_space<vmem>>
      %dma_wait3A_103 = tpu.memref_squeeze %dma_wait3A_102 : memref<1x640xf32, #tpu.memory_space<vmem>> -> memref<640xf32, #tpu.memory_space<vmem>>
      %dma_wait3A_104 = tpu.memref_slice %arg11[%add3A_50] : memref<163840xf32, #tpu.memory_space<vmem_shared>> -> memref<640xf32, #tpu.memory_space<vmem_shared>>
      %dma_wait3A_105 = arith.constant 0 : i32
      %dma_wait3A_106 = tpu.memref_slice %arg9[%run_scoped3A_51, %dma_wait3A_105] : memref<16x640xf32, #tpu.memory_space<vmem>> -> memref<1x640xf32, #tpu.memory_space<vmem>>
      %dma_wait3A_107 = tpu.memref_squeeze %dma_wait3A_106 : memref<1x640xf32, #tpu.memory_space<vmem>> -> memref<640xf32, #tpu.memory_space<vmem>>
      %dma_wait3A_108 = tpu.memref_slice %arg11[%add3A_50] : memref<163840xf32, #tpu.memory_space<vmem_shared>> -> memref<640xf32, #tpu.memory_space<vmem_shared>>
      tpu.wait_dma2 semaphore(%run_scoped3A_94 : memref<!tpu.dma_semaphore, #tpu.memory_space<semaphore_mem>>) src(%dma_wait3A_108 : memref<640xf32, #tpu.memory_space<vmem_shared>>) dst(%dma_wait3A_107 : memref<640xf32, #tpu.memory_space<vmem>>)
      tpu.yield
    }) : () -> ()
    %mul3A_52 = arith.constant 640 : i32
    %mul3A_53 = arith.muli %arg1, %mul3A_52 : i32
    %add3A_54 = arith.constant 92160 : i32
    %add3A_55 = arith.addi %add3A_54, %mul3A_53 : i32
    %run_scoped3A_56 = arith.constant 9 : i32
    "tpu.region"() ({
      %run_scoped3A_94 = tpu.sem_alloc : memref<!tpu.dma_semaphore, #tpu.memory_space<semaphore_mem>>
      %dma_start3A = arith.constant 0 : i32
      %dma_start3A_95 = tpu.memref_slice %arg9[%run_scoped3A_56, %dma_start3A] : memref<16x640xf32, #tpu.memory_space<vmem>> -> memref<1x640xf32, #tpu.memory_space<vmem>>
      %dma_start3A_96 = tpu.memref_squeeze %dma_start3A_95 : memref<1x640xf32, #tpu.memory_space<vmem>> -> memref<640xf32, #tpu.memory_space<vmem>>
      %dma_start3A_97 = tpu.memref_slice %arg11[%add3A_55] : memref<163840xf32, #tpu.memory_space<vmem_shared>> -> memref<640xf32, #tpu.memory_space<vmem_shared>>
      %dma_start3A_98 = arith.constant 0 : i32
      %dma_start3A_99 = tpu.memref_slice %arg9[%run_scoped3A_56, %dma_start3A_98] : memref<16x640xf32, #tpu.memory_space<vmem>> -> memref<1x640xf32, #tpu.memory_space<vmem>>
      %dma_start3A_100 = tpu.memref_squeeze %dma_start3A_99 : memref<1x640xf32, #tpu.memory_space<vmem>> -> memref<640xf32, #tpu.memory_space<vmem>>
      %dma_start3A_101 = tpu.memref_slice %arg11[%add3A_55] : memref<163840xf32, #tpu.memory_space<vmem_shared>> -> memref<640xf32, #tpu.memory_space<vmem_shared>>
      tpu.enqueue_dma source(%dma_start3A_101 : memref<640xf32, #tpu.memory_space<vmem_shared>>) target(%dma_start3A_100 : memref<640xf32, #tpu.memory_space<vmem>>) target_semaphore(%run_scoped3A_94 : memref<!tpu.dma_semaphore, #tpu.memory_space<semaphore_mem>>)
      %dma_wait3A = arith.constant 0 : i32
      %dma_wait3A_102 = tpu.memref_slice %arg9[%run_scoped3A_56, %dma_wait3A] : memref<16x640xf32, #tpu.memory_space<vmem>> -> memref<1x640xf32, #tpu.memory_space<vmem>>
      %dma_wait3A_103 = tpu.memref_squeeze %dma_wait3A_102 : memref<1x640xf32, #tpu.memory_space<vmem>> -> memref<640xf32, #tpu.memory_space<vmem>>
      %dma_wait3A_104 = tpu.memref_slice %arg11[%add3A_55] : memref<163840xf32, #tpu.memory_space<vmem_shared>> -> memref<640xf32, #tpu.memory_space<vmem_shared>>
      %dma_wait3A_105 = arith.constant 0 : i32
      %dma_wait3A_106 = tpu.memref_slice %arg9[%run_scoped3A_56, %dma_wait3A_105] : memref<16x640xf32, #tpu.memory_space<vmem>> -> memref<1x640xf32, #tpu.memory_space<vmem>>
      %dma_wait3A_107 = tpu.memref_squeeze %dma_wait3A_106 : memref<1x640xf32, #tpu.memory_space<vmem>> -> memref<640xf32, #tpu.memory_space<vmem>>
      %dma_wait3A_108 = tpu.memref_slice %arg11[%add3A_55] : memref<163840xf32, #tpu.memory_space<vmem_shared>> -> memref<640xf32, #tpu.memory_space<vmem_shared>>
      tpu.wait_dma2 semaphore(%run_scoped3A_94 : memref<!tpu.dma_semaphore, #tpu.memory_space<semaphore_mem>>) src(%dma_wait3A_108 : memref<640xf32, #tpu.memory_space<vmem_shared>>) dst(%dma_wait3A_107 : memref<640xf32, #tpu.memory_space<vmem>>)
      tpu.yield
    }) : () -> ()
    %mul3A_57 = arith.constant 640 : i32
    %mul3A_58 = arith.muli %arg1, %mul3A_57 : i32
    %add3A_59 = arith.constant 102400 : i32
    %add3A_60 = arith.addi %add3A_59, %mul3A_58 : i32
    %run_scoped3A_61 = arith.constant 10 : i32
    "tpu.region"() ({
      %run_scoped3A_94 = tpu.sem_alloc : memref<!tpu.dma_semaphore, #tpu.memory_space<semaphore_mem>>
      %dma_start3A = arith.constant 0 : i32
      %dma_start3A_95 = tpu.memref_slice %arg9[%run_scoped3A_61, %dma_start3A] : memref<16x640xf32, #tpu.memory_space<vmem>> -> memref<1x640xf32, #tpu.memory_space<vmem>>
      %dma_start3A_96 = tpu.memref_squeeze %dma_start3A_95 : memref<1x640xf32, #tpu.memory_space<vmem>> -> memref<640xf32, #tpu.memory_space<vmem>>
      %dma_start3A_97 = tpu.memref_slice %arg11[%add3A_60] : memref<163840xf32, #tpu.memory_space<vmem_shared>> -> memref<640xf32, #tpu.memory_space<vmem_shared>>
      %dma_start3A_98 = arith.constant 0 : i32
      %dma_start3A_99 = tpu.memref_slice %arg9[%run_scoped3A_61, %dma_start3A_98] : memref<16x640xf32, #tpu.memory_space<vmem>> -> memref<1x640xf32, #tpu.memory_space<vmem>>
      %dma_start3A_100 = tpu.memref_squeeze %dma_start3A_99 : memref<1x640xf32, #tpu.memory_space<vmem>> -> memref<640xf32, #tpu.memory_space<vmem>>
      %dma_start3A_101 = tpu.memref_slice %arg11[%add3A_60] : memref<163840xf32, #tpu.memory_space<vmem_shared>> -> memref<640xf32, #tpu.memory_space<vmem_shared>>
      tpu.enqueue_dma source(%dma_start3A_101 : memref<640xf32, #tpu.memory_space<vmem_shared>>) target(%dma_start3A_100 : memref<640xf32, #tpu.memory_space<vmem>>) target_semaphore(%run_scoped3A_94 : memref<!tpu.dma_semaphore, #tpu.memory_space<semaphore_mem>>)
      %dma_wait3A = arith.constant 0 : i32
      %dma_wait3A_102 = tpu.memref_slice %arg9[%run_scoped3A_61, %dma_wait3A] : memref<16x640xf32, #tpu.memory_space<vmem>> -> memref<1x640xf32, #tpu.memory_space<vmem>>
      %dma_wait3A_103 = tpu.memref_squeeze %dma_wait3A_102 : memref<1x640xf32, #tpu.memory_space<vmem>> -> memref<640xf32, #tpu.memory_space<vmem>>
      %dma_wait3A_104 = tpu.memref_slice %arg11[%add3A_60] : memref<163840xf32, #tpu.memory_space<vmem_shared>> -> memref<640xf32, #tpu.memory_space<vmem_shared>>
      %dma_wait3A_105 = arith.constant 0 : i32
      %dma_wait3A_106 = tpu.memref_slice %arg9[%run_scoped3A_61, %dma_wait3A_105] : memref<16x640xf32, #tpu.memory_space<vmem>> -> memref<1x640xf32, #tpu.memory_space<vmem>>
      %dma_wait3A_107 = tpu.memref_squeeze %dma_wait3A_106 : memref<1x640xf32, #tpu.memory_space<vmem>> -> memref<640xf32, #tpu.memory_space<vmem>>
      %dma_wait3A_108 = tpu.memref_slice %arg11[%add3A_60] : memref<163840xf32, #tpu.memory_space<vmem_shared>> -> memref<640xf32, #tpu.memory_space<vmem_shared>>
      tpu.wait_dma2 semaphore(%run_scoped3A_94 : memref<!tpu.dma_semaphore, #tpu.memory_space<semaphore_mem>>) src(%dma_wait3A_108 : memref<640xf32, #tpu.memory_space<vmem_shared>>) dst(%dma_wait3A_107 : memref<640xf32, #tpu.memory_space<vmem>>)
      tpu.yield
    }) : () -> ()
    %mul3A_62 = arith.constant 640 : i32
    %mul3A_63 = arith.muli %arg1, %mul3A_62 : i32
    %add3A_64 = arith.constant 112640 : i32
    %add3A_65 = arith.addi %add3A_64, %mul3A_63 : i32
    %run_scoped3A_66 = arith.constant 11 : i32
    "tpu.region"() ({
      %run_scoped3A_94 = tpu.sem_alloc : memref<!tpu.dma_semaphore, #tpu.memory_space<semaphore_mem>>
      %dma_start3A = arith.constant 0 : i32
      %dma_start3A_95 = tpu.memref_slice %arg9[%run_scoped3A_66, %dma_start3A] : memref<16x640xf32, #tpu.memory_space<vmem>> -> memref<1x640xf32, #tpu.memory_space<vmem>>
      %dma_start3A_96 = tpu.memref_squeeze %dma_start3A_95 : memref<1x640xf32, #tpu.memory_space<vmem>> -> memref<640xf32, #tpu.memory_space<vmem>>
      %dma_start3A_97 = tpu.memref_slice %arg11[%add3A_65] : memref<163840xf32, #tpu.memory_space<vmem_shared>> -> memref<640xf32, #tpu.memory_space<vmem_shared>>
      %dma_start3A_98 = arith.constant 0 : i32
      %dma_start3A_99 = tpu.memref_slice %arg9[%run_scoped3A_66, %dma_start3A_98] : memref<16x640xf32, #tpu.memory_space<vmem>> -> memref<1x640xf32, #tpu.memory_space<vmem>>
      %dma_start3A_100 = tpu.memref_squeeze %dma_start3A_99 : memref<1x640xf32, #tpu.memory_space<vmem>> -> memref<640xf32, #tpu.memory_space<vmem>>
      %dma_start3A_101 = tpu.memref_slice %arg11[%add3A_65] : memref<163840xf32, #tpu.memory_space<vmem_shared>> -> memref<640xf32, #tpu.memory_space<vmem_shared>>
      tpu.enqueue_dma source(%dma_start3A_101 : memref<640xf32, #tpu.memory_space<vmem_shared>>) target(%dma_start3A_100 : memref<640xf32, #tpu.memory_space<vmem>>) target_semaphore(%run_scoped3A_94 : memref<!tpu.dma_semaphore, #tpu.memory_space<semaphore_mem>>)
      %dma_wait3A = arith.constant 0 : i32
      %dma_wait3A_102 = tpu.memref_slice %arg9[%run_scoped3A_66, %dma_wait3A] : memref<16x640xf32, #tpu.memory_space<vmem>> -> memref<1x640xf32, #tpu.memory_space<vmem>>
      %dma_wait3A_103 = tpu.memref_squeeze %dma_wait3A_102 : memref<1x640xf32, #tpu.memory_space<vmem>> -> memref<640xf32, #tpu.memory_space<vmem>>
      %dma_wait3A_104 = tpu.memref_slice %arg11[%add3A_65] : memref<163840xf32, #tpu.memory_space<vmem_shared>> -> memref<640xf32, #tpu.memory_space<vmem_shared>>
      %dma_wait3A_105 = arith.constant 0 : i32
      %dma_wait3A_106 = tpu.memref_slice %arg9[%run_scoped3A_66, %dma_wait3A_105] : memref<16x640xf32, #tpu.memory_space<vmem>> -> memref<1x640xf32, #tpu.memory_space<vmem>>
      %dma_wait3A_107 = tpu.memref_squeeze %dma_wait3A_106 : memref<1x640xf32, #tpu.memory_space<vmem>> -> memref<640xf32, #tpu.memory_space<vmem>>
      %dma_wait3A_108 = tpu.memref_slice %arg11[%add3A_65] : memref<163840xf32, #tpu.memory_space<vmem_shared>> -> memref<640xf32, #tpu.memory_space<vmem_shared>>
      tpu.wait_dma2 semaphore(%run_scoped3A_94 : memref<!tpu.dma_semaphore, #tpu.memory_space<semaphore_mem>>) src(%dma_wait3A_108 : memref<640xf32, #tpu.memory_space<vmem_shared>>) dst(%dma_wait3A_107 : memref<640xf32, #tpu.memory_space<vmem>>)
      tpu.yield
    }) : () -> ()
    %mul3A_67 = arith.constant 640 : i32
    %mul3A_68 = arith.muli %arg1, %mul3A_67 : i32
    %add3A_69 = arith.constant 122880 : i32
    %add3A_70 = arith.addi %add3A_69, %mul3A_68 : i32
    %run_scoped3A_71 = arith.constant 12 : i32
    "tpu.region"() ({
      %run_scoped3A_94 = tpu.sem_alloc : memref<!tpu.dma_semaphore, #tpu.memory_space<semaphore_mem>>
      %dma_start3A = arith.constant 0 : i32
      %dma_start3A_95 = tpu.memref_slice %arg9[%run_scoped3A_71, %dma_start3A] : memref<16x640xf32, #tpu.memory_space<vmem>> -> memref<1x640xf32, #tpu.memory_space<vmem>>
      %dma_start3A_96 = tpu.memref_squeeze %dma_start3A_95 : memref<1x640xf32, #tpu.memory_space<vmem>> -> memref<640xf32, #tpu.memory_space<vmem>>
      %dma_start3A_97 = tpu.memref_slice %arg11[%add3A_70] : memref<163840xf32, #tpu.memory_space<vmem_shared>> -> memref<640xf32, #tpu.memory_space<vmem_shared>>
      %dma_start3A_98 = arith.constant 0 : i32
      %dma_start3A_99 = tpu.memref_slice %arg9[%run_scoped3A_71, %dma_start3A_98] : memref<16x640xf32, #tpu.memory_space<vmem>> -> memref<1x640xf32, #tpu.memory_space<vmem>>
      %dma_start3A_100 = tpu.memref_squeeze %dma_start3A_99 : memref<1x640xf32, #tpu.memory_space<vmem>> -> memref<640xf32, #tpu.memory_space<vmem>>
      %dma_start3A_101 = tpu.memref_slice %arg11[%add3A_70] : memref<163840xf32, #tpu.memory_space<vmem_shared>> -> memref<640xf32, #tpu.memory_space<vmem_shared>>
      tpu.enqueue_dma source(%dma_start3A_101 : memref<640xf32, #tpu.memory_space<vmem_shared>>) target(%dma_start3A_100 : memref<640xf32, #tpu.memory_space<vmem>>) target_semaphore(%run_scoped3A_94 : memref<!tpu.dma_semaphore, #tpu.memory_space<semaphore_mem>>)
      %dma_wait3A = arith.constant 0 : i32
      %dma_wait3A_102 = tpu.memref_slice %arg9[%run_scoped3A_71, %dma_wait3A] : memref<16x640xf32, #tpu.memory_space<vmem>> -> memref<1x640xf32, #tpu.memory_space<vmem>>
      %dma_wait3A_103 = tpu.memref_squeeze %dma_wait3A_102 : memref<1x640xf32, #tpu.memory_space<vmem>> -> memref<640xf32, #tpu.memory_space<vmem>>
      %dma_wait3A_104 = tpu.memref_slice %arg11[%add3A_70] : memref<163840xf32, #tpu.memory_space<vmem_shared>> -> memref<640xf32, #tpu.memory_space<vmem_shared>>
      %dma_wait3A_105 = arith.constant 0 : i32
      %dma_wait3A_106 = tpu.memref_slice %arg9[%run_scoped3A_71, %dma_wait3A_105] : memref<16x640xf32, #tpu.memory_space<vmem>> -> memref<1x640xf32, #tpu.memory_space<vmem>>
      %dma_wait3A_107 = tpu.memref_squeeze %dma_wait3A_106 : memref<1x640xf32, #tpu.memory_space<vmem>> -> memref<640xf32, #tpu.memory_space<vmem>>
      %dma_wait3A_108 = tpu.memref_slice %arg11[%add3A_70] : memref<163840xf32, #tpu.memory_space<vmem_shared>> -> memref<640xf32, #tpu.memory_space<vmem_shared>>
      tpu.wait_dma2 semaphore(%run_scoped3A_94 : memref<!tpu.dma_semaphore, #tpu.memory_space<semaphore_mem>>) src(%dma_wait3A_108 : memref<640xf32, #tpu.memory_space<vmem_shared>>) dst(%dma_wait3A_107 : memref<640xf32, #tpu.memory_space<vmem>>)
      tpu.yield
    }) : () -> ()
    %mul3A_72 = arith.constant 640 : i32
    %mul3A_73 = arith.muli %arg1, %mul3A_72 : i32
    %add3A_74 = arith.constant 133120 : i32
    %add3A_75 = arith.addi %add3A_74, %mul3A_73 : i32
    %run_scoped3A_76 = arith.constant 13 : i32
    "tpu.region"() ({
      %run_scoped3A_94 = tpu.sem_alloc : memref<!tpu.dma_semaphore, #tpu.memory_space<semaphore_mem>>
      %dma_start3A = arith.constant 0 : i32
      %dma_start3A_95 = tpu.memref_slice %arg9[%run_scoped3A_76, %dma_start3A] : memref<16x640xf32, #tpu.memory_space<vmem>> -> memref<1x640xf32, #tpu.memory_space<vmem>>
      %dma_start3A_96 = tpu.memref_squeeze %dma_start3A_95 : memref<1x640xf32, #tpu.memory_space<vmem>> -> memref<640xf32, #tpu.memory_space<vmem>>
      %dma_start3A_97 = tpu.memref_slice %arg11[%add3A_75] : memref<163840xf32, #tpu.memory_space<vmem_shared>> -> memref<640xf32, #tpu.memory_space<vmem_shared>>
      %dma_start3A_98 = arith.constant 0 : i32
      %dma_start3A_99 = tpu.memref_slice %arg9[%run_scoped3A_76, %dma_start3A_98] : memref<16x640xf32, #tpu.memory_space<vmem>> -> memref<1x640xf32, #tpu.memory_space<vmem>>
      %dma_start3A_100 = tpu.memref_squeeze %dma_start3A_99 : memref<1x640xf32, #tpu.memory_space<vmem>> -> memref<640xf32, #tpu.memory_space<vmem>>
      %dma_start3A_101 = tpu.memref_slice %arg11[%add3A_75] : memref<163840xf32, #tpu.memory_space<vmem_shared>> -> memref<640xf32, #tpu.memory_space<vmem_shared>>
      tpu.enqueue_dma source(%dma_start3A_101 : memref<640xf32, #tpu.memory_space<vmem_shared>>) target(%dma_start3A_100 : memref<640xf32, #tpu.memory_space<vmem>>) target_semaphore(%run_scoped3A_94 : memref<!tpu.dma_semaphore, #tpu.memory_space<semaphore_mem>>)
      %dma_wait3A = arith.constant 0 : i32
      %dma_wait3A_102 = tpu.memref_slice %arg9[%run_scoped3A_76, %dma_wait3A] : memref<16x640xf32, #tpu.memory_space<vmem>> -> memref<1x640xf32, #tpu.memory_space<vmem>>
      %dma_wait3A_103 = tpu.memref_squeeze %dma_wait3A_102 : memref<1x640xf32, #tpu.memory_space<vmem>> -> memref<640xf32, #tpu.memory_space<vmem>>
      %dma_wait3A_104 = tpu.memref_slice %arg11[%add3A_75] : memref<163840xf32, #tpu.memory_space<vmem_shared>> -> memref<640xf32, #tpu.memory_space<vmem_shared>>
      %dma_wait3A_105 = arith.constant 0 : i32
      %dma_wait3A_106 = tpu.memref_slice %arg9[%run_scoped3A_76, %dma_wait3A_105] : memref<16x640xf32, #tpu.memory_space<vmem>> -> memref<1x640xf32, #tpu.memory_space<vmem>>
      %dma_wait3A_107 = tpu.memref_squeeze %dma_wait3A_106 : memref<1x640xf32, #tpu.memory_space<vmem>> -> memref<640xf32, #tpu.memory_space<vmem>>
      %dma_wait3A_108 = tpu.memref_slice %arg11[%add3A_75] : memref<163840xf32, #tpu.memory_space<vmem_shared>> -> memref<640xf32, #tpu.memory_space<vmem_shared>>
      tpu.wait_dma2 semaphore(%run_scoped3A_94 : memref<!tpu.dma_semaphore, #tpu.memory_space<semaphore_mem>>) src(%dma_wait3A_108 : memref<640xf32, #tpu.memory_space<vmem_shared>>) dst(%dma_wait3A_107 : memref<640xf32, #tpu.memory_space<vmem>>)
      tpu.yield
    }) : () -> ()
    %mul3A_77 = arith.constant 640 : i32
    %mul3A_78 = arith.muli %arg1, %mul3A_77 : i32
    %add3A_79 = arith.constant 143360 : i32
    %add3A_80 = arith.addi %add3A_79, %mul3A_78 : i32
    %run_scoped3A_81 = arith.constant 14 : i32
    "tpu.region"() ({
      %run_scoped3A_94 = tpu.sem_alloc : memref<!tpu.dma_semaphore, #tpu.memory_space<semaphore_mem>>
      %dma_start3A = arith.constant 0 : i32
      %dma_start3A_95 = tpu.memref_slice %arg9[%run_scoped3A_81, %dma_start3A] : memref<16x640xf32, #tpu.memory_space<vmem>> -> memref<1x640xf32, #tpu.memory_space<vmem>>
      %dma_start3A_96 = tpu.memref_squeeze %dma_start3A_95 : memref<1x640xf32, #tpu.memory_space<vmem>> -> memref<640xf32, #tpu.memory_space<vmem>>
      %dma_start3A_97 = tpu.memref_slice %arg11[%add3A_80] : memref<163840xf32, #tpu.memory_space<vmem_shared>> -> memref<640xf32, #tpu.memory_space<vmem_shared>>
      %dma_start3A_98 = arith.constant 0 : i32
      %dma_start3A_99 = tpu.memref_slice %arg9[%run_scoped3A_81, %dma_start3A_98] : memref<16x640xf32, #tpu.memory_space<vmem>> -> memref<1x640xf32, #tpu.memory_space<vmem>>
      %dma_start3A_100 = tpu.memref_squeeze %dma_start3A_99 : memref<1x640xf32, #tpu.memory_space<vmem>> -> memref<640xf32, #tpu.memory_space<vmem>>
      %dma_start3A_101 = tpu.memref_slice %arg11[%add3A_80] : memref<163840xf32, #tpu.memory_space<vmem_shared>> -> memref<640xf32, #tpu.memory_space<vmem_shared>>
      tpu.enqueue_dma source(%dma_start3A_101 : memref<640xf32, #tpu.memory_space<vmem_shared>>) target(%dma_start3A_100 : memref<640xf32, #tpu.memory_space<vmem>>) target_semaphore(%run_scoped3A_94 : memref<!tpu.dma_semaphore, #tpu.memory_space<semaphore_mem>>)
      %dma_wait3A = arith.constant 0 : i32
      %dma_wait3A_102 = tpu.memref_slice %arg9[%run_scoped3A_81, %dma_wait3A] : memref<16x640xf32, #tpu.memory_space<vmem>> -> memref<1x640xf32, #tpu.memory_space<vmem>>
      %dma_wait3A_103 = tpu.memref_squeeze %dma_wait3A_102 : memref<1x640xf32, #tpu.memory_space<vmem>> -> memref<640xf32, #tpu.memory_space<vmem>>
      %dma_wait3A_104 = tpu.memref_slice %arg11[%add3A_80] : memref<163840xf32, #tpu.memory_space<vmem_shared>> -> memref<640xf32, #tpu.memory_space<vmem_shared>>
      %dma_wait3A_105 = arith.constant 0 : i32
      %dma_wait3A_106 = tpu.memref_slice %arg9[%run_scoped3A_81, %dma_wait3A_105] : memref<16x640xf32, #tpu.memory_space<vmem>> -> memref<1x640xf32, #tpu.memory_space<vmem>>
      %dma_wait3A_107 = tpu.memref_squeeze %dma_wait3A_106 : memref<1x640xf32, #tpu.memory_space<vmem>> -> memref<640xf32, #tpu.memory_space<vmem>>
      %dma_wait3A_108 = tpu.memref_slice %arg11[%add3A_80] : memref<163840xf32, #tpu.memory_space<vmem_shared>> -> memref<640xf32, #tpu.memory_space<vmem_shared>>
      tpu.wait_dma2 semaphore(%run_scoped3A_94 : memref<!tpu.dma_semaphore, #tpu.memory_space<semaphore_mem>>) src(%dma_wait3A_108 : memref<640xf32, #tpu.memory_space<vmem_shared>>) dst(%dma_wait3A_107 : memref<640xf32, #tpu.memory_space<vmem>>)
      tpu.yield
    }) : () -> ()
    %mul3A_82 = arith.constant 640 : i32
    %mul3A_83 = arith.muli %arg1, %mul3A_82 : i32
    %add3A_84 = arith.constant 153600 : i32
    %add3A_85 = arith.addi %add3A_84, %mul3A_83 : i32
    %run_scoped3A_86 = arith.constant 15 : i32
    "tpu.region"() ({
      %run_scoped3A_94 = tpu.sem_alloc : memref<!tpu.dma_semaphore, #tpu.memory_space<semaphore_mem>>
      %dma_start3A = arith.constant 0 : i32
      %dma_start3A_95 = tpu.memref_slice %arg9[%run_scoped3A_86, %dma_start3A] : memref<16x640xf32, #tpu.memory_space<vmem>> -> memref<1x640xf32, #tpu.memory_space<vmem>>
      %dma_start3A_96 = tpu.memref_squeeze %dma_start3A_95 : memref<1x640xf32, #tpu.memory_space<vmem>> -> memref<640xf32, #tpu.memory_space<vmem>>
      %dma_start3A_97 = tpu.memref_slice %arg11[%add3A_85] : memref<163840xf32, #tpu.memory_space<vmem_shared>> -> memref<640xf32, #tpu.memory_space<vmem_shared>>
      %dma_start3A_98 = arith.constant 0 : i32
      %dma_start3A_99 = tpu.memref_slice %arg9[%run_scoped3A_86, %dma_start3A_98] : memref<16x640xf32, #tpu.memory_space<vmem>> -> memref<1x640xf32, #tpu.memory_space<vmem>>
      %dma_start3A_100 = tpu.memref_squeeze %dma_start3A_99 : memref<1x640xf32, #tpu.memory_space<vmem>> -> memref<640xf32, #tpu.memory_space<vmem>>
      %dma_start3A_101 = tpu.memref_slice %arg11[%add3A_85] : memref<163840xf32, #tpu.memory_space<vmem_shared>> -> memref<640xf32, #tpu.memory_space<vmem_shared>>
      tpu.enqueue_dma source(%dma_start3A_101 : memref<640xf32, #tpu.memory_space<vmem_shared>>) target(%dma_start3A_100 : memref<640xf32, #tpu.memory_space<vmem>>) target_semaphore(%run_scoped3A_94 : memref<!tpu.dma_semaphore, #tpu.memory_space<semaphore_mem>>)
      %dma_wait3A = arith.constant 0 : i32
      %dma_wait3A_102 = tpu.memref_slice %arg9[%run_scoped3A_86, %dma_wait3A] : memref<16x640xf32, #tpu.memory_space<vmem>> -> memref<1x640xf32, #tpu.memory_space<vmem>>
      %dma_wait3A_103 = tpu.memref_squeeze %dma_wait3A_102 : memref<1x640xf32, #tpu.memory_space<vmem>> -> memref<640xf32, #tpu.memory_space<vmem>>
      %dma_wait3A_104 = tpu.memref_slice %arg11[%add3A_85] : memref<163840xf32, #tpu.memory_space<vmem_shared>> -> memref<640xf32, #tpu.memory_space<vmem_shared>>
      %dma_wait3A_105 = arith.constant 0 : i32
      %dma_wait3A_106 = tpu.memref_slice %arg9[%run_scoped3A_86, %dma_wait3A_105] : memref<16x640xf32, #tpu.memory_space<vmem>> -> memref<1x640xf32, #tpu.memory_space<vmem>>
      %dma_wait3A_107 = tpu.memref_squeeze %dma_wait3A_106 : memref<1x640xf32, #tpu.memory_space<vmem>> -> memref<640xf32, #tpu.memory_space<vmem>>
      %dma_wait3A_108 = tpu.memref_slice %arg11[%add3A_85] : memref<163840xf32, #tpu.memory_space<vmem_shared>> -> memref<640xf32, #tpu.memory_space<vmem_shared>>
      tpu.wait_dma2 semaphore(%run_scoped3A_94 : memref<!tpu.dma_semaphore, #tpu.memory_space<semaphore_mem>>) src(%dma_wait3A_108 : memref<640xf32, #tpu.memory_space<vmem_shared>>) dst(%dma_wait3A_107 : memref<640xf32, #tpu.memory_space<vmem>>)
      tpu.yield
    }) : () -> ()
    %scan3A_87 = arith.constant 0 : i32
    %scan3A_88 = arith.constant 40 : i32
    %scan3A_89 = arith.addi %scan3A_87, %scan3A_88 : i32
    %scan3A_90 = arith.constant 1 : i32
    scf.for %scan3A_94 = %scan3A_87 to %scan3A_89 step %scan3A_90  : i32 {
      %mul3A_95 = arith.constant 1 : i32
      %mul3A_96 = arith.muli %scan3A_94, %mul3A_95 : i32
      %add3A_97 = arith.constant 0 : i32
      %add3A_98 = arith.addi %add3A_97, %mul3A_96 : i32
      %mul3A_99 = arith.constant 16 : i32
      %mul3A_100 = arith.muli %add3A_98, %mul3A_99 : i32
      %get3A = arith.constant 0 : i32
      %get3A_101 = arith.index_cast %get3A : i32 to index
      %get3A_102 = arith.index_cast %mul3A_100 : i32 to index
      %get3A_103 = tpu.vector_load %arg9[%get3A_101, %get3A_102] {strides = array<i32>} : memref<16x640xf32, #tpu.memory_space<vmem>>, vector<1x16xf32>,
      %get3A_104 = vector.shape_cast %get3A_103 : vector<1x16xf32> to vector<16xf32>
      %mul3A_105 = arith.constant 16 : i32
      %mul3A_106 = arith.muli %add3A_98, %mul3A_105 : i32
      %get3A_107 = arith.constant 1 : i32
      %get3A_108 = arith.index_cast %get3A_107 : i32 to index
      %get3A_109 = arith.index_cast %mul3A_106 : i32 to index
      %get3A_110 = tpu.vector_load %arg9[%get3A_108, %get3A_109] {strides = array<i32>} : memref<16x640xf32, #tpu.memory_space<vmem>>, vector<1x16xf32>,
      %get3A_111 = vector.shape_cast %get3A_110 : vector<1x16xf32> to vector<16xf32>
      %add3A_112 = arith.addf %get3A_104, %get3A_111 : vector<16xf32>
      %mul3A_113 = arith.constant 16 : i32
      %mul3A_114 = arith.muli %add3A_98, %mul3A_113 : i32
      %get3A_115 = arith.constant 2 : i32
      %get3A_116 = arith.index_cast %get3A_115 : i32 to index
      %get3A_117 = arith.index_cast %mul3A_114 : i32 to index
      %get3A_118 = tpu.vector_load %arg9[%get3A_116, %get3A_117] {strides = array<i32>} : memref<16x640xf32, #tpu.memory_space<vmem>>, vector<1x16xf32>,
      %get3A_119 = vector.shape_cast %get3A_118 : vector<1x16xf32> to vector<16xf32>
      %add3A_120 = arith.addf %add3A_112, %get3A_119 : vector<16xf32>
      %mul3A_121 = arith.constant 16 : i32
      %mul3A_122 = arith.muli %add3A_98, %mul3A_121 : i32
      %get3A_123 = arith.constant 3 : i32
      %get3A_124 = arith.index_cast %get3A_123 : i32 to index
      %get3A_125 = arith.index_cast %mul3A_122 : i32 to index
      %get3A_126 = tpu.vector_load %arg9[%get3A_124, %get3A_125] {strides = array<i32>} : memref<16x640xf32, #tpu.memory_space<vmem>>, vector<1x16xf32>,
      %get3A_127 = vector.shape_cast %get3A_126 : vector<1x16xf32> to vector<16xf32>
      %add3A_128 = arith.addf %add3A_120, %get3A_127 : vector<16xf32>
      %mul3A_129 = arith.constant 16 : i32
      %mul3A_130 = arith.muli %add3A_98, %mul3A_129 : i32
      %get3A_131 = arith.constant 4 : i32
      %get3A_132 = arith.index_cast %get3A_131 : i32 to index
      %get3A_133 = arith.index_cast %mul3A_130 : i32 to index
      %get3A_134 = tpu.vector_load %arg9[%get3A_132, %get3A_133] {strides = array<i32>} : memref<16x640xf32, #tpu.memory_space<vmem>>, vector<1x16xf32>,
      %get3A_135 = vector.shape_cast %get3A_134 : vector<1x16xf32> to vector<16xf32>
      %add3A_136 = arith.addf %add3A_128, %get3A_135 : vector<16xf32>
      %mul3A_137 = arith.constant 16 : i32
      %mul3A_138 = arith.muli %add3A_98, %mul3A_137 : i32
      %get3A_139 = arith.constant 5 : i32
      %get3A_140 = arith.index_cast %get3A_139 : i32 to index
      %get3A_141 = arith.index_cast %mul3A_138 : i32 to index
      %get3A_142 = tpu.vector_load %arg9[%get3A_140, %get3A_141] {strides = array<i32>} : memref<16x640xf32, #tpu.memory_space<vmem>>, vector<1x16xf32>,
      %get3A_143 = vector.shape_cast %get3A_142 : vector<1x16xf32> to vector<16xf32>
      %add3A_144 = arith.addf %add3A_136, %get3A_143 : vector<16xf32>
      %mul3A_145 = arith.constant 16 : i32
      %mul3A_146 = arith.muli %add3A_98, %mul3A_145 : i32
      %get3A_147 = arith.constant 6 : i32
      %get3A_148 = arith.index_cast %get3A_147 : i32 to index
      %get3A_149 = arith.index_cast %mul3A_146 : i32 to index
      %get3A_150 = tpu.vector_load %arg9[%get3A_148, %get3A_149] {strides = array<i32>} : memref<16x640xf32, #tpu.memory_space<vmem>>, vector<1x16xf32>,
      %get3A_151 = vector.shape_cast %get3A_150 : vector<1x16xf32> to vector<16xf32>
      %add3A_152 = arith.addf %add3A_144, %get3A_151 : vector<16xf32>
      %mul3A_153 = arith.constant 16 : i32
      %mul3A_154 = arith.muli %add3A_98, %mul3A_153 : i32
      %get3A_155 = arith.constant 7 : i32
      %get3A_156 = arith.index_cast %get3A_155 : i32 to index
      %get3A_157 = arith.index_cast %mul3A_154 : i32 to index
      %get3A_158 = tpu.vector_load %arg9[%get3A_156, %get3A_157] {strides = array<i32>} : memref<16x640xf32, #tpu.memory_space<vmem>>, vector<1x16xf32>,
      %get3A_159 = vector.shape_cast %get3A_158 : vector<1x16xf32> to vector<16xf32>
      %add3A_160 = arith.addf %add3A_152, %get3A_159 : vector<16xf32>
      %mul3A_161 = arith.constant 16 : i32
      %mul3A_162 = arith.muli %add3A_98, %mul3A_161 : i32
      %get3A_163 = arith.constant 8 : i32
      %get3A_164 = arith.index_cast %get3A_163 : i32 to index
      %get3A_165 = arith.index_cast %mul3A_162 : i32 to index
      %get3A_166 = tpu.vector_load %arg9[%get3A_164, %get3A_165] {strides = array<i32>} : memref<16x640xf32, #tpu.memory_space<vmem>>, vector<1x16xf32>,
      %get3A_167 = vector.shape_cast %get3A_166 : vector<1x16xf32> to vector<16xf32>
      %add3A_168 = arith.addf %add3A_160, %get3A_167 : vector<16xf32>
      %mul3A_169 = arith.constant 16 : i32
      %mul3A_170 = arith.muli %add3A_98, %mul3A_169 : i32
      %get3A_171 = arith.constant 9 : i32
      %get3A_172 = arith.index_cast %get3A_171 : i32 to index
      %get3A_173 = arith.index_cast %mul3A_170 : i32 to index
      %get3A_174 = tpu.vector_load %arg9[%get3A_172, %get3A_173] {strides = array<i32>} : memref<16x640xf32, #tpu.memory_space<vmem>>, vector<1x16xf32>,
      %get3A_175 = vector.shape_cast %get3A_174 : vector<1x16xf32> to vector<16xf32>
      %add3A_176 = arith.addf %add3A_168, %get3A_175 : vector<16xf32>
      %mul3A_177 = arith.constant 16 : i32
      %mul3A_178 = arith.muli %add3A_98, %mul3A_177 : i32
      %get3A_179 = arith.constant 10 : i32
      %get3A_180 = arith.index_cast %get3A_179 : i32 to index
      %get3A_181 = arith.index_cast %mul3A_178 : i32 to index
      %get3A_182 = tpu.vector_load %arg9[%get3A_180, %get3A_181] {strides = array<i32>} : memref<16x640xf32, #tpu.memory_space<vmem>>, vector<1x16xf32>,
      %get3A_183 = vector.shape_cast %get3A_182 : vector<1x16xf32> to vector<16xf32>
      %add3A_184 = arith.addf %add3A_176, %get3A_183 : vector<16xf32>
      %mul3A_185 = arith.constant 16 : i32
      %mul3A_186 = arith.muli %add3A_98, %mul3A_185 : i32
      %get3A_187 = arith.constant 11 : i32
      %get3A_188 = arith.index_cast %get3A_187 : i32 to index
      %get3A_189 = arith.index_cast %mul3A_186 : i32 to index
      %get3A_190 = tpu.vector_load %arg9[%get3A_188, %get3A_189] {strides = array<i32>} : memref<16x640xf32, #tpu.memory_space<vmem>>, vector<1x16xf32>,
      %get3A_191 = vector.shape_cast %get3A_190 : vector<1x16xf32> to vector<16xf32>
      %add3A_192 = arith.addf %add3A_184, %get3A_191 : vector<16xf32>
      %mul3A_193 = arith.constant 16 : i32
      %mul3A_194 = arith.muli %add3A_98, %mul3A_193 : i32
      %get3A_195 = arith.constant 12 : i32
      %get3A_196 = arith.index_cast %get3A_195 : i32 to index
      %get3A_197 = arith.index_cast %mul3A_194 : i32 to index
      %get3A_198 = tpu.vector_load %arg9[%get3A_196, %get3A_197] {strides = array<i32>} : memref<16x640xf32, #tpu.memory_space<vmem>>, vector<1x16xf32>,
      %get3A_199 = vector.shape_cast %get3A_198 : vector<1x16xf32> to vector<16xf32>
      %add3A_200 = arith.addf %add3A_192, %get3A_199 : vector<16xf32>
      %mul3A_201 = arith.constant 16 : i32
      %mul3A_202 = arith.muli %add3A_98, %mul3A_201 : i32
      %get3A_203 = arith.constant 13 : i32
      %get3A_204 = arith.index_cast %get3A_203 : i32 to index
      %get3A_205 = arith.index_cast %mul3A_202 : i32 to index
      %get3A_206 = tpu.vector_load %arg9[%get3A_204, %get3A_205] {strides = array<i32>} : memref<16x640xf32, #tpu.memory_space<vmem>>, vector<1x16xf32>,
      %get3A_207 = vector.shape_cast %get3A_206 : vector<1x16xf32> to vector<16xf32>
      %add3A_208 = arith.addf %add3A_200, %get3A_207 : vector<16xf32>
      %mul3A_209 = arith.constant 16 : i32
      %mul3A_210 = arith.muli %add3A_98, %mul3A_209 : i32
      %get3A_211 = arith.constant 14 : i32
      %get3A_212 = arith.index_cast %get3A_211 : i32 to index
      %get3A_213 = arith.index_cast %mul3A_210 : i32 to index
      %get3A_214 = tpu.vector_load %arg9[%get3A_212, %get3A_213] {strides = array<i32>} : memref<16x640xf32, #tpu.memory_space<vmem>>, vector<1x16xf32>,
      %get3A_215 = vector.shape_cast %get3A_214 : vector<1x16xf32> to vector<16xf32>
      %add3A_216 = arith.addf %add3A_208, %get3A_215 : vector<16xf32>
      %mul3A_217 = arith.constant 16 : i32
      %mul3A_218 = arith.muli %add3A_98, %mul3A_217 : i32
      %get3A_219 = arith.constant 15 : i32
      %get3A_220 = arith.index_cast %get3A_219 : i32 to index
      %get3A_221 = arith.index_cast %mul3A_218 : i32 to index
      %get3A_222 = tpu.vector_load %arg9[%get3A_220, %get3A_221] {strides = array<i32>} : memref<16x640xf32, #tpu.memory_space<vmem>>, vector<1x16xf32>,
      %get3A_223 = vector.shape_cast %get3A_222 : vector<1x16xf32> to vector<16xf32>
      %add3A_224 = arith.addf %add3A_216, %get3A_223 : vector<16xf32>
      %mul3A_225 = arith.constant 16 : i32
      %mul3A_226 = arith.muli %add3A_98, %mul3A_225 : i32
      %swap3A = arith.index_cast %mul3A_226 : i32 to index
      %swap3A_227 = tpu.vector_load %arg10[%swap3A] {strides = array<i32>} : memref<640xf32, #tpu.memory_space<vmem>>, vector<16xf32>,
      %swap3A_228 = vector.shape_cast %swap3A_227 : vector<16xf32> to vector<16xf32>
      %swap3A_229 = vector.shape_cast %add3A_224 : vector<16xf32> to vector<16xf32>
      tpu.vector_store %arg10[%swap3A], %swap3A_229 {strides = array<i32>} : memref<640xf32, #tpu.memory_space<vmem>>, vector<16xf32>,
    }
    %scan3A_91 = arith.constant 40 : i32
    %mul3A_92 = arith.constant 640 : i32
    %mul3A_93 = arith.muli %arg1, %mul3A_92 : i32
    "tpu.region"() ({
      %run_scoped3A_94 = tpu.sem_alloc : memref<!tpu.dma_semaphore, #tpu.memory_space<semaphore_mem>>
      %dma_start3A = arith.constant 0 : i32
      %dma_start3A_95 = tpu.memref_slice %arg5[%arg0, %dma_start3A] : memref<2x10240xf32, #tpu.memory_space<hbm>> -> memref<1x10240xf32, #tpu.memory_space<hbm>>
      %dma_start3A_96 = tpu.memref_squeeze %dma_start3A_95 : memref<1x10240xf32, #tpu.memory_space<hbm>> -> memref<10240xf32, #tpu.memory_space<hbm>>
      %dma_start3A_97 = tpu.memref_slice %dma_start3A_96[%mul3A_93] : memref<10240xf32, #tpu.memory_space<hbm>> -> memref<640xf32, #tpu.memory_space<hbm>>
      %dma_start3A_98 = arith.constant 0 : i32
      %dma_start3A_99 = tpu.memref_slice %arg5[%arg0, %dma_start3A_98] : memref<2x10240xf32, #tpu.memory_space<hbm>> -> memref<1x10240xf32, #tpu.memory_space<hbm>>
      %dma_start3A_100 = tpu.memref_squeeze %dma_start3A_99 : memref<1x10240xf32, #tpu.memory_space<hbm>> -> memref<10240xf32, #tpu.memory_space<hbm>>
      %dma_start3A_101 = tpu.memref_slice %dma_start3A_100[%mul3A_93] : memref<10240xf32, #tpu.memory_space<hbm>> -> memref<640xf32, #tpu.memory_space<hbm>>
      tpu.enqueue_dma source(%arg10 : memref<640xf32, #tpu.memory_space<vmem>>) target(%dma_start3A_101 : memref<640xf32, #tpu.memory_space<hbm>>) target_semaphore(%run_scoped3A_94 : memref<!tpu.dma_semaphore, #tpu.memory_space<semaphore_mem>>)
      %dma_wait3A = arith.constant 0 : i32
      %dma_wait3A_102 = tpu.memref_slice %arg5[%arg0, %dma_wait3A] : memref<2x10240xf32, #tpu.memory_space<hbm>> -> memref<1x10240xf32, #tpu.memory_space<hbm>>
      %dma_wait3A_103 = tpu.memref_squeeze %dma_wait3A_102 : memref<1x10240xf32, #tpu.memory_space<hbm>> -> memref<10240xf32, #tpu.memory_space<hbm>>
      %dma_wait3A_104 = tpu.memref_slice %dma_wait3A_103[%mul3A_93] : memref<10240xf32, #tpu.memory_space<hbm>> -> memref<640xf32, #tpu.memory_space<hbm>>
      %dma_wait3A_105 = arith.constant 0 : i32
      %dma_wait3A_106 = tpu.memref_slice %arg5[%arg0, %dma_wait3A_105] : memref<2x10240xf32, #tpu.memory_space<hbm>> -> memref<1x10240xf32, #tpu.memory_space<hbm>>
      %dma_wait3A_107 = tpu.memref_squeeze %dma_wait3A_106 : memref<1x10240xf32, #tpu.memory_space<hbm>> -> memref<10240xf32, #tpu.memory_space<hbm>>
      %dma_wait3A_108 = tpu.memref_slice %dma_wait3A_107[%mul3A_93] : memref<10240xf32, #tpu.memory_space<hbm>> -> memref<640xf32, #tpu.memory_space<hbm>>
      tpu.wait_dma2 semaphore(%run_scoped3A_94 : memref<!tpu.dma_semaphore, #tpu.memory_space<semaphore_mem>>) src(%arg10 : memref<640xf32, #tpu.memory_space<vmem>>) dst(%dma_wait3A_108 : memref<640xf32, #tpu.memory_space<hbm>>)
      tpu.yield
    }) : () -> ()
    return
  }
}

#map = affine_map<(d0, d1) -> (0, 0)>
#map1 = affine_map<(d0, d1) -> (0, 0, 0)>
module attributes {stable_mosaic.version = 14 : i64} {
  func.func @_sc_scatter(%arg0: i32, %arg1: i32, %arg2: memref<10000x128xf32, #tpu.memory_space<hbm>>, %arg3: memref<32x79x128xi32, #tpu.memory_space<hbm>>, %arg4: memref<32x79x128xi32, #tpu.memory_space<hbm>>, %arg5: memref<128x128xf32, #tpu.memory_space<hbm>>, %arg6: memref<2x10240x128xf32, #tpu.memory_space<hbm>>, %arg7: memref<79x128xi32, #tpu.memory_space<vmem>>, %arg8: memref<79x128xi32, #tpu.memory_space<vmem>>, %arg9: memref<128x128xf32, #tpu.memory_space<vmem>>, %arg10: memref<10240x128xf32, #tpu.memory_space<vmem_shared>>, %arg11: memref<!tpu.dma_semaphore, #tpu.memory_space<semaphore_mem>>, %arg12: memref<!tpu.dma_semaphore, #tpu.memory_space<semaphore_mem>>) attributes {dimension_semantics = [#tpu.dimension_semantics<core_parallel>, #tpu.dimension_semantics<subcore_parallel>], iteration_bounds = array<i64: 2, 16>, scalar_prefetch = 0 : i64, scratch_operands = 6 : i64, tpu.core_type = #tpu.core_type<sc_vector_subcore>, window_params = [{transform_indices = #map}, {transform_indices = #map1}, {transform_indices = #map1}, {transform_indices = #map}, {transform_indices = #map1}]} {
    %mul3A = arith.constant 16 : i32
    %mul3A_0 = arith.muli %arg0, %mul3A : i32
    %add3A = arith.addi %mul3A_0, %arg1 : i32
    "tpu.region"() ({
      %run_scoped3A = tpu.sem_alloc : memref<!tpu.dma_semaphore, #tpu.memory_space<semaphore_mem>>
      tpu.enqueue_dma source(%arg5 : memref<128x128xf32, #tpu.memory_space<hbm>>) target(%arg9 : memref<128x128xf32, #tpu.memory_space<vmem>>) target_semaphore(%run_scoped3A : memref<!tpu.dma_semaphore, #tpu.memory_space<semaphore_mem>>)
      tpu.wait_dma2 semaphore(%run_scoped3A : memref<!tpu.dma_semaphore, #tpu.memory_space<semaphore_mem>>) src(%arg5 : memref<128x128xf32, #tpu.memory_space<hbm>>) dst(%arg9 : memref<128x128xf32, #tpu.memory_space<vmem>>)
      tpu.yield
    }) : () -> ()
    %mul3A_1 = arith.constant 640 : i32
    %mul3A_2 = arith.muli %arg1, %mul3A_1 : i32
    %add3A_3 = arith.constant 0 : i32
    %add3A_4 = arith.addi %mul3A_2, %add3A_3 : i32
    "tpu.region"() ({
      %run_scoped3A = tpu.sem_alloc : memref<!tpu.dma_semaphore, #tpu.memory_space<semaphore_mem>>
      %dma_start3A = arith.constant 0 : i32
      %dma_start3A_30 = tpu.memref_slice %arg10[%add3A_4, %dma_start3A] : memref<10240x128xf32, #tpu.memory_space<vmem_shared>> -> memref<128x128xf32, #tpu.memory_space<vmem_shared>>
      %dma_start3A_31 = arith.constant 0 : i32
      %dma_start3A_32 = tpu.memref_slice %arg10[%add3A_4, %dma_start3A_31] : memref<10240x128xf32, #tpu.memory_space<vmem_shared>> -> memref<128x128xf32, #tpu.memory_space<vmem_shared>>
      tpu.enqueue_dma source(%arg9 : memref<128x128xf32, #tpu.memory_space<vmem>>) target(%dma_start3A_32 : memref<128x128xf32, #tpu.memory_space<vmem_shared>>) target_semaphore(%run_scoped3A : memref<!tpu.dma_semaphore, #tpu.memory_space<semaphore_mem>>)
      %dma_wait3A = arith.constant 0 : i32
      %dma_wait3A_33 = tpu.memref_slice %arg10[%add3A_4, %dma_wait3A] : memref<10240x128xf32, #tpu.memory_space<vmem_shared>> -> memref<128x128xf32, #tpu.memory_space<vmem_shared>>
      %dma_wait3A_34 = arith.constant 0 : i32
      %dma_wait3A_35 = tpu.memref_slice %arg10[%add3A_4, %dma_wait3A_34] : memref<10240x128xf32, #tpu.memory_space<vmem_shared>> -> memref<128x128xf32, #tpu.memory_space<vmem_shared>>
      tpu.wait_dma2 semaphore(%run_scoped3A : memref<!tpu.dma_semaphore, #tpu.memory_space<semaphore_mem>>) src(%arg9 : memref<128x128xf32, #tpu.memory_space<vmem>>) dst(%dma_wait3A_35 : memref<128x128xf32, #tpu.memory_space<vmem_shared>>)
      tpu.yield
    }) : () -> ()
    %mul3A_5 = arith.constant 640 : i32
    %mul3A_6 = arith.muli %arg1, %mul3A_5 : i32
    %add3A_7 = arith.constant 128 : i32
    %add3A_8 = arith.addi %mul3A_6, %add3A_7 : i32
    "tpu.region"() ({
      %run_scoped3A = tpu.sem_alloc : memref<!tpu.dma_semaphore, #tpu.memory_space<semaphore_mem>>
      %dma_start3A = arith.constant 0 : i32
      %dma_start3A_30 = tpu.memref_slice %arg10[%add3A_8, %dma_start3A] : memref<10240x128xf32, #tpu.memory_space<vmem_shared>> -> memref<128x128xf32, #tpu.memory_space<vmem_shared>>
      %dma_start3A_31 = arith.constant 0 : i32
      %dma_start3A_32 = tpu.memref_slice %arg10[%add3A_8, %dma_start3A_31] : memref<10240x128xf32, #tpu.memory_space<vmem_shared>> -> memref<128x128xf32, #tpu.memory_space<vmem_shared>>
      tpu.enqueue_dma source(%arg9 : memref<128x128xf32, #tpu.memory_space<vmem>>) target(%dma_start3A_32 : memref<128x128xf32, #tpu.memory_space<vmem_shared>>) target_semaphore(%run_scoped3A : memref<!tpu.dma_semaphore, #tpu.memory_space<semaphore_mem>>)
      %dma_wait3A = arith.constant 0 : i32
      %dma_wait3A_33 = tpu.memref_slice %arg10[%add3A_8, %dma_wait3A] : memref<10240x128xf32, #tpu.memory_space<vmem_shared>> -> memref<128x128xf32, #tpu.memory_space<vmem_shared>>
      %dma_wait3A_34 = arith.constant 0 : i32
      %dma_wait3A_35 = tpu.memref_slice %arg10[%add3A_8, %dma_wait3A_34] : memref<10240x128xf32, #tpu.memory_space<vmem_shared>> -> memref<128x128xf32, #tpu.memory_space<vmem_shared>>
      tpu.wait_dma2 semaphore(%run_scoped3A : memref<!tpu.dma_semaphore, #tpu.memory_space<semaphore_mem>>) src(%arg9 : memref<128x128xf32, #tpu.memory_space<vmem>>) dst(%dma_wait3A_35 : memref<128x128xf32, #tpu.memory_space<vmem_shared>>)
      tpu.yield
    }) : () -> ()
    %mul3A_9 = arith.constant 640 : i32
    %mul3A_10 = arith.muli %arg1, %mul3A_9 : i32
    %add3A_11 = arith.constant 256 : i32
    %add3A_12 = arith.addi %mul3A_10, %add3A_11 : i32
    "tpu.region"() ({
      %run_scoped3A = tpu.sem_alloc : memref<!tpu.dma_semaphore, #tpu.memory_space<semaphore_mem>>
      %dma_start3A = arith.constant 0 : i32
      %dma_start3A_30 = tpu.memref_slice %arg10[%add3A_12, %dma_start3A] : memref<10240x128xf32, #tpu.memory_space<vmem_shared>> -> memref<128x128xf32, #tpu.memory_space<vmem_shared>>
      %dma_start3A_31 = arith.constant 0 : i32
      %dma_start3A_32 = tpu.memref_slice %arg10[%add3A_12, %dma_start3A_31] : memref<10240x128xf32, #tpu.memory_space<vmem_shared>> -> memref<128x128xf32, #tpu.memory_space<vmem_shared>>
      tpu.enqueue_dma source(%arg9 : memref<128x128xf32, #tpu.memory_space<vmem>>) target(%dma_start3A_32 : memref<128x128xf32, #tpu.memory_space<vmem_shared>>) target_semaphore(%run_scoped3A : memref<!tpu.dma_semaphore, #tpu.memory_space<semaphore_mem>>)
      %dma_wait3A = arith.constant 0 : i32
      %dma_wait3A_33 = tpu.memref_slice %arg10[%add3A_12, %dma_wait3A] : memref<10240x128xf32, #tpu.memory_space<vmem_shared>> -> memref<128x128xf32, #tpu.memory_space<vmem_shared>>
      %dma_wait3A_34 = arith.constant 0 : i32
      %dma_wait3A_35 = tpu.memref_slice %arg10[%add3A_12, %dma_wait3A_34] : memref<10240x128xf32, #tpu.memory_space<vmem_shared>> -> memref<128x128xf32, #tpu.memory_space<vmem_shared>>
      tpu.wait_dma2 semaphore(%run_scoped3A : memref<!tpu.dma_semaphore, #tpu.memory_space<semaphore_mem>>) src(%arg9 : memref<128x128xf32, #tpu.memory_space<vmem>>) dst(%dma_wait3A_35 : memref<128x128xf32, #tpu.memory_space<vmem_shared>>)
      tpu.yield
    }) : () -> ()
    %mul3A_13 = arith.constant 640 : i32
    %mul3A_14 = arith.muli %arg1, %mul3A_13 : i32
    %add3A_15 = arith.constant 384 : i32
    %add3A_16 = arith.addi %mul3A_14, %add3A_15 : i32
    "tpu.region"() ({
      %run_scoped3A = tpu.sem_alloc : memref<!tpu.dma_semaphore, #tpu.memory_space<semaphore_mem>>
      %dma_start3A = arith.constant 0 : i32
      %dma_start3A_30 = tpu.memref_slice %arg10[%add3A_16, %dma_start3A] : memref<10240x128xf32, #tpu.memory_space<vmem_shared>> -> memref<128x128xf32, #tpu.memory_space<vmem_shared>>
      %dma_start3A_31 = arith.constant 0 : i32
      %dma_start3A_32 = tpu.memref_slice %arg10[%add3A_16, %dma_start3A_31] : memref<10240x128xf32, #tpu.memory_space<vmem_shared>> -> memref<128x128xf32, #tpu.memory_space<vmem_shared>>
      tpu.enqueue_dma source(%arg9 : memref<128x128xf32, #tpu.memory_space<vmem>>) target(%dma_start3A_32 : memref<128x128xf32, #tpu.memory_space<vmem_shared>>) target_semaphore(%run_scoped3A : memref<!tpu.dma_semaphore, #tpu.memory_space<semaphore_mem>>)
      %dma_wait3A = arith.constant 0 : i32
      %dma_wait3A_33 = tpu.memref_slice %arg10[%add3A_16, %dma_wait3A] : memref<10240x128xf32, #tpu.memory_space<vmem_shared>> -> memref<128x128xf32, #tpu.memory_space<vmem_shared>>
      %dma_wait3A_34 = arith.constant 0 : i32
      %dma_wait3A_35 = tpu.memref_slice %arg10[%add3A_16, %dma_wait3A_34] : memref<10240x128xf32, #tpu.memory_space<vmem_shared>> -> memref<128x128xf32, #tpu.memory_space<vmem_shared>>
      tpu.wait_dma2 semaphore(%run_scoped3A : memref<!tpu.dma_semaphore, #tpu.memory_space<semaphore_mem>>) src(%arg9 : memref<128x128xf32, #tpu.memory_space<vmem>>) dst(%dma_wait3A_35 : memref<128x128xf32, #tpu.memory_space<vmem_shared>>)
      tpu.yield
    }) : () -> ()
    %mul3A_17 = arith.constant 640 : i32
    %mul3A_18 = arith.muli %arg1, %mul3A_17 : i32
    %add3A_19 = arith.constant 512 : i32
    %add3A_20 = arith.addi %mul3A_18, %add3A_19 : i32
    "tpu.region"() ({
      %run_scoped3A = tpu.sem_alloc : memref<!tpu.dma_semaphore, #tpu.memory_space<semaphore_mem>>
      %dma_start3A = arith.constant 0 : i32
      %dma_start3A_30 = tpu.memref_slice %arg10[%add3A_20, %dma_start3A] : memref<10240x128xf32, #tpu.memory_space<vmem_shared>> -> memref<128x128xf32, #tpu.memory_space<vmem_shared>>
      %dma_start3A_31 = arith.constant 0 : i32
      %dma_start3A_32 = tpu.memref_slice %arg10[%add3A_20, %dma_start3A_31] : memref<10240x128xf32, #tpu.memory_space<vmem_shared>> -> memref<128x128xf32, #tpu.memory_space<vmem_shared>>
      tpu.enqueue_dma source(%arg9 : memref<128x128xf32, #tpu.memory_space<vmem>>) target(%dma_start3A_32 : memref<128x128xf32, #tpu.memory_space<vmem_shared>>) target_semaphore(%run_scoped3A : memref<!tpu.dma_semaphore, #tpu.memory_space<semaphore_mem>>)
      %dma_wait3A = arith.constant 0 : i32
      %dma_wait3A_33 = tpu.memref_slice %arg10[%add3A_20, %dma_wait3A] : memref<10240x128xf32, #tpu.memory_space<vmem_shared>> -> memref<128x128xf32, #tpu.memory_space<vmem_shared>>
      %dma_wait3A_34 = arith.constant 0 : i32
      %dma_wait3A_35 = tpu.memref_slice %arg10[%add3A_20, %dma_wait3A_34] : memref<10240x128xf32, #tpu.memory_space<vmem_shared>> -> memref<128x128xf32, #tpu.memory_space<vmem_shared>>
      tpu.wait_dma2 semaphore(%run_scoped3A : memref<!tpu.dma_semaphore, #tpu.memory_space<semaphore_mem>>) src(%arg9 : memref<128x128xf32, #tpu.memory_space<vmem>>) dst(%dma_wait3A_35 : memref<128x128xf32, #tpu.memory_space<vmem_shared>>)
      tpu.yield
    }) : () -> ()
    "tpu.region"() ({
      %run_scoped3A = tpu.sem_alloc : memref<!tpu.dma_semaphore, #tpu.memory_space<semaphore_mem>>
      %dma_start3A = arith.constant 0 : i32
      %dma_start3A_30 = arith.constant 0 : i32
      %dma_start3A_31 = tpu.memref_slice %arg3[%add3A, %dma_start3A, %dma_start3A_30] : memref<32x79x128xi32, #tpu.memory_space<hbm>> -> memref<1x79x128xi32, #tpu.memory_space<hbm>>
      %dma_start3A_32 = tpu.memref_squeeze %dma_start3A_31 : memref<1x79x128xi32, #tpu.memory_space<hbm>> -> memref<79x128xi32, #tpu.memory_space<hbm>>
      %dma_start3A_33 = arith.constant 0 : i32
      %dma_start3A_34 = arith.constant 0 : i32
      %dma_start3A_35 = tpu.memref_slice %arg3[%add3A, %dma_start3A_33, %dma_start3A_34] : memref<32x79x128xi32, #tpu.memory_space<hbm>> -> memref<1x79x128xi32, #tpu.memory_space<hbm>>
      %dma_start3A_36 = tpu.memref_squeeze %dma_start3A_35 : memref<1x79x128xi32, #tpu.memory_space<hbm>> -> memref<79x128xi32, #tpu.memory_space<hbm>>
      tpu.enqueue_dma source(%dma_start3A_36 : memref<79x128xi32, #tpu.memory_space<hbm>>) target(%arg7 : memref<79x128xi32, #tpu.memory_space<vmem>>) target_semaphore(%run_scoped3A : memref<!tpu.dma_semaphore, #tpu.memory_space<semaphore_mem>>)
      %dma_wait3A = arith.constant 0 : i32
      %dma_wait3A_37 = arith.constant 0 : i32
      %dma_wait3A_38 = tpu.memref_slice %arg3[%add3A, %dma_wait3A, %dma_wait3A_37] : memref<32x79x128xi32, #tpu.memory_space<hbm>> -> memref<1x79x128xi32, #tpu.memory_space<hbm>>
      %dma_wait3A_39 = tpu.memref_squeeze %dma_wait3A_38 : memref<1x79x128xi32, #tpu.memory_space<hbm>> -> memref<79x128xi32, #tpu.memory_space<hbm>>
      %dma_wait3A_40 = arith.constant 0 : i32
      %dma_wait3A_41 = arith.constant 0 : i32
      %dma_wait3A_42 = tpu.memref_slice %arg3[%add3A, %dma_wait3A_40, %dma_wait3A_41] : memref<32x79x128xi32, #tpu.memory_space<hbm>> -> memref<1x79x128xi32, #tpu.memory_space<hbm>>
      %dma_wait3A_43 = tpu.memref_squeeze %dma_wait3A_42 : memref<1x79x128xi32, #tpu.memory_space<hbm>> -> memref<79x128xi32, #tpu.memory_space<hbm>>
      tpu.wait_dma2 semaphore(%run_scoped3A : memref<!tpu.dma_semaphore, #tpu.memory_space<semaphore_mem>>) src(%dma_wait3A_43 : memref<79x128xi32, #tpu.memory_space<hbm>>) dst(%arg7 : memref<79x128xi32, #tpu.memory_space<vmem>>)
      tpu.yield
    }) : () -> ()
    "tpu.region"() ({
      %run_scoped3A = tpu.sem_alloc : memref<!tpu.dma_semaphore, #tpu.memory_space<semaphore_mem>>
      %dma_start3A = arith.constant 0 : i32
      %dma_start3A_30 = arith.constant 0 : i32
      %dma_start3A_31 = tpu.memref_slice %arg4[%add3A, %dma_start3A, %dma_start3A_30] : memref<32x79x128xi32, #tpu.memory_space<hbm>> -> memref<1x79x128xi32, #tpu.memory_space<hbm>>
      %dma_start3A_32 = tpu.memref_squeeze %dma_start3A_31 : memref<1x79x128xi32, #tpu.memory_space<hbm>> -> memref<79x128xi32, #tpu.memory_space<hbm>>
      %dma_start3A_33 = arith.constant 0 : i32
      %dma_start3A_34 = arith.constant 0 : i32
      %dma_start3A_35 = tpu.memref_slice %arg4[%add3A, %dma_start3A_33, %dma_start3A_34] : memref<32x79x128xi32, #tpu.memory_space<hbm>> -> memref<1x79x128xi32, #tpu.memory_space<hbm>>
      %dma_start3A_36 = tpu.memref_squeeze %dma_start3A_35 : memref<1x79x128xi32, #tpu.memory_space<hbm>> -> memref<79x128xi32, #tpu.memory_space<hbm>>
      tpu.enqueue_dma source(%dma_start3A_36 : memref<79x128xi32, #tpu.memory_space<hbm>>) target(%arg8 : memref<79x128xi32, #tpu.memory_space<vmem>>) target_semaphore(%run_scoped3A : memref<!tpu.dma_semaphore, #tpu.memory_space<semaphore_mem>>)
      %dma_wait3A = arith.constant 0 : i32
      %dma_wait3A_37 = arith.constant 0 : i32
      %dma_wait3A_38 = tpu.memref_slice %arg4[%add3A, %dma_wait3A, %dma_wait3A_37] : memref<32x79x128xi32, #tpu.memory_space<hbm>> -> memref<1x79x128xi32, #tpu.memory_space<hbm>>
      %dma_wait3A_39 = tpu.memref_squeeze %dma_wait3A_38 : memref<1x79x128xi32, #tpu.memory_space<hbm>> -> memref<79x128xi32, #tpu.memory_space<hbm>>
      %dma_wait3A_40 = arith.constant 0 : i32
      %dma_wait3A_41 = arith.constant 0 : i32
      %dma_wait3A_42 = tpu.memref_slice %arg4[%add3A, %dma_wait3A_40, %dma_wait3A_41] : memref<32x79x128xi32, #tpu.memory_space<hbm>> -> memref<1x79x128xi32, #tpu.memory_space<hbm>>
      %dma_wait3A_43 = tpu.memref_squeeze %dma_wait3A_42 : memref<1x79x128xi32, #tpu.memory_space<hbm>> -> memref<79x128xi32, #tpu.memory_space<hbm>>
      tpu.wait_dma2 semaphore(%run_scoped3A : memref<!tpu.dma_semaphore, #tpu.memory_space<semaphore_mem>>) src(%dma_wait3A_43 : memref<79x128xi32, #tpu.memory_space<hbm>>) dst(%arg8 : memref<79x128xi32, #tpu.memory_space<vmem>>)
      tpu.yield
    }) : () -> ()
    %barrier3A = arith.constant 0 : index
    tpu.barrier barrier_id(%barrier3A)
    %scan3A = arith.constant 0 : i32
    %scan3A_21 = arith.constant 79 : i32
    %scan3A_22 = arith.addi %scan3A, %scan3A_21 : i32
    %scan3A_23 = arith.constant 1 : i32
    scf.for %scan3A_30 = %scan3A to %scan3A_22 step %scan3A_23  : i32 {
      %mul3A_31 = arith.constant 1 : i32
      %mul3A_32 = arith.muli %scan3A_30, %mul3A_31 : i32
      %add3A_33 = arith.constant 0 : i32
      %add3A_34 = arith.addi %add3A_33, %mul3A_32 : i32
      %dma_start3A = arith.constant 0 : i32
      %dma_start3A_35 = tpu.memref_slice %arg7[%add3A_34, %dma_start3A] : memref<79x128xi32, #tpu.memory_space<vmem>> -> memref<1x128xi32, #tpu.memory_space<vmem>>
      %dma_start3A_36 = tpu.memref_squeeze %dma_start3A_35 : memref<1x128xi32, #tpu.memory_space<vmem>> -> memref<128xi32, #tpu.memory_space<vmem>>
      %dma_start3A_37 = arith.constant 0 : i32
      %dma_start3A_38 = arith.constant 0 : i32
      %dma_start3A_39 = tpu.memref_slice %arg2[%dma_start3A_37, %dma_start3A_38] : memref<10000x128xf32, #tpu.memory_space<hbm>> -> memref<10000x128xf32, #tpu.memory_space<hbm>>
      tpu.enqueue_indirect_dma source(%dma_start3A_39 : memref<10000x128xf32, #tpu.memory_space<hbm>>) target(%arg9 : memref<128x128xf32, #tpu.memory_space<vmem>>) offsets(%dma_start3A_36 : memref<128xi32, #tpu.memory_space<vmem>>) semaphore(%arg11 : memref<!tpu.dma_semaphore, #tpu.memory_space<semaphore_mem>>)
      %dma_wait3A = arith.constant 0 : i32
      %dma_wait3A_40 = tpu.memref_slice %arg7[%add3A_34, %dma_wait3A] : memref<79x128xi32, #tpu.memory_space<vmem>> -> memref<1x128xi32, #tpu.memory_space<vmem>>
      %dma_wait3A_41 = tpu.memref_squeeze %dma_wait3A_40 : memref<1x128xi32, #tpu.memory_space<vmem>> -> memref<128xi32, #tpu.memory_space<vmem>>
      %dma_wait3A_42 = arith.constant 0 : i32
      %dma_wait3A_43 = arith.constant 0 : i32
      %dma_wait3A_44 = tpu.memref_slice %arg2[%dma_wait3A_42, %dma_wait3A_43] : memref<10000x128xf32, #tpu.memory_space<hbm>> -> memref<10000x128xf32, #tpu.memory_space<hbm>>
      tpu.wait_indirect_dma semaphore(%arg11 : memref<!tpu.dma_semaphore, #tpu.memory_space<semaphore_mem>>) src(%dma_wait3A_44 : memref<10000x128xf32, #tpu.memory_space<hbm>>) dst(%arg9 : memref<128x128xf32, #tpu.memory_space<vmem>>)
      %dma_start3A_45 = arith.constant 0 : i32
      %dma_start3A_46 = tpu.memref_slice %arg8[%add3A_34, %dma_start3A_45] : memref<79x128xi32, #tpu.memory_space<vmem>> -> memref<1x128xi32, #tpu.memory_space<vmem>>
      %dma_start3A_47 = tpu.memref_squeeze %dma_start3A_46 : memref<1x128xi32, #tpu.memory_space<vmem>> -> memref<128xi32, #tpu.memory_space<vmem>>
      %dma_start3A_48 = arith.constant 0 : i32
      %dma_start3A_49 = arith.constant 0 : i32
      %dma_start3A_50 = tpu.memref_slice %arg10[%dma_start3A_48, %dma_start3A_49] : memref<10240x128xf32, #tpu.memory_space<vmem_shared>> -> memref<10240x128xf32, #tpu.memory_space<vmem_shared>>
      tpu.enqueue_indirect_dma source(%arg9 : memref<128x128xf32, #tpu.memory_space<vmem>>) target(%dma_start3A_50 : memref<10240x128xf32, #tpu.memory_space<vmem_shared>>) offsets(%dma_start3A_47 : memref<128xi32, #tpu.memory_space<vmem>>) semaphore(%arg12 : memref<!tpu.dma_semaphore, #tpu.memory_space<semaphore_mem>>) {add = true}
      %dma_wait3A_51 = arith.constant 0 : i32
      %dma_wait3A_52 = tpu.memref_slice %arg8[%add3A_34, %dma_wait3A_51] : memref<79x128xi32, #tpu.memory_space<vmem>> -> memref<1x128xi32, #tpu.memory_space<vmem>>
      %dma_wait3A_53 = tpu.memref_squeeze %dma_wait3A_52 : memref<1x128xi32, #tpu.memory_space<vmem>> -> memref<128xi32, #tpu.memory_space<vmem>>
      %dma_wait3A_54 = arith.constant 0 : i32
      %dma_wait3A_55 = arith.constant 0 : i32
      %dma_wait3A_56 = tpu.memref_slice %arg10[%dma_wait3A_54, %dma_wait3A_55] : memref<10240x128xf32, #tpu.memory_space<vmem_shared>> -> memref<10240x128xf32, #tpu.memory_space<vmem_shared>>
      tpu.wait_indirect_dma semaphore(%arg12 : memref<!tpu.dma_semaphore, #tpu.memory_space<semaphore_mem>>) src(%arg9 : memref<128x128xf32, #tpu.memory_space<vmem>>) dst(%dma_wait3A_56 : memref<10240x128xf32, #tpu.memory_space<vmem_shared>>)
    }
    %scan3A_24 = arith.constant 79 : i32
    %barrier3A_25 = arith.constant 0 : index
    tpu.barrier barrier_id(%barrier3A_25)
    %mul3A_26 = arith.constant 640 : i32
    %mul3A_27 = arith.muli %arg1, %mul3A_26 : i32
    %mul3A_28 = arith.constant 640 : i32
    %mul3A_29 = arith.muli %arg1, %mul3A_28 : i32
    "tpu.region"() ({
      %run_scoped3A = tpu.sem_alloc : memref<!tpu.dma_semaphore, #tpu.memory_space<semaphore_mem>>
      %dma_start3A = arith.constant 0 : i32
      %dma_start3A_30 = arith.constant 0 : i32
      %dma_start3A_31 = tpu.memref_slice %arg6[%arg0, %dma_start3A, %dma_start3A_30] : memref<2x10240x128xf32, #tpu.memory_space<hbm>> -> memref<1x10240x128xf32, #tpu.memory_space<hbm>>
      %dma_start3A_32 = tpu.memref_squeeze %dma_start3A_31 : memref<1x10240x128xf32, #tpu.memory_space<hbm>> -> memref<10240x128xf32, #tpu.memory_space<hbm>>
      %dma_start3A_33 = arith.constant 0 : i32
      %dma_start3A_34 = tpu.memref_slice %dma_start3A_32[%mul3A_29, %dma_start3A_33] : memref<10240x128xf32, #tpu.memory_space<hbm>> -> memref<640x128xf32, #tpu.memory_space<hbm>>
      %dma_start3A_35 = arith.constant 0 : i32
      %dma_start3A_36 = tpu.memref_slice %arg10[%mul3A_27, %dma_start3A_35] : memref<10240x128xf32, #tpu.memory_space<vmem_shared>> -> memref<640x128xf32, #tpu.memory_space<vmem_shared>>
      tpu.enqueue_dma source(%dma_start3A_36 : memref<640x128xf32, #tpu.memory_space<vmem_shared>>) target(%dma_start3A_34 : memref<640x128xf32, #tpu.memory_space<hbm>>) target_semaphore(%run_scoped3A : memref<!tpu.dma_semaphore, #tpu.memory_space<semaphore_mem>>)
      %dma_wait3A = arith.constant 0 : i32
      %dma_wait3A_37 = arith.constant 0 : i32
      %dma_wait3A_38 = tpu.memref_slice %arg6[%arg0, %dma_wait3A, %dma_wait3A_37] : memref<2x10240x128xf32, #tpu.memory_space<hbm>> -> memref<1x10240x128xf32, #tpu.memory_space<hbm>>
      %dma_wait3A_39 = tpu.memref_squeeze %dma_wait3A_38 : memref<1x10240x128xf32, #tpu.memory_space<hbm>> -> memref<10240x128xf32, #tpu.memory_space<hbm>>
      %dma_wait3A_40 = arith.constant 0 : i32
      %dma_wait3A_41 = tpu.memref_slice %dma_wait3A_39[%mul3A_29, %dma_wait3A_40] : memref<10240x128xf32, #tpu.memory_space<hbm>> -> memref<640x128xf32, #tpu.memory_space<hbm>>
      %dma_wait3A_42 = arith.constant 0 : i32
      %dma_wait3A_43 = tpu.memref_slice %arg10[%mul3A_27, %dma_wait3A_42] : memref<10240x128xf32, #tpu.memory_space<vmem_shared>> -> memref<640x128xf32, #tpu.memory_space<vmem_shared>>
      tpu.wait_dma2 semaphore(%run_scoped3A : memref<!tpu.dma_semaphore, #tpu.memory_space<semaphore_mem>>) src(%dma_wait3A_43 : memref<640x128xf32, #tpu.memory_space<vmem_shared>>) dst(%dma_wait3A_41 : memref<640x128xf32, #tpu.memory_space<hbm>>)
      tpu.yield
    }) : () -> ()
    return
  }
}

#map = affine_map<(d0, d1) -> (0, 0)>
#map1 = affine_map<(d0, d1) -> (0, 0, 0)>
module attributes {stable_mosaic.version = 14 : i64} {
  func.func @_sc_scatter(%arg0: i32, %arg1: i32, %arg2: memref<10000x128xf32, #tpu.memory_space<hbm>>, %arg3: memref<32x79x128xi32, #tpu.memory_space<hbm>>, %arg4: memref<32x79x128xi32, #tpu.memory_space<hbm>>, %arg5: memref<128x128xf32, #tpu.memory_space<hbm>>, %arg6: memref<2x10240x128xf32, #tpu.memory_space<hbm>>, %arg7: memref<79x128xi32, #tpu.memory_space<vmem>>, %arg8: memref<79x128xi32, #tpu.memory_space<vmem>>, %arg9: memref<128x128xf32, #tpu.memory_space<vmem>>, %arg10: memref<10240x128xf32, #tpu.memory_space<vmem_shared>>, %arg11: memref<!tpu.dma_semaphore, #tpu.memory_space<semaphore_mem>>, %arg12: memref<!tpu.dma_semaphore, #tpu.memory_space<semaphore_mem>>) attributes {dimension_semantics = [#tpu.dimension_semantics<core_parallel>, #tpu.dimension_semantics<subcore_parallel>], iteration_bounds = array<i64: 2, 16>, scalar_prefetch = 0 : i64, scratch_operands = 6 : i64, tpu.core_type = #tpu.core_type<sc_vector_subcore>, window_params = [{transform_indices = #map}, {transform_indices = #map1}, {transform_indices = #map1}, {transform_indices = #map}, {transform_indices = #map1}]} {
    %mul3A = arith.constant 16 : i32
    %mul3A_0 = arith.muli %arg0, %mul3A : i32
    %add3A = arith.addi %mul3A_0, %arg1 : i32
    "tpu.region"() ({
      %run_scoped3A = tpu.sem_alloc : memref<!tpu.dma_semaphore, #tpu.memory_space<semaphore_mem>>
      tpu.enqueue_dma source(%arg5 : memref<128x128xf32, #tpu.memory_space<hbm>>) target(%arg9 : memref<128x128xf32, #tpu.memory_space<vmem>>) target_semaphore(%run_scoped3A : memref<!tpu.dma_semaphore, #tpu.memory_space<semaphore_mem>>)
      tpu.wait_dma2 semaphore(%run_scoped3A : memref<!tpu.dma_semaphore, #tpu.memory_space<semaphore_mem>>) src(%arg5 : memref<128x128xf32, #tpu.memory_space<hbm>>) dst(%arg9 : memref<128x128xf32, #tpu.memory_space<vmem>>)
      tpu.yield
    }) : () -> ()
    %mul3A_1 = arith.constant 640 : i32
    %mul3A_2 = arith.muli %arg1, %mul3A_1 : i32
    %add3A_3 = arith.constant 0 : i32
    %add3A_4 = arith.addi %mul3A_2, %add3A_3 : i32
    "tpu.region"() ({
      %run_scoped3A = tpu.sem_alloc : memref<!tpu.dma_semaphore, #tpu.memory_space<semaphore_mem>>
      %dma_start3A = arith.constant 0 : i32
      %dma_start3A_30 = tpu.memref_slice %arg10[%add3A_4, %dma_start3A] : memref<10240x128xf32, #tpu.memory_space<vmem_shared>> -> memref<128x128xf32, #tpu.memory_space<vmem_shared>>
      %dma_start3A_31 = arith.constant 0 : i32
      %dma_start3A_32 = tpu.memref_slice %arg10[%add3A_4, %dma_start3A_31] : memref<10240x128xf32, #tpu.memory_space<vmem_shared>> -> memref<128x128xf32, #tpu.memory_space<vmem_shared>>
      tpu.enqueue_dma source(%arg9 : memref<128x128xf32, #tpu.memory_space<vmem>>) target(%dma_start3A_32 : memref<128x128xf32, #tpu.memory_space<vmem_shared>>) target_semaphore(%run_scoped3A : memref<!tpu.dma_semaphore, #tpu.memory_space<semaphore_mem>>)
      %dma_wait3A = arith.constant 0 : i32
      %dma_wait3A_33 = tpu.memref_slice %arg10[%add3A_4, %dma_wait3A] : memref<10240x128xf32, #tpu.memory_space<vmem_shared>> -> memref<128x128xf32, #tpu.memory_space<vmem_shared>>
      %dma_wait3A_34 = arith.constant 0 : i32
      %dma_wait3A_35 = tpu.memref_slice %arg10[%add3A_4, %dma_wait3A_34] : memref<10240x128xf32, #tpu.memory_space<vmem_shared>> -> memref<128x128xf32, #tpu.memory_space<vmem_shared>>
      tpu.wait_dma2 semaphore(%run_scoped3A : memref<!tpu.dma_semaphore, #tpu.memory_space<semaphore_mem>>) src(%arg9 : memref<128x128xf32, #tpu.memory_space<vmem>>) dst(%dma_wait3A_35 : memref<128x128xf32, #tpu.memory_space<vmem_shared>>)
      tpu.yield
    }) : () -> ()
    %mul3A_5 = arith.constant 640 : i32
    %mul3A_6 = arith.muli %arg1, %mul3A_5 : i32
    %add3A_7 = arith.constant 128 : i32
    %add3A_8 = arith.addi %mul3A_6, %add3A_7 : i32
    "tpu.region"() ({
      %run_scoped3A = tpu.sem_alloc : memref<!tpu.dma_semaphore, #tpu.memory_space<semaphore_mem>>
      %dma_start3A = arith.constant 0 : i32
      %dma_start3A_30 = tpu.memref_slice %arg10[%add3A_8, %dma_start3A] : memref<10240x128xf32, #tpu.memory_space<vmem_shared>> -> memref<128x128xf32, #tpu.memory_space<vmem_shared>>
      %dma_start3A_31 = arith.constant 0 : i32
      %dma_start3A_32 = tpu.memref_slice %arg10[%add3A_8, %dma_start3A_31] : memref<10240x128xf32, #tpu.memory_space<vmem_shared>> -> memref<128x128xf32, #tpu.memory_space<vmem_shared>>
      tpu.enqueue_dma source(%arg9 : memref<128x128xf32, #tpu.memory_space<vmem>>) target(%dma_start3A_32 : memref<128x128xf32, #tpu.memory_space<vmem_shared>>) target_semaphore(%run_scoped3A : memref<!tpu.dma_semaphore, #tpu.memory_space<semaphore_mem>>)
      %dma_wait3A = arith.constant 0 : i32
      %dma_wait3A_33 = tpu.memref_slice %arg10[%add3A_8, %dma_wait3A] : memref<10240x128xf32, #tpu.memory_space<vmem_shared>> -> memref<128x128xf32, #tpu.memory_space<vmem_shared>>
      %dma_wait3A_34 = arith.constant 0 : i32
      %dma_wait3A_35 = tpu.memref_slice %arg10[%add3A_8, %dma_wait3A_34] : memref<10240x128xf32, #tpu.memory_space<vmem_shared>> -> memref<128x128xf32, #tpu.memory_space<vmem_shared>>
      tpu.wait_dma2 semaphore(%run_scoped3A : memref<!tpu.dma_semaphore, #tpu.memory_space<semaphore_mem>>) src(%arg9 : memref<128x128xf32, #tpu.memory_space<vmem>>) dst(%dma_wait3A_35 : memref<128x128xf32, #tpu.memory_space<vmem_shared>>)
      tpu.yield
    }) : () -> ()
    %mul3A_9 = arith.constant 640 : i32
    %mul3A_10 = arith.muli %arg1, %mul3A_9 : i32
    %add3A_11 = arith.constant 256 : i32
    %add3A_12 = arith.addi %mul3A_10, %add3A_11 : i32
    "tpu.region"() ({
      %run_scoped3A = tpu.sem_alloc : memref<!tpu.dma_semaphore, #tpu.memory_space<semaphore_mem>>
      %dma_start3A = arith.constant 0 : i32
      %dma_start3A_30 = tpu.memref_slice %arg10[%add3A_12, %dma_start3A] : memref<10240x128xf32, #tpu.memory_space<vmem_shared>> -> memref<128x128xf32, #tpu.memory_space<vmem_shared>>
      %dma_start3A_31 = arith.constant 0 : i32
      %dma_start3A_32 = tpu.memref_slice %arg10[%add3A_12, %dma_start3A_31] : memref<10240x128xf32, #tpu.memory_space<vmem_shared>> -> memref<128x128xf32, #tpu.memory_space<vmem_shared>>
      tpu.enqueue_dma source(%arg9 : memref<128x128xf32, #tpu.memory_space<vmem>>) target(%dma_start3A_32 : memref<128x128xf32, #tpu.memory_space<vmem_shared>>) target_semaphore(%run_scoped3A : memref<!tpu.dma_semaphore, #tpu.memory_space<semaphore_mem>>)
      %dma_wait3A = arith.constant 0 : i32
      %dma_wait3A_33 = tpu.memref_slice %arg10[%add3A_12, %dma_wait3A] : memref<10240x128xf32, #tpu.memory_space<vmem_shared>> -> memref<128x128xf32, #tpu.memory_space<vmem_shared>>
      %dma_wait3A_34 = arith.constant 0 : i32
      %dma_wait3A_35 = tpu.memref_slice %arg10[%add3A_12, %dma_wait3A_34] : memref<10240x128xf32, #tpu.memory_space<vmem_shared>> -> memref<128x128xf32, #tpu.memory_space<vmem_shared>>
      tpu.wait_dma2 semaphore(%run_scoped3A : memref<!tpu.dma_semaphore, #tpu.memory_space<semaphore_mem>>) src(%arg9 : memref<128x128xf32, #tpu.memory_space<vmem>>) dst(%dma_wait3A_35 : memref<128x128xf32, #tpu.memory_space<vmem_shared>>)
      tpu.yield
    }) : () -> ()
    %mul3A_13 = arith.constant 640 : i32
    %mul3A_14 = arith.muli %arg1, %mul3A_13 : i32
    %add3A_15 = arith.constant 384 : i32
    %add3A_16 = arith.addi %mul3A_14, %add3A_15 : i32
    "tpu.region"() ({
      %run_scoped3A = tpu.sem_alloc : memref<!tpu.dma_semaphore, #tpu.memory_space<semaphore_mem>>
      %dma_start3A = arith.constant 0 : i32
      %dma_start3A_30 = tpu.memref_slice %arg10[%add3A_16, %dma_start3A] : memref<10240x128xf32, #tpu.memory_space<vmem_shared>> -> memref<128x128xf32, #tpu.memory_space<vmem_shared>>
      %dma_start3A_31 = arith.constant 0 : i32
      %dma_start3A_32 = tpu.memref_slice %arg10[%add3A_16, %dma_start3A_31] : memref<10240x128xf32, #tpu.memory_space<vmem_shared>> -> memref<128x128xf32, #tpu.memory_space<vmem_shared>>
      tpu.enqueue_dma source(%arg9 : memref<128x128xf32, #tpu.memory_space<vmem>>) target(%dma_start3A_32 : memref<128x128xf32, #tpu.memory_space<vmem_shared>>) target_semaphore(%run_scoped3A : memref<!tpu.dma_semaphore, #tpu.memory_space<semaphore_mem>>)
      %dma_wait3A = arith.constant 0 : i32
      %dma_wait3A_33 = tpu.memref_slice %arg10[%add3A_16, %dma_wait3A] : memref<10240x128xf32, #tpu.memory_space<vmem_shared>> -> memref<128x128xf32, #tpu.memory_space<vmem_shared>>
      %dma_wait3A_34 = arith.constant 0 : i32
      %dma_wait3A_35 = tpu.memref_slice %arg10[%add3A_16, %dma_wait3A_34] : memref<10240x128xf32, #tpu.memory_space<vmem_shared>> -> memref<128x128xf32, #tpu.memory_space<vmem_shared>>
      tpu.wait_dma2 semaphore(%run_scoped3A : memref<!tpu.dma_semaphore, #tpu.memory_space<semaphore_mem>>) src(%arg9 : memref<128x128xf32, #tpu.memory_space<vmem>>) dst(%dma_wait3A_35 : memref<128x128xf32, #tpu.memory_space<vmem_shared>>)
      tpu.yield
    }) : () -> ()
    %mul3A_17 = arith.constant 640 : i32
    %mul3A_18 = arith.muli %arg1, %mul3A_17 : i32
    %add3A_19 = arith.constant 512 : i32
    %add3A_20 = arith.addi %mul3A_18, %add3A_19 : i32
    "tpu.region"() ({
      %run_scoped3A = tpu.sem_alloc : memref<!tpu.dma_semaphore, #tpu.memory_space<semaphore_mem>>
      %dma_start3A = arith.constant 0 : i32
      %dma_start3A_30 = tpu.memref_slice %arg10[%add3A_20, %dma_start3A] : memref<10240x128xf32, #tpu.memory_space<vmem_shared>> -> memref<128x128xf32, #tpu.memory_space<vmem_shared>>
      %dma_start3A_31 = arith.constant 0 : i32
      %dma_start3A_32 = tpu.memref_slice %arg10[%add3A_20, %dma_start3A_31] : memref<10240x128xf32, #tpu.memory_space<vmem_shared>> -> memref<128x128xf32, #tpu.memory_space<vmem_shared>>
      tpu.enqueue_dma source(%arg9 : memref<128x128xf32, #tpu.memory_space<vmem>>) target(%dma_start3A_32 : memref<128x128xf32, #tpu.memory_space<vmem_shared>>) target_semaphore(%run_scoped3A : memref<!tpu.dma_semaphore, #tpu.memory_space<semaphore_mem>>)
      %dma_wait3A = arith.constant 0 : i32
      %dma_wait3A_33 = tpu.memref_slice %arg10[%add3A_20, %dma_wait3A] : memref<10240x128xf32, #tpu.memory_space<vmem_shared>> -> memref<128x128xf32, #tpu.memory_space<vmem_shared>>
      %dma_wait3A_34 = arith.constant 0 : i32
      %dma_wait3A_35 = tpu.memref_slice %arg10[%add3A_20, %dma_wait3A_34] : memref<10240x128xf32, #tpu.memory_space<vmem_shared>> -> memref<128x128xf32, #tpu.memory_space<vmem_shared>>
      tpu.wait_dma2 semaphore(%run_scoped3A : memref<!tpu.dma_semaphore, #tpu.memory_space<semaphore_mem>>) src(%arg9 : memref<128x128xf32, #tpu.memory_space<vmem>>) dst(%dma_wait3A_35 : memref<128x128xf32, #tpu.memory_space<vmem_shared>>)
      tpu.yield
    }) : () -> ()
    "tpu.region"() ({
      %run_scoped3A = tpu.sem_alloc : memref<!tpu.dma_semaphore, #tpu.memory_space<semaphore_mem>>
      %dma_start3A = arith.constant 0 : i32
      %dma_start3A_30 = arith.constant 0 : i32
      %dma_start3A_31 = tpu.memref_slice %arg3[%add3A, %dma_start3A, %dma_start3A_30] : memref<32x79x128xi32, #tpu.memory_space<hbm>> -> memref<1x79x128xi32, #tpu.memory_space<hbm>>
      %dma_start3A_32 = tpu.memref_squeeze %dma_start3A_31 : memref<1x79x128xi32, #tpu.memory_space<hbm>> -> memref<79x128xi32, #tpu.memory_space<hbm>>
      %dma_start3A_33 = arith.constant 0 : i32
      %dma_start3A_34 = arith.constant 0 : i32
      %dma_start3A_35 = tpu.memref_slice %arg3[%add3A, %dma_start3A_33, %dma_start3A_34] : memref<32x79x128xi32, #tpu.memory_space<hbm>> -> memref<1x79x128xi32, #tpu.memory_space<hbm>>
      %dma_start3A_36 = tpu.memref_squeeze %dma_start3A_35 : memref<1x79x128xi32, #tpu.memory_space<hbm>> -> memref<79x128xi32, #tpu.memory_space<hbm>>
      tpu.enqueue_dma source(%dma_start3A_36 : memref<79x128xi32, #tpu.memory_space<hbm>>) target(%arg7 : memref<79x128xi32, #tpu.memory_space<vmem>>) target_semaphore(%run_scoped3A : memref<!tpu.dma_semaphore, #tpu.memory_space<semaphore_mem>>)
      %dma_wait3A = arith.constant 0 : i32
      %dma_wait3A_37 = arith.constant 0 : i32
      %dma_wait3A_38 = tpu.memref_slice %arg3[%add3A, %dma_wait3A, %dma_wait3A_37] : memref<32x79x128xi32, #tpu.memory_space<hbm>> -> memref<1x79x128xi32, #tpu.memory_space<hbm>>
      %dma_wait3A_39 = tpu.memref_squeeze %dma_wait3A_38 : memref<1x79x128xi32, #tpu.memory_space<hbm>> -> memref<79x128xi32, #tpu.memory_space<hbm>>
      %dma_wait3A_40 = arith.constant 0 : i32
      %dma_wait3A_41 = arith.constant 0 : i32
      %dma_wait3A_42 = tpu.memref_slice %arg3[%add3A, %dma_wait3A_40, %dma_wait3A_41] : memref<32x79x128xi32, #tpu.memory_space<hbm>> -> memref<1x79x128xi32, #tpu.memory_space<hbm>>
      %dma_wait3A_43 = tpu.memref_squeeze %dma_wait3A_42 : memref<1x79x128xi32, #tpu.memory_space<hbm>> -> memref<79x128xi32, #tpu.memory_space<hbm>>
      tpu.wait_dma2 semaphore(%run_scoped3A : memref<!tpu.dma_semaphore, #tpu.memory_space<semaphore_mem>>) src(%dma_wait3A_43 : memref<79x128xi32, #tpu.memory_space<hbm>>) dst(%arg7 : memref<79x128xi32, #tpu.memory_space<vmem>>)
      tpu.yield
    }) : () -> ()
    "tpu.region"() ({
      %run_scoped3A = tpu.sem_alloc : memref<!tpu.dma_semaphore, #tpu.memory_space<semaphore_mem>>
      %dma_start3A = arith.constant 0 : i32
      %dma_start3A_30 = arith.constant 0 : i32
      %dma_start3A_31 = tpu.memref_slice %arg4[%add3A, %dma_start3A, %dma_start3A_30] : memref<32x79x128xi32, #tpu.memory_space<hbm>> -> memref<1x79x128xi32, #tpu.memory_space<hbm>>
      %dma_start3A_32 = tpu.memref_squeeze %dma_start3A_31 : memref<1x79x128xi32, #tpu.memory_space<hbm>> -> memref<79x128xi32, #tpu.memory_space<hbm>>
      %dma_start3A_33 = arith.constant 0 : i32
      %dma_start3A_34 = arith.constant 0 : i32
      %dma_start3A_35 = tpu.memref_slice %arg4[%add3A, %dma_start3A_33, %dma_start3A_34] : memref<32x79x128xi32, #tpu.memory_space<hbm>> -> memref<1x79x128xi32, #tpu.memory_space<hbm>>
      %dma_start3A_36 = tpu.memref_squeeze %dma_start3A_35 : memref<1x79x128xi32, #tpu.memory_space<hbm>> -> memref<79x128xi32, #tpu.memory_space<hbm>>
      tpu.enqueue_dma source(%dma_start3A_36 : memref<79x128xi32, #tpu.memory_space<hbm>>) target(%arg8 : memref<79x128xi32, #tpu.memory_space<vmem>>) target_semaphore(%run_scoped3A : memref<!tpu.dma_semaphore, #tpu.memory_space<semaphore_mem>>)
      %dma_wait3A = arith.constant 0 : i32
      %dma_wait3A_37 = arith.constant 0 : i32
      %dma_wait3A_38 = tpu.memref_slice %arg4[%add3A, %dma_wait3A, %dma_wait3A_37] : memref<32x79x128xi32, #tpu.memory_space<hbm>> -> memref<1x79x128xi32, #tpu.memory_space<hbm>>
      %dma_wait3A_39 = tpu.memref_squeeze %dma_wait3A_38 : memref<1x79x128xi32, #tpu.memory_space<hbm>> -> memref<79x128xi32, #tpu.memory_space<hbm>>
      %dma_wait3A_40 = arith.constant 0 : i32
      %dma_wait3A_41 = arith.constant 0 : i32
      %dma_wait3A_42 = tpu.memref_slice %arg4[%add3A, %dma_wait3A_40, %dma_wait3A_41] : memref<32x79x128xi32, #tpu.memory_space<hbm>> -> memref<1x79x128xi32, #tpu.memory_space<hbm>>
      %dma_wait3A_43 = tpu.memref_squeeze %dma_wait3A_42 : memref<1x79x128xi32, #tpu.memory_space<hbm>> -> memref<79x128xi32, #tpu.memory_space<hbm>>
      tpu.wait_dma2 semaphore(%run_scoped3A : memref<!tpu.dma_semaphore, #tpu.memory_space<semaphore_mem>>) src(%dma_wait3A_43 : memref<79x128xi32, #tpu.memory_space<hbm>>) dst(%arg8 : memref<79x128xi32, #tpu.memory_space<vmem>>)
      tpu.yield
    }) : () -> ()
    %barrier3A = arith.constant 0 : index
    tpu.barrier barrier_id(%barrier3A)
    %scan3A = arith.constant 0 : i32
    %scan3A_21 = arith.constant 79 : i32
    %scan3A_22 = arith.addi %scan3A, %scan3A_21 : i32
    %scan3A_23 = arith.constant 1 : i32
    scf.for %scan3A_30 = %scan3A to %scan3A_22 step %scan3A_23  : i32 {
      %mul3A_31 = arith.constant 1 : i32
      %mul3A_32 = arith.muli %scan3A_30, %mul3A_31 : i32
      %add3A_33 = arith.constant 0 : i32
      %add3A_34 = arith.addi %add3A_33, %mul3A_32 : i32
      %dma_start3A = arith.constant 0 : i32
      %dma_start3A_35 = tpu.memref_slice %arg7[%add3A_34, %dma_start3A] : memref<79x128xi32, #tpu.memory_space<vmem>> -> memref<1x128xi32, #tpu.memory_space<vmem>>
      %dma_start3A_36 = tpu.memref_squeeze %dma_start3A_35 : memref<1x128xi32, #tpu.memory_space<vmem>> -> memref<128xi32, #tpu.memory_space<vmem>>
      %dma_start3A_37 = arith.constant 0 : i32
      %dma_start3A_38 = arith.constant 0 : i32
      %dma_start3A_39 = tpu.memref_slice %arg2[%dma_start3A_37, %dma_start3A_38] : memref<10000x128xf32, #tpu.memory_space<hbm>> -> memref<10000x128xf32, #tpu.memory_space<hbm>>
      tpu.enqueue_indirect_dma source(%dma_start3A_39 : memref<10000x128xf32, #tpu.memory_space<hbm>>) target(%arg9 : memref<128x128xf32, #tpu.memory_space<vmem>>) offsets(%dma_start3A_36 : memref<128xi32, #tpu.memory_space<vmem>>) semaphore(%arg11 : memref<!tpu.dma_semaphore, #tpu.memory_space<semaphore_mem>>)
      %dma_wait3A = arith.constant 0 : i32
      %dma_wait3A_40 = tpu.memref_slice %arg7[%add3A_34, %dma_wait3A] : memref<79x128xi32, #tpu.memory_space<vmem>> -> memref<1x128xi32, #tpu.memory_space<vmem>>
      %dma_wait3A_41 = tpu.memref_squeeze %dma_wait3A_40 : memref<1x128xi32, #tpu.memory_space<vmem>> -> memref<128xi32, #tpu.memory_space<vmem>>
      %dma_wait3A_42 = arith.constant 0 : i32
      %dma_wait3A_43 = arith.constant 0 : i32
      %dma_wait3A_44 = tpu.memref_slice %arg2[%dma_wait3A_42, %dma_wait3A_43] : memref<10000x128xf32, #tpu.memory_space<hbm>> -> memref<10000x128xf32, #tpu.memory_space<hbm>>
      tpu.wait_indirect_dma semaphore(%arg11 : memref<!tpu.dma_semaphore, #tpu.memory_space<semaphore_mem>>) src(%dma_wait3A_44 : memref<10000x128xf32, #tpu.memory_space<hbm>>) dst(%arg9 : memref<128x128xf32, #tpu.memory_space<vmem>>)
      %dma_start3A_45 = arith.constant 0 : i32
      %dma_start3A_46 = tpu.memref_slice %arg8[%add3A_34, %dma_start3A_45] : memref<79x128xi32, #tpu.memory_space<vmem>> -> memref<1x128xi32, #tpu.memory_space<vmem>>
      %dma_start3A_47 = tpu.memref_squeeze %dma_start3A_46 : memref<1x128xi32, #tpu.memory_space<vmem>> -> memref<128xi32, #tpu.memory_space<vmem>>
      %dma_start3A_48 = arith.constant 0 : i32
      %dma_start3A_49 = arith.constant 0 : i32
      %dma_start3A_50 = tpu.memref_slice %arg10[%dma_start3A_48, %dma_start3A_49] : memref<10240x128xf32, #tpu.memory_space<vmem_shared>> -> memref<10240x128xf32, #tpu.memory_space<vmem_shared>>
      tpu.enqueue_indirect_dma source(%arg9 : memref<128x128xf32, #tpu.memory_space<vmem>>) target(%dma_start3A_50 : memref<10240x128xf32, #tpu.memory_space<vmem_shared>>) offsets(%dma_start3A_47 : memref<128xi32, #tpu.memory_space<vmem>>) semaphore(%arg12 : memref<!tpu.dma_semaphore, #tpu.memory_space<semaphore_mem>>) {add = true}
      %dma_wait3A_51 = arith.constant 0 : i32
      %dma_wait3A_52 = tpu.memref_slice %arg8[%add3A_34, %dma_wait3A_51] : memref<79x128xi32, #tpu.memory_space<vmem>> -> memref<1x128xi32, #tpu.memory_space<vmem>>
      %dma_wait3A_53 = tpu.memref_squeeze %dma_wait3A_52 : memref<1x128xi32, #tpu.memory_space<vmem>> -> memref<128xi32, #tpu.memory_space<vmem>>
      %dma_wait3A_54 = arith.constant 0 : i32
      %dma_wait3A_55 = arith.constant 0 : i32
      %dma_wait3A_56 = tpu.memref_slice %arg10[%dma_wait3A_54, %dma_wait3A_55] : memref<10240x128xf32, #tpu.memory_space<vmem_shared>> -> memref<10240x128xf32, #tpu.memory_space<vmem_shared>>
      tpu.wait_indirect_dma semaphore(%arg12 : memref<!tpu.dma_semaphore, #tpu.memory_space<semaphore_mem>>) src(%arg9 : memref<128x128xf32, #tpu.memory_space<vmem>>) dst(%dma_wait3A_56 : memref<10240x128xf32, #tpu.memory_space<vmem_shared>>)
    }
    %scan3A_24 = arith.constant 79 : i32
    %barrier3A_25 = arith.constant 0 : index
    tpu.barrier barrier_id(%barrier3A_25)
    %mul3A_26 = arith.constant 640 : i32
    %mul3A_27 = arith.muli %arg1, %mul3A_26 : i32
    %mul3A_28 = arith.constant 640 : i32
    %mul3A_29 = arith.muli %arg1, %mul3A_28 : i32
    "tpu.region"() ({
      %run_scoped3A = tpu.sem_alloc : memref<!tpu.dma_semaphore, #tpu.memory_space<semaphore_mem>>
      %dma_start3A = arith.constant 0 : i32
      %dma_start3A_30 = arith.constant 0 : i32
      %dma_start3A_31 = tpu.memref_slice %arg6[%arg0, %dma_start3A, %dma_start3A_30] : memref<2x10240x128xf32, #tpu.memory_space<hbm>> -> memref<1x10240x128xf32, #tpu.memory_space<hbm>>
      %dma_start3A_32 = tpu.memref_squeeze %dma_start3A_31 : memref<1x10240x128xf32, #tpu.memory_space<hbm>> -> memref<10240x128xf32, #tpu.memory_space<hbm>>
      %dma_start3A_33 = arith.constant 0 : i32
      %dma_start3A_34 = tpu.memref_slice %dma_start3A_32[%mul3A_29, %dma_start3A_33] : memref<10240x128xf32, #tpu.memory_space<hbm>> -> memref<640x128xf32, #tpu.memory_space<hbm>>
      %dma_start3A_35 = arith.constant 0 : i32
      %dma_start3A_36 = tpu.memref_slice %arg10[%mul3A_27, %dma_start3A_35] : memref<10240x128xf32, #tpu.memory_space<vmem_shared>> -> memref<640x128xf32, #tpu.memory_space<vmem_shared>>
      tpu.enqueue_dma source(%dma_start3A_36 : memref<640x128xf32, #tpu.memory_space<vmem_shared>>) target(%dma_start3A_34 : memref<640x128xf32, #tpu.memory_space<hbm>>) target_semaphore(%run_scoped3A : memref<!tpu.dma_semaphore, #tpu.memory_space<semaphore_mem>>)
      %dma_wait3A = arith.constant 0 : i32
      %dma_wait3A_37 = arith.constant 0 : i32
      %dma_wait3A_38 = tpu.memref_slice %arg6[%arg0, %dma_wait3A, %dma_wait3A_37] : memref<2x10240x128xf32, #tpu.memory_space<hbm>> -> memref<1x10240x128xf32, #tpu.memory_space<hbm>>
      %dma_wait3A_39 = tpu.memref_squeeze %dma_wait3A_38 : memref<1x10240x128xf32, #tpu.memory_space<hbm>> -> memref<10240x128xf32, #tpu.memory_space<hbm>>
      %dma_wait3A_40 = arith.constant 0 : i32
      %dma_wait3A_41 = tpu.memref_slice %dma_wait3A_39[%mul3A_29, %dma_wait3A_40] : memref<10240x128xf32, #tpu.memory_space<hbm>> -> memref<640x128xf32, #tpu.memory_space<hbm>>
      %dma_wait3A_42 = arith.constant 0 : i32
      %dma_wait3A_43 = tpu.memref_slice %arg10[%mul3A_27, %dma_wait3A_42] : memref<10240x128xf32, #tpu.memory_space<vmem_shared>> -> memref<640x128xf32, #tpu.memory_space<vmem_shared>>
      tpu.wait_dma2 semaphore(%run_scoped3A : memref<!tpu.dma_semaphore, #tpu.memory_space<semaphore_mem>>) src(%dma_wait3A_43 : memref<640x128xf32, #tpu.memory_space<vmem_shared>>) dst(%dma_wait3A_41 : memref<640x128xf32, #tpu.memory_space<hbm>>)
      tpu.yield
    }) : () -> ()
    return
  }
}

module attributes {stable_mosaic.version = 14 : i64} {
  func.func @_mm1_body(%arg0: i32, %arg1: memref<1000x128xf32, #tpu.memory_space<vmem>>, %arg2: memref<128x128xf32, #tpu.memory_space<vmem>>, %arg3: memref<1x1000x1xf32, #tpu.memory_space<vmem>>, %arg4: memref<1x1000x1xf32, #tpu.memory_space<vmem>>, %arg5: memref<1000x128xf32, #tpu.memory_space<vmem>>) attributes {dimension_semantics = [#tpu.dimension_semantics<arbitrary>], iteration_bounds = array<i64: 10>, scalar_prefetch = 0 : i64, scratch_operands = 0 : i64, tpu.core_type = #tpu.core_type<tc>, window_params = [{transform_indices = @transform_0, window_bounds = array<i64: 1000, 128>}, {pipeline_mode = #tpu.pipeline_mode<synchronous>, transform_indices = @transform_1, window_bounds = array<i64: 128, 128>}, {transform_indices = @transform_2, window_bounds = array<i64: 1, 1000, 1>}, {transform_indices = @transform_3, window_bounds = array<i64: 1, 1000, 1>}, {transform_indices = @transform_4, window_bounds = array<i64: 1000, 128>}]} {
    %get3A = arith.constant 0 : index
    %get3A_0 = arith.constant 0 : index
    %get3A_1 = arith.constant 0 : index
    %get3A_2 = vector.load %arg3[%get3A, %get3A_0, %get3A_1] : memref<1x1000x1xf32, #tpu.memory_space<vmem>>, vector<1x1000x1xf32>
    %get3A_3 = vector.shape_cast %get3A_2 : vector<1x1000x1xf32> to vector<1000x1xf32>
    %get3A_4 = arith.constant 0 : index
    %get3A_5 = arith.constant 0 : index
    %get3A_6 = arith.constant 0 : index
    %get3A_7 = vector.load %arg4[%get3A_4, %get3A_5, %get3A_6] : memref<1x1000x1xf32, #tpu.memory_space<vmem>>, vector<1x1000x1xf32>
    %get3A_8 = vector.shape_cast %get3A_7 : vector<1x1000x1xf32> to vector<1000x1xf32>
    %add3A = arith.addf %get3A_3, %get3A_8 : vector<1000x1xf32>
    %add3A_9 = arith.constant 1.000000e+00 : f32
    %add3A_10 = vector.broadcast %add3A_9 : f32 to vector<1000x1xf32>
    %add3A_11 = arith.addf %add3A, %add3A_10 : vector<1000x1xf32>
    %rsqrt3A = math.rsqrt %add3A_11 : vector<1000x1xf32>
    %get3A_12 = arith.constant 0 : index
    %get3A_13 = arith.constant 0 : index
    %get3A_14 = vector.load %arg1[%get3A_12, %get3A_13] : memref<1000x128xf32, #tpu.memory_space<vmem>>, vector<1000x128xf32>
    %get3A_15 = arith.constant 0 : index
    %get3A_16 = arith.constant 0 : index
    %get3A_17 = vector.load %arg2[%get3A_15, %get3A_16] : memref<128x128xf32, #tpu.memory_space<vmem>>, vector<128x128xf32>
    %dot_general3A = arith.constant dense<0.000000e+00> : vector<1000x128xf32>
    %dot_general3A_18 = tpu.matmul %get3A_14, %get3A_17, %dot_general3A {dimension_numbers = #tpu.dot_dimension_numbers<[1], [0], [0], [1], [0, 0, 1, 1], [], []>, transpose_lhs_hint = false} : vector<1000x128xf32>, vector<128x128xf32>, vector<1000x128xf32> -> vector<1000x128xf32>
    %mul3A = vector.broadcast %rsqrt3A : vector<1000x1xf32> to vector<1000x128xf32>
    %mul3A_19 = arith.mulf %dot_general3A_18, %mul3A : vector<1000x128xf32>
    %swap3A = arith.constant 0 : index
    %swap3A_20 = arith.constant 0 : index
    %swap3A_21 = vector.load %arg5[%swap3A, %swap3A_20] : memref<1000x128xf32, #tpu.memory_space<vmem>>, vector<1000x128xf32>
    tpu.vector_store %arg5[%swap3A, %swap3A_20], %mul3A_19 {strides = array<i32>} : memref<1000x128xf32, #tpu.memory_space<vmem>>, vector<1000x128xf32>,
    return
  }
  func.func @transform_0(%arg0: i32) -> (i32, i32) {
    %c0_i32 = arith.constant 0 : i32
    %c0_i32_0 = arith.constant 0 : i32
    return %arg0, %c0_i32 : i32, i32
  }
  func.func @transform_1(%arg0: i32) -> (i32, i32) {
    %c0_i32 = arith.constant 0 : i32
    %c0_i32_0 = arith.constant 0 : i32
    %c0_i32_1 = arith.constant 0 : i32
    return %c0_i32, %c0_i32_0 : i32, i32
  }
  func.func @transform_2(%arg0: i32) -> (i32, i32, i32) {
    %c0_i32 = arith.constant 0 : i32
    %c0_i32_0 = arith.constant 0 : i32
    %c0_i32_1 = arith.constant 0 : i32
    return %c0_i32, %arg0, %c0_i32_0 : i32, i32, i32
  }
  func.func @transform_3(%arg0: i32) -> (i32, i32, i32) {
    %c1_i32 = arith.constant 1 : i32
    %c0_i32 = arith.constant 0 : i32
    %c0_i32_0 = arith.constant 0 : i32
    return %c1_i32, %arg0, %c0_i32 : i32, i32, i32
  }
  func.func @transform_4(%arg0: i32) -> (i32, i32) {
    %c0_i32 = arith.constant 0 : i32
    %c0_i32_0 = arith.constant 0 : i32
    return %arg0, %c0_i32 : i32, i32
  }
}

module attributes {stable_mosaic.version = 14 : i64} {
  func.func @_mm2_body(%arg0: i32, %arg1: memref<1x1000x128xf32, #tpu.memory_space<vmem>>, %arg2: memref<1x1000x128xf32, #tpu.memory_space<vmem>>, %arg3: memref<1000x128xf32, #tpu.memory_space<vmem>>, %arg4: memref<1x1000x1xf32, #tpu.memory_space<vmem>>, %arg5: memref<1x1000x1xf32, #tpu.memory_space<vmem>>, %arg6: memref<1x128xf32, #tpu.memory_space<vmem>>, %arg7: memref<128x128xf32, #tpu.memory_space<vmem>>, %arg8: memref<1000x128xf32, #tpu.memory_space<vmem>>) attributes {dimension_semantics = [#tpu.dimension_semantics<arbitrary>], iteration_bounds = array<i64: 10>, scalar_prefetch = 0 : i64, scratch_operands = 0 : i64, tpu.core_type = #tpu.core_type<tc>, window_params = [{transform_indices = @transform_0, window_bounds = array<i64: 1, 1000, 128>}, {transform_indices = @transform_1, window_bounds = array<i64: 1, 1000, 128>}, {transform_indices = @transform_2, window_bounds = array<i64: 1000, 128>}, {transform_indices = @transform_3, window_bounds = array<i64: 1, 1000, 1>}, {transform_indices = @transform_4, window_bounds = array<i64: 1, 1000, 1>}, {pipeline_mode = #tpu.pipeline_mode<synchronous>, transform_indices = @transform_5, window_bounds = array<i64: 1, 128>}, {pipeline_mode = #tpu.pipeline_mode<synchronous>, transform_indices = @transform_6, window_bounds = array<i64: 128, 128>}, {transform_indices = @transform_7, window_bounds = array<i64: 1000, 128>}]} {
    %get3A = arith.constant 0 : index
    %get3A_0 = arith.constant 0 : index
    %get3A_1 = arith.constant 0 : index
    %get3A_2 = vector.load %arg4[%get3A, %get3A_0, %get3A_1] : memref<1x1000x1xf32, #tpu.memory_space<vmem>>, vector<1x1000x1xf32>
    %get3A_3 = vector.shape_cast %get3A_2 : vector<1x1000x1xf32> to vector<1000x1xf32>
    %get3A_4 = arith.constant 0 : index
    %get3A_5 = arith.constant 0 : index
    %get3A_6 = arith.constant 0 : index
    %get3A_7 = vector.load %arg5[%get3A_4, %get3A_5, %get3A_6] : memref<1x1000x1xf32, #tpu.memory_space<vmem>>, vector<1x1000x1xf32>
    %get3A_8 = vector.shape_cast %get3A_7 : vector<1x1000x1xf32> to vector<1000x1xf32>
    %add3A = arith.addf %get3A_3, %get3A_8 : vector<1000x1xf32>
    %add3A_9 = arith.constant 1.000000e+00 : f32
    %add3A_10 = vector.broadcast %add3A_9 : f32 to vector<1000x1xf32>
    %add3A_11 = arith.addf %add3A, %add3A_10 : vector<1000x1xf32>
    %rsqrt3A = math.rsqrt %add3A_11 : vector<1000x1xf32>
    %get3A_12 = arith.constant 0 : index
    %get3A_13 = arith.constant 0 : index
    %get3A_14 = arith.constant 0 : index
    %get3A_15 = vector.load %arg1[%get3A_12, %get3A_13, %get3A_14] : memref<1x1000x128xf32, #tpu.memory_space<vmem>>, vector<1x1000x128xf32>
    %get3A_16 = vector.shape_cast %get3A_15 : vector<1x1000x128xf32> to vector<1000x128xf32>
    %get3A_17 = arith.constant 0 : index
    %get3A_18 = arith.constant 0 : index
    %get3A_19 = arith.constant 0 : index
    %get3A_20 = vector.load %arg2[%get3A_17, %get3A_18, %get3A_19] : memref<1x1000x128xf32, #tpu.memory_space<vmem>>, vector<1x1000x128xf32>
    %get3A_21 = vector.shape_cast %get3A_20 : vector<1x1000x128xf32> to vector<1000x128xf32>
    %add3A_22 = arith.addf %get3A_16, %get3A_21 : vector<1000x128xf32>
    %get3A_23 = arith.constant 0 : index
    %get3A_24 = arith.constant 0 : index
    %get3A_25 = vector.load %arg3[%get3A_23, %get3A_24] : memref<1000x128xf32, #tpu.memory_space<vmem>>, vector<1000x128xf32>
    %add3A_26 = arith.addf %add3A_22, %get3A_25 : vector<1000x128xf32>
    %mul3A = vector.broadcast %rsqrt3A : vector<1000x1xf32> to vector<1000x128xf32>
    %mul3A_27 = arith.mulf %mul3A, %add3A_26 : vector<1000x128xf32>
    %get3A_28 = arith.constant 0 : index
    %get3A_29 = arith.constant 0 : index
    %get3A_30 = vector.load %arg6[%get3A_28, %get3A_29] : memref<1x128xf32, #tpu.memory_space<vmem>>, vector<1x128xf32>
    %add3A_31 = vector.broadcast %get3A_30 : vector<1x128xf32> to vector<1000x128xf32>
    %add3A_32 = arith.addf %mul3A_27, %add3A_31 : vector<1000x128xf32>
    %max3A = arith.constant 0.000000e+00 : f32
    %max3A_33 = vector.broadcast %max3A : f32 to vector<1000x128xf32>
    %max3A_34 = arith.maximumf %add3A_32, %max3A_33 : vector<1000x128xf32>
    %get3A_35 = arith.constant 0 : index
    %get3A_36 = arith.constant 0 : index
    %get3A_37 = vector.load %arg7[%get3A_35, %get3A_36] : memref<128x128xf32, #tpu.memory_space<vmem>>, vector<128x128xf32>
    %dot_general3A = arith.constant dense<0.000000e+00> : vector<1000x128xf32>
    %dot_general3A_38 = tpu.matmul %max3A_34, %get3A_37, %dot_general3A {dimension_numbers = #tpu.dot_dimension_numbers<[1], [0], [0], [1], [0, 0, 1, 1], [], []>, transpose_lhs_hint = false} : vector<1000x128xf32>, vector<128x128xf32>, vector<1000x128xf32> -> vector<1000x128xf32>
    %mul3A_39 = vector.broadcast %rsqrt3A : vector<1000x1xf32> to vector<1000x128xf32>
    %mul3A_40 = arith.mulf %dot_general3A_38, %mul3A_39 : vector<1000x128xf32>
    %swap3A = arith.constant 0 : index
    %swap3A_41 = arith.constant 0 : index
    %swap3A_42 = vector.load %arg8[%swap3A, %swap3A_41] : memref<1000x128xf32, #tpu.memory_space<vmem>>, vector<1000x128xf32>
    tpu.vector_store %arg8[%swap3A, %swap3A_41], %mul3A_40 {strides = array<i32>} : memref<1000x128xf32, #tpu.memory_space<vmem>>, vector<1000x128xf32>,
    return
  }
  func.func @transform_0(%arg0: i32) -> (i32, i32, i32) {
    %c0_i32 = arith.constant 0 : i32
    %c0_i32_0 = arith.constant 0 : i32
    %c0_i32_1 = arith.constant 0 : i32
    return %c0_i32, %arg0, %c0_i32_0 : i32, i32, i32
  }
  func.func @transform_1(%arg0: i32) -> (i32, i32, i32) {
    %c1_i32 = arith.constant 1 : i32
    %c0_i32 = arith.constant 0 : i32
    %c0_i32_0 = arith.constant 0 : i32
    return %c1_i32, %arg0, %c0_i32 : i32, i32, i32
  }
  func.func @transform_2(%arg0: i32) -> (i32, i32) {
    %c0_i32 = arith.constant 0 : i32
    %c0_i32_0 = arith.constant 0 : i32
    return %arg0, %c0_i32 : i32, i32
  }
  func.func @transform_3(%arg0: i32) -> (i32, i32, i32) {
    %c0_i32 = arith.constant 0 : i32
    %c0_i32_0 = arith.constant 0 : i32
    %c0_i32_1 = arith.constant 0 : i32
    return %c0_i32, %arg0, %c0_i32_0 : i32, i32, i32
  }
  func.func @transform_4(%arg0: i32) -> (i32, i32, i32) {
    %c1_i32 = arith.constant 1 : i32
    %c0_i32 = arith.constant 0 : i32
    %c0_i32_0 = arith.constant 0 : i32
    return %c1_i32, %arg0, %c0_i32 : i32, i32, i32
  }
  func.func @transform_5(%arg0: i32) -> (i32, i32) {
    %c0_i32 = arith.constant 0 : i32
    %c0_i32_0 = arith.constant 0 : i32
    %c0_i32_1 = arith.constant 0 : i32
    return %c0_i32, %c0_i32_0 : i32, i32
  }
  func.func @transform_6(%arg0: i32) -> (i32, i32) {
    %c0_i32 = arith.constant 0 : i32
    %c0_i32_0 = arith.constant 0 : i32
    %c0_i32_1 = arith.constant 0 : i32
    return %c0_i32, %c0_i32_0 : i32, i32
  }
  func.func @transform_7(%arg0: i32) -> (i32, i32) {
    %c0_i32 = arith.constant 0 : i32
    %c0_i32_0 = arith.constant 0 : i32
    return %arg0, %c0_i32 : i32, i32
  }
}

module attributes {stable_mosaic.version = 14 : i64} {
  func.func @_fin_body(%arg0: i32, %arg1: memref<1x1000x128xf32, #tpu.memory_space<vmem>>, %arg2: memref<1x1000x128xf32, #tpu.memory_space<vmem>>, %arg3: memref<1000x128xf32, #tpu.memory_space<vmem>>, %arg4: memref<1x1000x1xf32, #tpu.memory_space<vmem>>, %arg5: memref<1x1000x1xf32, #tpu.memory_space<vmem>>, %arg6: memref<1x128xf32, #tpu.memory_space<vmem>>, %arg7: memref<1000x128xf32, #tpu.memory_space<vmem>>) attributes {dimension_semantics = [#tpu.dimension_semantics<arbitrary>], iteration_bounds = array<i64: 10>, scalar_prefetch = 0 : i64, scratch_operands = 0 : i64, tpu.core_type = #tpu.core_type<tc>, window_params = [{transform_indices = @transform_0, window_bounds = array<i64: 1, 1000, 128>}, {transform_indices = @transform_1, window_bounds = array<i64: 1, 1000, 128>}, {transform_indices = @transform_2, window_bounds = array<i64: 1000, 128>}, {transform_indices = @transform_3, window_bounds = array<i64: 1, 1000, 1>}, {transform_indices = @transform_4, window_bounds = array<i64: 1, 1000, 1>}, {pipeline_mode = #tpu.pipeline_mode<synchronous>, transform_indices = @transform_5, window_bounds = array<i64: 1, 128>}, {transform_indices = @transform_6, window_bounds = array<i64: 1000, 128>}]} {
    %get3A = arith.constant 0 : index
    %get3A_0 = arith.constant 0 : index
    %get3A_1 = arith.constant 0 : index
    %get3A_2 = vector.load %arg4[%get3A, %get3A_0, %get3A_1] : memref<1x1000x1xf32, #tpu.memory_space<vmem>>, vector<1x1000x1xf32>
    %get3A_3 = vector.shape_cast %get3A_2 : vector<1x1000x1xf32> to vector<1000x1xf32>
    %get3A_4 = arith.constant 0 : index
    %get3A_5 = arith.constant 0 : index
    %get3A_6 = arith.constant 0 : index
    %get3A_7 = vector.load %arg5[%get3A_4, %get3A_5, %get3A_6] : memref<1x1000x1xf32, #tpu.memory_space<vmem>>, vector<1x1000x1xf32>
    %get3A_8 = vector.shape_cast %get3A_7 : vector<1x1000x1xf32> to vector<1000x1xf32>
    %add3A = arith.addf %get3A_3, %get3A_8 : vector<1000x1xf32>
    %add3A_9 = arith.constant 1.000000e+00 : f32
    %add3A_10 = vector.broadcast %add3A_9 : f32 to vector<1000x1xf32>
    %add3A_11 = arith.addf %add3A, %add3A_10 : vector<1000x1xf32>
    %rsqrt3A = math.rsqrt %add3A_11 : vector<1000x1xf32>
    %get3A_12 = arith.constant 0 : index
    %get3A_13 = arith.constant 0 : index
    %get3A_14 = arith.constant 0 : index
    %get3A_15 = vector.load %arg1[%get3A_12, %get3A_13, %get3A_14] : memref<1x1000x128xf32, #tpu.memory_space<vmem>>, vector<1x1000x128xf32>
    %get3A_16 = vector.shape_cast %get3A_15 : vector<1x1000x128xf32> to vector<1000x128xf32>
    %get3A_17 = arith.constant 0 : index
    %get3A_18 = arith.constant 0 : index
    %get3A_19 = arith.constant 0 : index
    %get3A_20 = vector.load %arg2[%get3A_17, %get3A_18, %get3A_19] : memref<1x1000x128xf32, #tpu.memory_space<vmem>>, vector<1x1000x128xf32>
    %get3A_21 = vector.shape_cast %get3A_20 : vector<1x1000x128xf32> to vector<1000x128xf32>
    %add3A_22 = arith.addf %get3A_16, %get3A_21 : vector<1000x128xf32>
    %get3A_23 = arith.constant 0 : index
    %get3A_24 = arith.constant 0 : index
    %get3A_25 = vector.load %arg3[%get3A_23, %get3A_24] : memref<1000x128xf32, #tpu.memory_space<vmem>>, vector<1000x128xf32>
    %add3A_26 = arith.addf %add3A_22, %get3A_25 : vector<1000x128xf32>
    %mul3A = vector.broadcast %rsqrt3A : vector<1000x1xf32> to vector<1000x128xf32>
    %mul3A_27 = arith.mulf %mul3A, %add3A_26 : vector<1000x128xf32>
    %get3A_28 = arith.constant 0 : index
    %get3A_29 = arith.constant 0 : index
    %get3A_30 = vector.load %arg6[%get3A_28, %get3A_29] : memref<1x128xf32, #tpu.memory_space<vmem>>, vector<1x128xf32>
    %add3A_31 = vector.broadcast %get3A_30 : vector<1x128xf32> to vector<1000x128xf32>
    %add3A_32 = arith.addf %mul3A_27, %add3A_31 : vector<1000x128xf32>
    %swap3A = arith.constant 0 : index
    %swap3A_33 = arith.constant 0 : index
    %swap3A_34 = vector.load %arg7[%swap3A, %swap3A_33] : memref<1000x128xf32, #tpu.memory_space<vmem>>, vector<1000x128xf32>
    tpu.vector_store %arg7[%swap3A, %swap3A_33], %add3A_32 {strides = array<i32>} : memref<1000x128xf32, #tpu.memory_space<vmem>>, vector<1000x128xf32>,
    return
  }
  func.func @transform_0(%arg0: i32) -> (i32, i32, i32) {
    %c0_i32 = arith.constant 0 : i32
    %c0_i32_0 = arith.constant 0 : i32
    %c0_i32_1 = arith.constant 0 : i32
    return %c0_i32, %arg0, %c0_i32_0 : i32, i32, i32
  }
  func.func @transform_1(%arg0: i32) -> (i32, i32, i32) {
    %c1_i32 = arith.constant 1 : i32
    %c0_i32 = arith.constant 0 : i32
    %c0_i32_0 = arith.constant 0 : i32
    return %c1_i32, %arg0, %c0_i32 : i32, i32, i32
  }
  func.func @transform_2(%arg0: i32) -> (i32, i32) {
    %c0_i32 = arith.constant 0 : i32
    %c0_i32_0 = arith.constant 0 : i32
    return %arg0, %c0_i32 : i32, i32
  }
  func.func @transform_3(%arg0: i32) -> (i32, i32, i32) {
    %c0_i32 = arith.constant 0 : i32
    %c0_i32_0 = arith.constant 0 : i32
    %c0_i32_1 = arith.constant 0 : i32
    return %c0_i32, %arg0, %c0_i32_0 : i32, i32, i32
  }
  func.func @transform_4(%arg0: i32) -> (i32, i32, i32) {
    %c1_i32 = arith.constant 1 : i32
    %c0_i32 = arith.constant 0 : i32
    %c0_i32_0 = arith.constant 0 : i32
    return %c1_i32, %arg0, %c0_i32 : i32, i32, i32
  }
  func.func @transform_5(%arg0: i32) -> (i32, i32) {
    %c0_i32 = arith.constant 0 : i32
    %c0_i32_0 = arith.constant 0 : i32
    %c0_i32_1 = arith.constant 0 : i32
    return %c0_i32, %c0_i32_0 : i32, i32
  }
  func.func @transform_6(%arg0: i32) -> (i32, i32) {
    %c0_i32 = arith.constant 0 : i32
    %c0_i32_0 = arith.constant 0 : i32
    return %arg0, %c0_i32 : i32, i32
  }
}

</mosaic_0001>

<sc_bundles>
// kernel: kernel.11.cloned.1.call-start
scs
__scs_entry_jumppad:
0x0: {  	(pc) =	sbr.rel $0x88, $3  }
0x1: {  	(tag) =	ssettag $0x0;
	lr =	simm.s32 $0x1  }
0x2: {  	[smem:$0x3F9B] =	sst lr;
	_ =	strace $0xD0000000  }
0x3: {  	_ = 	snop  }
0x4: {  	_ = 	snop  }
0x5: {  	_ = 	snop  }
0x6: {  	_ = 	snop  }
0x7: {  	_ = 	snop  }
__scs_overlays_trampoline_lowered:
0x8: {  	[smem:$0x3FAA] =	sst s0  }
0x9: {  	[smem:$0x3FAB] =	sst s1  }
0xa: {  	[smem:$0x3FAC] =	sst s2  }
0xb: {  	[smem:$0x3FAD] =	sst s3  }
0xc: {  	[smem:$0x3FAE] =	sst s4  }
0xd: {  	[smem:$0x3FAF] =	sst s5  }
0xe: {  	[smem:$0x3FB0] =	sst s6  }
0xf: {  	[smem:$0x3FB1] =	sst s7  }
0x10: {  	[smem:$0x3FB2] =	sst s8  }
0x11: {  	[smem:$0x3FB3] =	sst s9;
	s0 =	simm.s32 @!p0 $0x0  }
0x12: {  	s1 =	sld [smem:$0x3F99];
	s0 =	simm.s32 @p0 $0x1  }
0x13: {  	[smem:$0x3FB4] =	sst s0;
	s0 =	simm.s32 @!p1 $0x0  }
0x14: {  	s2 =	sld [smem:$0x3F98];
	s0 =	simm.s32 @p1 $0x1  }
0x15: {  	[smem:$0x3FB5] =	sst s0;
	s0 =	simm.s32 @!p2 $0x0  }
0x16: {  	s3 =	sld [smem:$0x3FDB];
	s0 =	simm.s32 @p2 $0x1  }
0x17: {  	s4 =	simm.s32 $0x1BF5;
	[smem:$0x3FB7] =	sst s0  }
0x18: {  	s0 =	sld [smem:$0x3F9A];
	_ =	swait.ge [sflag:s4], $0x0  }
0x19: {  	s7 =	sld [smem:$0x3F9B]  }
0x1a: {  	s8 =	sadd.s32 $0xFFFFE003, lr  }
0x1b: {  	s9 =	sadd.s32 $0xFFFFFEF7, lr;
	s5 =	simm.s32 $0xFFFFFFFF;
	p2 =	slt.u32 s8, $0xFFFFF086  }
0x1c: {  	p1 =	slt.u32 s9, $0xF7A;
	s5 =	simm.s32 @!p2 $0x0  }
0x1d: {  	s5 =	simm.s32 @p1 $0x1;
	p0 =	seq.s32 s7, s2  }
0x1e: {  	s7 =	smul.u32 @!p0 $0xF7A, s2;
	p2 =	seq.s32 @!p0 s5, $0x0  }
0x1f: {  	s9 =	smul.u32 $0xF7A, s1;
	s8 =	simm.s32 @!p0 $0x1BF5;
	p2 =	por !p2, p0  }
0x20: {  	[sflag:s8] =	ssyncset.s32 @!p0 $0xFFFFF086;
	s6 =	sadd.s32 @!p0 s3, s7;
	s7 =	simm.s32 @!p0 $0x108  }
0x21: {  	s3 =	sadd.s32 s3, s9;
	s6 =	sadd.s32 @!p0 $0x88, s6;
	s7 =	simm.s32 @p2 $0x1082  }
0x22: {  	[simem:s7], [sflag:s8] =	dma.local @!p0 [hbm:s6], $0xF7A  }
0x23: {  	s9 =	sor.u32 $0xD0000000, s2;
	s6 =	simm.s32 $0x108;
	_ =	swait.ge @!p0 [sflag:s8], $0x0  }
0x24: {  	s3 =	sadd.s32 $0x88, s3;
	s6 =	simm.s32 @!p1 $0x1082;
	[sflag:s4] =	ssyncset.s32 $0xFFFFF086  }
0x25: {  	[simem:s6], [sflag:s4] =	dma.local [hbm:s3], $0xF7A  }
0x26: {  	[smem:$0x3F9B] =	sst s1;
	(tag) =	ssettag s2;
	_ =	strace s9  }
0x27: {  	s1 =	sld [smem:$0x3FAB]  }
0x28: {  	s2 =	sld [smem:$0x3FAC]  }
0x29: {  	s4 =	sld [smem:$0x3FAE]  }
0x2a: {  	p0 =	seq.s32 s5, $0x0;
	s5 =	sld [smem:$0x3FAF]  }
0x2b: {  	s6 =	sld [smem:$0x3FB0]  }
0x2c: {  	s7 =	sld [smem:$0x3FB1]  }
0x2d: {  	s3 =	simm.s32 $0x108;
	s8 =	sld [smem:$0x3FB2]  }
0x2e: {  	s3 =	simm.s32 @!p0 $0x1082;
	s9 =	sld [smem:$0x3FB3]  }
0x2f: {  	lr =	sadd.s32 s0, s3;
	s0 =	sld [smem:$0x3FAA]  }
0x30: {  	s3 =	sld [smem:$0x3FAD]  }
0x31: {  	[smem:$0x3FB6] =	sst s10  }
0x32: {  	s10 =	sld [smem:$0x3FB4];
	_ =	sdelay $0x3  }
0x33: {  	p0 =	seq.s32 s10, $0x1;
	s10 =	sld [smem:$0x3FB6];
	_ =	sdelay $0x3  }
0x34: {  	[smem:$0x3FB6] =	sst s10  }
0x35: {  	s10 =	sld [smem:$0x3FB5];
	_ =	sdelay $0x3  }
0x36: {  	p1 =	seq.s32 s10, $0x1;
	s10 =	sld [smem:$0x3FB6];
	_ =	sdelay $0x3  }
0x37: {  	[smem:$0x3FB6] =	sst s10  }
0x38: {  	s10 =	sld [smem:$0x3FB7]  }
0x39: {  	_ = 	snop;
	(pc) =	sbr.ind lr, $3  }
0x3a: {  	_ = 	snop  }
0x3b: {  	_ = 	snop  }
0x3c: {  	p2 =	seq.s32 s10, $0x1;
	s10 =	sld [smem:$0x3FB6]  }
0x3d: {  	_ =	shalt  }
0x3e: {  	_ =	shalt  }
0x3f: {  	_ =	shalt  }
0x40: {  	_ =	shalt  }
0x41: {  	_ =	shalt  }
0x42: {  	_ =	shalt  }
0x43: {  	_ =	shalt  }
0x44: {  	_ =	shalt  }
0x45: {  	_ =	shalt  }
0x46: {  	_ =	shalt  }
0x47: {  	_ =	shalt  }
0x48: {  	_ =	shalt  }
0x49: {  	_ =	shalt  }
0x4a: {  	_ =	shalt  }
0x4b: {  	_ =	shalt  }
0x4c: {  	_ =	shalt  }
0x4d: {  	_ =	shalt  }
0x4e: {  	_ =	shalt  }
0x4f: {  	_ =	shalt  }
0x50: {  	_ =	shalt  }
0x51: {  	_ =	shalt  }
0x52: {  	_ =	shalt  }
0x53: {  	_ =	shalt  }
0x54: {  	_ =	shalt  }
0x55: {  	_ =	shalt  }
0x56: {  	_ =	shalt  }
0x57: {  	_ =	shalt  }
0x58: {  	_ =	shalt  }
0x59: {  	_ =	shalt  }
0x5a: {  	_ =	shalt  }
0x5b: {  	_ =	shalt  }
0x5c: {  	_ =	shalt  }
0x5d: {  	_ =	shalt  }
0x5e: {  	_ =	shalt  }
0x5f: {  	_ =	shalt  }
0x60: {  	_ =	shalt  }
0x61: {  	_ =	shalt  }
0x62: {  	_ =	shalt  }
0x63: {  	_ =	shalt  }
0x64: {  	_ =	shalt  }
0x65: {  	_ =	shalt  }
0x66: {  	_ =	shalt  }
0x67: {  	_ =	shalt  }
0x68: {  	_ =	shalt  }
0x69: {  	_ =	shalt  }
0x6a: {  	_ =	shalt  }
0x6b: {  	_ =	shalt  }
0x6c: {  	_ =	shalt  }
0x6d: {  	_ =	shalt  }
0x6e: {  	_ =	shalt  }
0x6f: {  	_ =	shalt  }
0x70: {  	_ =	shalt  }
0x71: {  	_ =	shalt  }
0x72: {  	_ =	shalt  }
0x73: {  	_ =	shalt  }
0x74: {  	_ =	shalt  }
0x75: {  	_ =	shalt  }
0x76: {  	_ =	shalt  }
0x77: {  	_ =	shalt  }
0x78: {  	_ =	shalt  }
0x79: {  	_ =	shalt  }
0x7a: {  	_ =	shalt  }
0x7b: {  	_ =	shalt  }
0x7c: {  	_ =	shalt  }
0x7d: {  	_ =	shalt  }
0x7e: {  	_ =	shalt  }
0x7f: {  	_ =	shalt  }
0x80: {  	_ =	shalt  }
0x81: {  	_ =	shalt  }
0x82: {  	_ =	shalt  }
0x83: {  	_ =	shalt  }
0x84: {  	_ =	shalt  }
0x85: {  	_ =	shalt  }
0x86: {  	_ =	shalt  }
0x87: {  	_ =	shalt  }
.Lfunc_end0:
.L_simem_size_0:
called_computation.1_lowered:
.L_overlay_start_0:
0x88: {  	s2 =	sld [smem:$0x3FD9]  }
0x89: {  	s3 =	sld [smem:$0x3FFE];
	_ =	sdelay $0x1  }
0x8a: {  	s1 =	srdreg.scid  }
0x8b: {  	s0 =	sand.u32 $0x1, s1  }
0x8c: {  	s17 =	sshll.u32 s0, $0xA;
	s2 =	sadd.s32 s3, s2  }
0x8d: {  	s2 =	sadd.s32 s2, s17  }
0x8e: {  	[smem:$0x3FC2] =	sst s2  }
0x8f: {  	_ = 	snop  }
0x90: {  	s2 =	sld [smem:$0x3FD0];
	(tm) =	ssettm $0x1  }
0x91: {  	s18 =	sld [smem:$0x3FFB];
	_ =	sdelay $0x3  }
0x92: {  	_ =	strace s18  }
0x93: {  	s3 =	sld [smem:$0x3FFC];
	_ =	sdelay $0x3  }
0x94: {  	_ =	strace s3  }
0x95: {  	s3 =	sld [smem:$0x3FFD];
	_ =	sdelay $0x3  }
0x96: {  	_ =	strace s3  }
0x97: {  	_ =	strace $0x8FFFFFFF  }
0x98: {  	s19 =	sld [smem:$0x3FDB];
	_ =	sdelay $0x1  }
0x99: {  	s4 =	simm.s32 $_scs_section_size  }
0x9a: {  	s5 =	simm.s32 $_size__tile_overlayer_lowered;
	s6 =	simm.s32 $_tile_overlayer_lowered  }
0x9b: {  	s22 =	simm.s32 $0x1BFF;
	s21 =	sshll.u32 s6, $0x1;
	s3 =	sadd.s32 s4, s19  }
0x9c: {  	s7 =	simm.s32 $0x0;
	s20 =	sshll.u32 s5, $0x1;
	s5 =	sadd.s32 s21, s3  }
0x9d: {  	[timem:s7], [sflag:s22] =	dma.local [hbm:s5], s20  }
0x9e: {  	_ =	swait.ge [sflag:s22], s20  }
0x9f: {  	s4 =	ssub.s32 $0x0, s20;
	[sflag:s22] =	ssyncset.done $0x0  }
0xa0: {  	[sflag:s22] =	ssyncadd.s32 s4;
	_ =	sdelay $0x1  }
0xa1: {  	s23 =	simm.s32 $0x1B8B  }
0xa2: {  	_ =	swait.ge [sflag:s23], $0x1  }
0xa3: {  	[sflag:s23] =	ssyncset.done $0x0  }
0xa4: {  	s25 =	simm.s32 $0x1B8E;
	s24 =	sld [smem:$0x3FFE];
	[sflag:s23] =	ssyncadd.s32 $0xFFFFFFFF  }
0xa5: {  	s26 =	simm.s32 $execute0_lowered;
	[smem:$0x3FD2] =	sst s25  }
0xa6: {  	s5 =	sshll.u32 s26, $0x1;
	_ =	strace $0x80000049;
	[dreg:$0x1] =	wrdreg $0xFFFFFFFF  }
0xa7: {  	s28 =	simm.s32 $_size_execute0_lowered;
	s3 =	sadd.s32 s3, s5;
	[dreg:$0x0] =	wrdreg $0x0  }
0xa8: {  	s5 =	sshll.u32 s28, $0x1;
	[dreg:$0x2] =	wrdreg s3  }
0xa9: {  	[dreg:$0x3] =	wrdreg s5  }
0xaa: {  	[dreg:$0x4] =	wrdreg $0xC0  }
0xab: {  	_ =	task [dreg:s7], $0x5FFFF  }
0xac: {  	[dreg:$0x1] =	wrdreg $0xFFFFFFFF  }
0xad: {  	[dreg:$0x0] =	wrdreg $0x60  }
0xae: {  	[dreg:$0x2] =	wrdreg s2  }
0xaf: {  	[dreg:$0x3] =	wrdreg s24  }
0xb0: {  	[dreg:$0x4] =	wrdreg $0x90000  }
0xb1: {  	[dreg:$0x5] =	wrdreg $0x9  }
0xb2: {  	_ =	task.clear_ibuf [dreg:s7], $0x6FFFF;
	_ =	strace $0x90000049  }
0xb3: {  	s29 =	simm.s32 $0x9;
	_ =	strace $0x8000004B  }
0xb4: {  	_ =	swait.ge [sflag:s29], $0x1  }
0xb5: {  	[sflag:s29] =	ssyncadd.s32 $0xFFFFFFFF  }
0xb6: {  	_ =	strace $0x9000004B  }
0xb7: {  	_ =	sfence  }
0xb8: {  	s30 =	sld [smem:$0x0];
	_ =	sdelay $0x2  }
0xb9: {  	s31 =	sshll.u32 s1, $0xD;
	s1 =	sshrl.u32 s1, $0x2  }
0xba: {  	s3 =	sand.u32 $0x4000, s31;
	s1 =	sadd.s32 s1, s30  }
0xbb: {  	s0 =	sor.u32 s3, s0;
	s1 =	sshll.u32 s1, $0x11  }
0xbc: {  	s0 =	sor.u32 s1, s0  }
0xbd: {  	s0 =	sadd.s32 $0x8F2B, s0  }
0xbe: {  	[sflag:s0] =	ssyncadd.remote.s32 $0x1  }
0xbf: {  	_ =	sfence.sel $0xFFFF  }
0xc0: {  	[dreg:$0x0] =	wrdreg $0xFFFFFFFF;
	(pc) =	sbr.abs _section_cstart, $3  }
0xc1: {  	[dreg:$0x1] =	wrdreg $0xFFFFFFFF  }
0xc2: {  	_ =	task.clear_ibuf [dreg:s7], $0x2FFFF;
	_ =	strace $0x9FFFFFFF  }
0xc3: {  	(tm) =	ssettm $0x7FFFFFFF  }
tec
execute0_lowered:
.L_overlay_start_1:
0x0: {  	(tag) =	ssettag $0x1  }
0x1: {  	s1 =	rddreg [dreg:$0x0]  }
0x2: {  	s7 =	rddreg [dreg:$0x1]  }
0x3: {  	s0 =	srdreg.scid;
	s3 =	rddreg [dreg:$0x2]  }
0x4: {  	s4 =	simm.s32 $0x0;
	s15 =	simm.s32 $0x3;
	s16 =	simm.s32 $0x2800  }
0x5: {  	s17 =	simm.s32 $0x80;
	s6 =	sand.u32 $0x1, s0;
	s0 =	stileid.u32  }
0x6: {  	s18 =	simm.s32 $0x1;
	s19 =	simm.s32 $0x2;
	s8 =	smul.u32 $0x50000, s0  }
0x7: {  	s23 =	simm.s32 $0x0;
	[smem:$0x7FF] =	sst s4;
	s9 =	smul.u32 $0x28000, s6  }
0x8: {  	s2 =	sshll.u32 s6, $0x4;
	s10 =	ssub.s32 $0x2, s6;
	s21 =	smul.u32 $0x2800, s0  }
0x9: {  	s31 =	sshll.u32 s0, $0x6;
	s5 =	sor.u32 s0, s2;
	s2 =	rddreg [dreg:$0x3]  }
0xa: {  	_ =	strace $0x8000004A;
	s30 =	sshrl.u32 s10, $0x1;
	s5 =	smul.u32 $0x500, s5  }
0xb: {  	s29 =	sshrl.u32 s8, $0x2;
	s13 =	sadd.s32 s9, s7;
	s14 =	ssub.s32 s10, s30  }
0xc: {  	s6 =	sadd.s32 s29, s3;
	s20 =	sadd.s32 $0x67C00, s13;
	s13 =	smax.u32 s14, $0x1  }
0xd: {  	s14 =	simm.s32 $0x5000;
	s12 =	sadd.s32 s5, s7;
	s5 =	sadd.s32 $0xCA00, s7  }
0xe: {  	s7 =	sadd.s32 $0x4000, s6;
	s8 =	sadd.s32 $0x8000, s6;
	s9 =	sadd.s32 $0xC000, s6  }
0xf: {  	s10 =	sadd.s32 $0x10000, s6;
	s20 =	sadd.s32 s21, s20;
	s21 =	sor.u32 $0x1C03, s31  }
0x10: {  	s22 =	sshrl.u32 s6, $0x3;
	s11 =	sadd.s32 $0xDC00, s12;
	s12 =	sadd.s32 $0x2A00, s12  }
.LBB2_1:
0x11: {  	[tilespmem:s14], [sflag:$0x3] =	stream.linear.gather [hbm4b:s5+s4], $0x4000, $0x38;
	[tilespmem:$0x1D000] =	vst v63  }
0x12: {  	_ =	swait.ge [sflag:s15], $0x4000  }
0x13: {  	[sflag:s15] =	ssyncset.done $0x0  }
0x14: {  	[sflag:s15] =	ssyncadd.s32 $0xFFFFC000  }
0x15: {  	[spmem:s6] =	stream.linear.scatter [tilespmem:s14], [sflag:$0x3], $0x4000, $0x38;
	[tilespmem:$0x1D000] =	vst v63  }
0x16: {  	_ =	swait.ge [sflag:s15], $0x4000  }
0x17: {  	[sflag:s15] =	ssyncset.done $0x0  }
0x18: {  	[sflag:s15] =	ssyncadd.s32 $0xFFFFC000  }
0x19: {  	[spmem:s7] =	stream.linear.scatter [tilespmem:s14], [sflag:$0x3], $0x4000, $0x38;
	[tilespmem:$0x1D000] =	vst v63  }
0x1a: {  	_ =	swait.ge [sflag:s15], $0x4000  }
0x1b: {  	[sflag:s15] =	ssyncset.done $0x0  }
0x1c: {  	[sflag:s15] =	ssyncadd.s32 $0xFFFFC000  }
0x1d: {  	[spmem:s8] =	stream.linear.scatter [tilespmem:s14], [sflag:$0x3], $0x4000, $0x38;
	[tilespmem:$0x1D000] =	vst v63  }
0x1e: {  	_ =	swait.ge [sflag:s15], $0x4000  }
0x1f: {  	[sflag:s15] =	ssyncset.done $0x0  }
0x20: {  	[sflag:s15] =	ssyncadd.s32 $0xFFFFC000  }
0x21: {  	[spmem:s9] =	stream.linear.scatter [tilespmem:s14], [sflag:$0x3], $0x4000, $0x38;
	[tilespmem:$0x1D000] =	vst v63  }
0x22: {  	_ =	swait.ge [sflag:s15], $0x4000  }
0x23: {  	[sflag:s15] =	ssyncset.done $0x0  }
0x24: {  	[sflag:s15] =	ssyncadd.s32 $0xFFFFC000  }
0x25: {  	[spmem:s10] =	stream.linear.scatter [tilespmem:s14], [sflag:$0x3], $0x4000, $0x38;
	[tilespmem:$0x1D000] =	vst v63  }
0x26: {  	_ =	swait.ge [sflag:s15], $0x4000  }
0x27: {  	[sflag:s15] =	ssyncset.done $0x0  }
0x28: {  	[sflag:s15] =	ssyncadd.s32 $0xFFFFC000  }
0x29: {  	[tilespmem:s4], [sflag:$0x3] =	stream.linear.gather [hbm4b:s11+s4], $0x2780, $0x38;
	[tilespmem:$0x1D000] =	vst v63  }
0x2a: {  	_ =	swait.ge [sflag:s15], $0x2780  }
0x2b: {  	[sflag:s15] =	ssyncset.done $0x0  }
0x2c: {  	[sflag:s15] =	ssyncadd.s32 $0xFFFFD880  }
0x2d: {  	[tilespmem:s16], [sflag:$0x3] =	stream.linear.gather [hbm4b:s12+s4], $0x2780, $0x38;
	[tilespmem:$0x1D000] =	vst v63  }
0x2e: {  	_ =	swait.ge [sflag:s15], $0x2780  }
0x2f: {  	[sflag:s15] =	ssyncset.done $0x0  }
0x30: {  	[sflag:s15] =	ssyncadd.s32 $0xFFFFD880  }
0x31: {  	s24 =	simm.s32 $0x0;
	[bflag:$0x0] =	sbarrier.arrive $0xFFFF  }
0x32: {  	[tilespmem:s14], [sflag:$0x1] =	stream.indirect.gather [hbm4b:s1+s17], $0x80, s24, s17, $0xb8;
	[tilespmem:$0x1D000] =	vst v63  }
0x33: {  	_ =	swait.ge [sflag:s18], $0x4000  }
0x34: {  	[sflag:s18] =	ssyncset.done $0x0  }
0x35: {  	s31 =	simm.s32 $0x2800;
	[sflag:s18] =	ssyncadd.s32 $0xFFFFC000  }
0x36: {  	[spmem:s3] =	stream.indirect.scatter.add.f32 [tilespmem:s14], [sflag:$0x2], $0x80, s31, s17, $0xb8;
	[tilespmem:$0x1D000] =	vst v63  }
0x37: {  	_ =	swait.ge [sflag:s19], $0x4000  }
0x38: {  	s25 =	simm.s32 $0x400;
	s24 =	simm.s32 $0x200;
	[sflag:s19] =	ssyncset.done $0x0  }
.LBB2_2:
0x39: {  	s26 =	sshra.s32 s24, $0x2  }
0x3a: {  	[sflag:s19] =	ssyncadd.s32 $0xFFFFC000;
	s24 =	smov.u32 s25;
	s28 =	sadd.s32 $0x200, s25  }
0x3b: {  	[tilespmem:s14], [sflag:$0x1] =	stream.indirect.gather [hbm4b:s1+s17], $0x80, s26, s17, $0xb8;
	[tilespmem:$0x1D000] =	vst v63  }
0x3c: {  	p0 =	sne.s32 s25, $0x9C00;
	_ =	swait.ge [sflag:s18], $0x4000  }
.Ltmp0:
0x3d: {  	[sflag:s18] =	ssyncset.done $0x0;
	(pc) =	sbr.rel @p0 .LBB2_2-.Ltmp0, $4  }
0x3e: {  	s25 =	sadd.s32 $0x2800, s26;
	[sflag:s18] =	ssyncadd.s32 $0xFFFFC000  }
0x3f: {  	[spmem:s3] =	stream.indirect.scatter.add.f32 [tilespmem:s14], [sflag:$0x2], $0x80, s25, s17, $0xb8;
	[tilespmem:$0x1D000] =	vst v63  }
0x40: {  	_ =	swait.ge [sflag:s19], $0x4000  }
0x41: {  	s25 =	smov.u32 s28;
	[sflag:s19] =	ssyncset.done $0x0  }
0x42: {  	s24 =	sshra.s32 s24, $0x2;
	[sflag:s19] =	ssyncadd.s32 $0xFFFFC000  }
0x43: {  	[tilespmem:s14], [sflag:$0x1] =	stream.indirect.gather [hbm4b:s1+s17], $0x80, s24, s17, $0xb8;
	[tilespmem:$0x1D000] =	vst v63  }
0x44: {  	_ =	swait.ge [sflag:s18], $0x4000  }
0x45: {  	[sflag:s18] =	ssyncset.done $0x0  }
0x46: {  	s24 =	sadd.s32 $0x2800, s24;
	[sflag:s18] =	ssyncadd.s32 $0xFFFFC000  }
0x47: {  	[spmem:s3] =	stream.indirect.scatter.add.f32 [tilespmem:s14], [sflag:$0x2], $0x80, s24, s17, $0xb8;
	[tilespmem:$0x1D000] =	vst v63  }
0x48: {  	_ =	swait.ge [sflag:s19], $0x4000  }
0x49: {  	s23 =	sadd.s32 $0x1, s23;
	[sflag:s19] =	ssyncset.done $0x0  }
0x4a: {  	p0 =	sne.s32 s23, s13;
	[sflag:s19] =	ssyncadd.s32 $0xFFFFC000  }
.Ltmp1:
0x4b: {  	[bflag:$0x0] =	sbarrier.arrive $0xFFFF;
	(pc) =	sbr.rel @p0 .LBB2_1-.Ltmp1, $4  }
0x4c: {  	[hbm:s20], [sflag:s21] =	dma.local [spmem:s22], $0x2800  }
0x4d: {  	_ =	swait.ge [sflag:s15], $0x2800  }
0x4e: {  	[sflag:s15] =	ssyncset.done $0x0  }
0x4f: {  	[sflag:s15] =	ssyncadd.s32 $0xFFFFD800  }
0x50: {  	_ =	sfence.sel $0x180000  }
0x51: {  	[bflag:$0x0] =	sbarrier.arrive $0xFFFF  }
0x52: {  	p0 =	sne.s32 s0, $0x0;
	_ =	strace $0x9000004A  }
0x53: {  	s0 =	sadd.s32 @!p0 $0x100000, s2;
	[bflag:$0x2] =	sbarrier.arrive $0xFFFF  }
0x54: {  	[sflag:s0] =	ssyncadd.tile.s32 @!p0 $0x1;
	_ =	shalt  }
.Lfunc_end2:
_tile_overlayer_lowered:
.L_overlay_start_2:
0x55: {  	(tag) =	ssettag $0x2  }
0x56: {  	s0 =	rddreg [dreg:$0x0];
	s2 =	stileid.u32  }
0x57: {  	s1 =	rddreg [dreg:$0x1];
	p0 =	sne.s32 s2, $0x0  }
0x58: {  	s3 =	rddreg [dreg:$0x2];
	[bflag:$0x3] =	sbarrier.arrive $0xFFFF;
	s2 =	simm.s32 @!p0 $0x1C03  }
0x59: {  	[timem:s3], [sflag:s2] =	dma.local @!p0 [hbm:s0], s1  }
0x5a: {  	s0 =	simm.s32 @!p0 $0x3  }
0x5b: {  	_ =	swait.ge @!p0 [sflag:s0], s1  }
0x5c: {  	s1 =	ssub.s32 @!p0 $0x0, s1;
	[sflag:s0] =	ssyncset.done @!p0 $0x0  }
0x5d: {  	[sflag:s0] =	ssyncadd.s32 @!p0 s1  }
0x5e: {  	[bflag:$0x3] =	sbarrier.arrive $0xFFFF  }
0x5f: {  	_ =	shalt  }

// kernel: kernel.14.cloned.1.call-start
scs
__scs_entry_jumppad:
0x0: {  	(pc) =	sbr.rel $0x88, $3  }
0x1: {  	(tag) =	ssettag $0x0;
	lr =	simm.s32 $0x1  }
0x2: {  	[smem:$0x3F9B] =	sst lr;
	_ =	strace $0xD0000000  }
0x3: {  	_ = 	snop  }
0x4: {  	_ = 	snop  }
0x5: {  	_ = 	snop  }
0x6: {  	_ = 	snop  }
0x7: {  	_ = 	snop  }
__scs_overlays_trampoline_lowered:
0x8: {  	[smem:$0x3FAA] =	sst s0  }
0x9: {  	[smem:$0x3FAB] =	sst s1  }
0xa: {  	[smem:$0x3FAC] =	sst s2  }
0xb: {  	[smem:$0x3FAD] =	sst s3  }
0xc: {  	[smem:$0x3FAE] =	sst s4  }
0xd: {  	[smem:$0x3FAF] =	sst s5  }
0xe: {  	[smem:$0x3FB0] =	sst s6  }
0xf: {  	[smem:$0x3FB1] =	sst s7  }
0x10: {  	[smem:$0x3FB2] =	sst s8  }
0x11: {  	[smem:$0x3FB3] =	sst s9;
	s0 =	simm.s32 @!p0 $0x0  }
0x12: {  	s1 =	sld [smem:$0x3F99];
	s0 =	simm.s32 @p0 $0x1  }
0x13: {  	[smem:$0x3FB4] =	sst s0;
	s0 =	simm.s32 @!p1 $0x0  }
0x14: {  	s2 =	sld [smem:$0x3F98];
	s0 =	simm.s32 @p1 $0x1  }
0x15: {  	[smem:$0x3FB5] =	sst s0;
	s0 =	simm.s32 @!p2 $0x0  }
0x16: {  	s3 =	sld [smem:$0x3FDB];
	s0 =	simm.s32 @p2 $0x1  }
0x17: {  	s4 =	simm.s32 $0x1BF5;
	[smem:$0x3FB7] =	sst s0  }
0x18: {  	s0 =	sld [smem:$0x3F9A];
	_ =	swait.ge [sflag:s4], $0x0  }
0x19: {  	s7 =	sld [smem:$0x3F9B]  }
0x1a: {  	s8 =	sadd.s32 $0xFFFFE003, lr  }
0x1b: {  	s9 =	sadd.s32 $0xFFFFFEF7, lr;
	s5 =	simm.s32 $0xFFFFFFFF;
	p2 =	slt.u32 s8, $0xFFFFF086  }
0x1c: {  	p1 =	slt.u32 s9, $0xF7A;
	s5 =	simm.s32 @!p2 $0x0  }
0x1d: {  	s5 =	simm.s32 @p1 $0x1;
	p0 =	seq.s32 s7, s2  }
0x1e: {  	s7 =	smul.u32 @!p0 $0xF7A, s2;
	p2 =	seq.s32 @!p0 s5, $0x0  }
0x1f: {  	s9 =	smul.u32 $0xF7A, s1;
	s8 =	simm.s32 @!p0 $0x1BF5;
	p2 =	por !p2, p0  }
0x20: {  	[sflag:s8] =	ssyncset.s32 @!p0 $0xFFFFF086;
	s6 =	sadd.s32 @!p0 s3, s7;
	s7 =	simm.s32 @!p0 $0x108  }
0x21: {  	s3 =	sadd.s32 s3, s9;
	s6 =	sadd.s32 @!p0 $0x88, s6;
	s7 =	simm.s32 @p2 $0x1082  }
0x22: {  	[simem:s7], [sflag:s8] =	dma.local @!p0 [hbm:s6], $0xF7A  }
0x23: {  	s9 =	sor.u32 $0xD0000000, s2;
	s6 =	simm.s32 $0x108;
	_ =	swait.ge @!p0 [sflag:s8], $0x0  }
0x24: {  	s3 =	sadd.s32 $0x88, s3;
	s6 =	simm.s32 @!p1 $0x1082;
	[sflag:s4] =	ssyncset.s32 $0xFFFFF086  }
0x25: {  	[simem:s6], [sflag:s4] =	dma.local [hbm:s3], $0xF7A  }
0x26: {  	[smem:$0x3F9B] =	sst s1;
	(tag) =	ssettag s2;
	_ =	strace s9  }
0x27: {  	s1 =	sld [smem:$0x3FAB]  }
0x28: {  	s2 =	sld [smem:$0x3FAC]  }
0x29: {  	s4 =	sld [smem:$0x3FAE]  }
0x2a: {  	p0 =	seq.s32 s5, $0x0;
	s5 =	sld [smem:$0x3FAF]  }
0x2b: {  	s6 =	sld [smem:$0x3FB0]  }
0x2c: {  	s7 =	sld [smem:$0x3FB1]  }
0x2d: {  	s3 =	simm.s32 $0x108;
	s8 =	sld [smem:$0x3FB2]  }
0x2e: {  	s3 =	simm.s32 @!p0 $0x1082;
	s9 =	sld [smem:$0x3FB3]  }
0x2f: {  	lr =	sadd.s32 s0, s3;
	s0 =	sld [smem:$0x3FAA]  }
0x30: {  	s3 =	sld [smem:$0x3FAD]  }
0x31: {  	[smem:$0x3FB6] =	sst s10  }
0x32: {  	s10 =	sld [smem:$0x3FB4];
	_ =	sdelay $0x3  }
0x33: {  	p0 =	seq.s32 s10, $0x1;
	s10 =	sld [smem:$0x3FB6];
	_ =	sdelay $0x3  }
0x34: {  	[smem:$0x3FB6] =	sst s10  }
0x35: {  	s10 =	sld [smem:$0x3FB5];
	_ =	sdelay $0x3  }
0x36: {  	p1 =	seq.s32 s10, $0x1;
	s10 =	sld [smem:$0x3FB6];
	_ =	sdelay $0x3  }
0x37: {  	[smem:$0x3FB6] =	sst s10  }
0x38: {  	s10 =	sld [smem:$0x3FB7]  }
0x39: {  	_ = 	snop;
	(pc) =	sbr.ind lr, $3  }
0x3a: {  	_ = 	snop  }
0x3b: {  	_ = 	snop  }
0x3c: {  	p2 =	seq.s32 s10, $0x1;
	s10 =	sld [smem:$0x3FB6]  }
0x3d: {  	_ =	shalt  }
0x3e: {  	_ =	shalt  }
0x3f: {  	_ =	shalt  }
0x40: {  	_ =	shalt  }
0x41: {  	_ =	shalt  }
0x42: {  	_ =	shalt  }
0x43: {  	_ =	shalt  }
0x44: {  	_ =	shalt  }
0x45: {  	_ =	shalt  }
0x46: {  	_ =	shalt  }
0x47: {  	_ =	shalt  }
0x48: {  	_ =	shalt  }
0x49: {  	_ =	shalt  }
0x4a: {  	_ =	shalt  }
0x4b: {  	_ =	shalt  }
0x4c: {  	_ =	shalt  }
0x4d: {  	_ =	shalt  }
0x4e: {  	_ =	shalt  }
0x4f: {  	_ =	shalt  }
0x50: {  	_ =	shalt  }
0x51: {  	_ =	shalt  }
0x52: {  	_ =	shalt  }
0x53: {  	_ =	shalt  }
0x54: {  	_ =	shalt  }
0x55: {  	_ =	shalt  }
0x56: {  	_ =	shalt  }
0x57: {  	_ =	shalt  }
0x58: {  	_ =	shalt  }
0x59: {  	_ =	shalt  }
0x5a: {  	_ =	shalt  }
0x5b: {  	_ =	shalt  }
0x5c: {  	_ =	shalt  }
0x5d: {  	_ =	shalt  }
0x5e: {  	_ =	shalt  }
0x5f: {  	_ =	shalt  }
0x60: {  	_ =	shalt  }
0x61: {  	_ =	shalt  }
0x62: {  	_ =	shalt  }
0x63: {  	_ =	shalt  }
0x64: {  	_ =	shalt  }
0x65: {  	_ =	shalt  }
0x66: {  	_ =	shalt  }
0x67: {  	_ =	shalt  }
0x68: {  	_ =	shalt  }
0x69: {  	_ =	shalt  }
0x6a: {  	_ =	shalt  }
0x6b: {  	_ =	shalt  }
0x6c: {  	_ =	shalt  }
0x6d: {  	_ =	shalt  }
0x6e: {  	_ =	shalt  }
0x6f: {  	_ =	shalt  }
0x70: {  	_ =	shalt  }
0x71: {  	_ =	shalt  }
0x72: {  	_ =	shalt  }
0x73: {  	_ =	shalt  }
0x74: {  	_ =	shalt  }
0x75: {  	_ =	shalt  }
0x76: {  	_ =	shalt  }
0x77: {  	_ =	shalt  }
0x78: {  	_ =	shalt  }
0x79: {  	_ =	shalt  }
0x7a: {  	_ =	shalt  }
0x7b: {  	_ =	shalt  }
0x7c: {  	_ =	shalt  }
0x7d: {  	_ =	shalt  }
0x7e: {  	_ =	shalt  }
0x7f: {  	_ =	shalt  }
0x80: {  	_ =	shalt  }
0x81: {  	_ =	shalt  }
0x82: {  	_ =	shalt  }
0x83: {  	_ =	shalt  }
0x84: {  	_ =	shalt  }
0x85: {  	_ =	shalt  }
0x86: {  	_ =	shalt  }
0x87: {  	_ =	shalt  }
.Lfunc_end0:
.L_simem_size_0:
called_computation.2_lowered:
.L_overlay_start_0:
0x88: {  	s2 =	sld [smem:$0x3FD9]  }
0x89: {  	s3 =	sld [smem:$0x3FFE];
	_ =	sdelay $0x1  }
0x8a: {  	s1 =	srdreg.scid  }
0x8b: {  	s0 =	sand.u32 $0x1, s1  }
0x8c: {  	s17 =	sshll.u32 s0, $0xA;
	s2 =	sadd.s32 s3, s2  }
0x8d: {  	s2 =	sadd.s32 s2, s17  }
0x8e: {  	[smem:$0x3FC2] =	sst s2  }
0x8f: {  	_ = 	snop  }
0x90: {  	s2 =	sld [smem:$0x3FD0];
	(tm) =	ssettm $0x1  }
0x91: {  	s18 =	sld [smem:$0x3FFB];
	_ =	sdelay $0x3  }
0x92: {  	_ =	strace s18  }
0x93: {  	s3 =	sld [smem:$0x3FFC];
	_ =	sdelay $0x3  }
0x94: {  	_ =	strace s3  }
0x95: {  	s3 =	sld [smem:$0x3FFD];
	_ =	sdelay $0x3  }
0x96: {  	_ =	strace s3  }
0x97: {  	_ =	strace $0x8FFFFFFF  }
0x98: {  	s19 =	sld [smem:$0x3FDB];
	_ =	sdelay $0x1  }
0x99: {  	s4 =	simm.s32 $_scs_section_size  }
0x9a: {  	s5 =	simm.s32 $_size__tile_overlayer_lowered;
	s6 =	simm.s32 $_tile_overlayer_lowered  }
0x9b: {  	s22 =	simm.s32 $0x1BFF;
	s21 =	sshll.u32 s6, $0x1;
	s3 =	sadd.s32 s4, s19  }
0x9c: {  	s7 =	simm.s32 $0x0;
	s20 =	sshll.u32 s5, $0x1;
	s5 =	sadd.s32 s21, s3  }
0x9d: {  	[timem:s7], [sflag:s22] =	dma.local [hbm:s5], s20  }
0x9e: {  	_ =	swait.ge [sflag:s22], s20  }
0x9f: {  	s4 =	ssub.s32 $0x0, s20;
	[sflag:s22] =	ssyncset.done $0x0  }
0xa0: {  	[sflag:s22] =	ssyncadd.s32 s4;
	_ =	sdelay $0x1  }
0xa1: {  	s23 =	simm.s32 $0x1B8B  }
0xa2: {  	_ =	swait.ge [sflag:s23], $0x1  }
0xa3: {  	[sflag:s23] =	ssyncset.done $0x0  }
0xa4: {  	s25 =	simm.s32 $0x1B8E;
	s24 =	sld [smem:$0x3FFE];
	[sflag:s23] =	ssyncadd.s32 $0xFFFFFFFF  }
0xa5: {  	s26 =	simm.s32 $execute0_lowered;
	[smem:$0x3FD2] =	sst s25  }
0xa6: {  	s5 =	sshll.u32 s26, $0x1;
	_ =	strace $0x8000004C;
	[dreg:$0x1] =	wrdreg $0xFFFFFFFF  }
0xa7: {  	s28 =	simm.s32 $_size_execute0_lowered;
	s3 =	sadd.s32 s3, s5;
	[dreg:$0x0] =	wrdreg $0x0  }
0xa8: {  	s5 =	sshll.u32 s28, $0x1;
	[dreg:$0x2] =	wrdreg s3  }
0xa9: {  	[dreg:$0x3] =	wrdreg s5  }
0xaa: {  	[dreg:$0x4] =	wrdreg $0xC0  }
0xab: {  	_ =	task [dreg:s7], $0x5FFFF  }
0xac: {  	[dreg:$0x1] =	wrdreg $0xFFFFFFFF  }
0xad: {  	[dreg:$0x0] =	wrdreg $0x60  }
0xae: {  	[dreg:$0x2] =	wrdreg s2  }
0xaf: {  	[dreg:$0x3] =	wrdreg s24  }
0xb0: {  	[dreg:$0x4] =	wrdreg $0x90000  }
0xb1: {  	[dreg:$0x5] =	wrdreg $0x9  }
0xb2: {  	_ =	task.clear_ibuf [dreg:s7], $0x6FFFF;
	_ =	strace $0x9000004C  }
0xb3: {  	s29 =	simm.s32 $0x9;
	_ =	strace $0x8000004E  }
0xb4: {  	_ =	swait.ge [sflag:s29], $0x1  }
0xb5: {  	[sflag:s29] =	ssyncadd.s32 $0xFFFFFFFF  }
0xb6: {  	_ =	strace $0x9000004E  }
0xb7: {  	_ =	sfence  }
0xb8: {  	s30 =	sld [smem:$0x0];
	_ =	sdelay $0x2  }
0xb9: {  	s31 =	sshll.u32 s1, $0xD;
	s1 =	sshrl.u32 s1, $0x2  }
0xba: {  	s3 =	sand.u32 $0x4000, s31;
	s1 =	sadd.s32 s1, s30  }
0xbb: {  	s0 =	sor.u32 s3, s0;
	s1 =	sshll.u32 s1, $0x11  }
0xbc: {  	s0 =	sor.u32 s1, s0  }
0xbd: {  	s0 =	sadd.s32 $0x8F2B, s0  }
0xbe: {  	[sflag:s0] =	ssyncadd.remote.s32 $0x1  }
0xbf: {  	_ =	sfence.sel $0xFFFF  }
0xc0: {  	[dreg:$0x0] =	wrdreg $0xFFFFFFFF;
	(pc) =	sbr.abs _section_cstart, $3  }
0xc1: {  	[dreg:$0x1] =	wrdreg $0xFFFFFFFF  }
0xc2: {  	_ =	task.clear_ibuf [dreg:s7], $0x2FFFF;
	_ =	strace $0x9FFFFFFF  }
0xc3: {  	(tm) =	ssettm $0x7FFFFFFF  }
tec
execute0_lowered:
.L_overlay_start_1:
0x0: {  	(tag) =	ssettag $0x1  }
0x1: {  	s1 =	rddreg [dreg:$0x0]  }
0x2: {  	s7 =	rddreg [dreg:$0x1]  }
0x3: {  	s0 =	srdreg.scid;
	s3 =	rddreg [dreg:$0x2]  }
0x4: {  	s4 =	simm.s32 $0x0;
	s15 =	simm.s32 $0x3;
	s16 =	simm.s32 $0x2800  }
0x5: {  	s17 =	simm.s32 $0x80;
	s6 =	sand.u32 $0x1, s0;
	s0 =	stileid.u32  }
0x6: {  	s18 =	simm.s32 $0x1;
	s19 =	simm.s32 $0x2;
	s8 =	smul.u32 $0x50000, s0  }
0x7: {  	s23 =	simm.s32 $0x0;
	[smem:$0x7FF] =	sst s4;
	s9 =	smul.u32 $0x28000, s6  }
0x8: {  	s2 =	sshll.u32 s6, $0x4;
	s10 =	ssub.s32 $0x2, s6;
	s21 =	smul.u32 $0x2800, s0  }
0x9: {  	s31 =	sshll.u32 s0, $0x6;
	s5 =	sor.u32 s0, s2;
	s2 =	rddreg [dreg:$0x3]  }
0xa: {  	_ =	strace $0x8000004D;
	s30 =	sshrl.u32 s10, $0x1;
	s5 =	smul.u32 $0x500, s5  }
0xb: {  	s29 =	sshrl.u32 s8, $0x2;
	s13 =	sadd.s32 s9, s7;
	s14 =	ssub.s32 s10, s30  }
0xc: {  	s6 =	sadd.s32 s29, s3;
	s20 =	sadd.s32 $0x67C00, s13;
	s13 =	smax.u32 s14, $0x1  }
0xd: {  	s14 =	simm.s32 $0x5000;
	s12 =	sadd.s32 s5, s7;
	s5 =	sadd.s32 $0xCA00, s7  }
0xe: {  	s7 =	sadd.s32 $0x4000, s6;
	s8 =	sadd.s32 $0x8000, s6;
	s9 =	sadd.s32 $0xC000, s6  }
0xf: {  	s10 =	sadd.s32 $0x10000, s6;
	s20 =	sadd.s32 s21, s20;
	s21 =	sor.u32 $0x1C03, s31  }
0x10: {  	s22 =	sshrl.u32 s6, $0x3;
	s11 =	sadd.s32 $0xDC00, s12;
	s12 =	sadd.s32 $0x2A00, s12  }
.LBB2_1:
0x11: {  	[tilespmem:s14], [sflag:$0x3] =	stream.linear.gather [hbm4b:s5+s4], $0x4000, $0x38;
	[tilespmem:$0x1D000] =	vst v63  }
0x12: {  	_ =	swait.ge [sflag:s15], $0x4000  }
0x13: {  	[sflag:s15] =	ssyncset.done $0x0  }
0x14: {  	[sflag:s15] =	ssyncadd.s32 $0xFFFFC000  }
0x15: {  	[spmem:s6] =	stream.linear.scatter [tilespmem:s14], [sflag:$0x3], $0x4000, $0x38;
	[tilespmem:$0x1D000] =	vst v63  }
0x16: {  	_ =	swait.ge [sflag:s15], $0x4000  }
0x17: {  	[sflag:s15] =	ssyncset.done $0x0  }
0x18: {  	[sflag:s15] =	ssyncadd.s32 $0xFFFFC000  }
0x19: {  	[spmem:s7] =	stream.linear.scatter [tilespmem:s14], [sflag:$0x3], $0x4000, $0x38;
	[tilespmem:$0x1D000] =	vst v63  }
0x1a: {  	_ =	swait.ge [sflag:s15], $0x4000  }
0x1b: {  	[sflag:s15] =	ssyncset.done $0x0  }
0x1c: {  	[sflag:s15] =	ssyncadd.s32 $0xFFFFC000  }
0x1d: {  	[spmem:s8] =	stream.linear.scatter [tilespmem:s14], [sflag:$0x3], $0x4000, $0x38;
	[tilespmem:$0x1D000] =	vst v63  }
0x1e: {  	_ =	swait.ge [sflag:s15], $0x4000  }
0x1f: {  	[sflag:s15] =	ssyncset.done $0x0  }
0x20: {  	[sflag:s15] =	ssyncadd.s32 $0xFFFFC000  }
0x21: {  	[spmem:s9] =	stream.linear.scatter [tilespmem:s14], [sflag:$0x3], $0x4000, $0x38;
	[tilespmem:$0x1D000] =	vst v63  }
0x22: {  	_ =	swait.ge [sflag:s15], $0x4000  }
0x23: {  	[sflag:s15] =	ssyncset.done $0x0  }
0x24: {  	[sflag:s15] =	ssyncadd.s32 $0xFFFFC000  }
0x25: {  	[spmem:s10] =	stream.linear.scatter [tilespmem:s14], [sflag:$0x3], $0x4000, $0x38;
	[tilespmem:$0x1D000] =	vst v63  }
0x26: {  	_ =	swait.ge [sflag:s15], $0x4000  }
0x27: {  	[sflag:s15] =	ssyncset.done $0x0  }
0x28: {  	[sflag:s15] =	ssyncadd.s32 $0xFFFFC000  }
0x29: {  	[tilespmem:s4], [sflag:$0x3] =	stream.linear.gather [hbm4b:s11+s4], $0x2780, $0x38;
	[tilespmem:$0x1D000] =	vst v63  }
0x2a: {  	_ =	swait.ge [sflag:s15], $0x2780  }
0x2b: {  	[sflag:s15] =	ssyncset.done $0x0  }
0x2c: {  	[sflag:s15] =	ssyncadd.s32 $0xFFFFD880  }
0x2d: {  	[tilespmem:s16], [sflag:$0x3] =	stream.linear.gather [hbm4b:s12+s4], $0x2780, $0x38;
	[tilespmem:$0x1D000] =	vst v63  }
0x2e: {  	_ =	swait.ge [sflag:s15], $0x2780  }
0x2f: {  	[sflag:s15] =	ssyncset.done $0x0  }
0x30: {  	[sflag:s15] =	ssyncadd.s32 $0xFFFFD880  }
0x31: {  	s24 =	simm.s32 $0x0;
	[bflag:$0x0] =	sbarrier.arrive $0xFFFF  }
0x32: {  	[tilespmem:s14], [sflag:$0x1] =	stream.indirect.gather [hbm4b:s1+s17], $0x80, s24, s17, $0xb8;
	[tilespmem:$0x1D000] =	vst v63  }
0x33: {  	_ =	swait.ge [sflag:s18], $0x4000  }
0x34: {  	[sflag:s18] =	ssyncset.done $0x0  }
0x35: {  	s31 =	simm.s32 $0x2800;
	[sflag:s18] =	ssyncadd.s32 $0xFFFFC000  }
0x36: {  	[spmem:s3] =	stream.indirect.scatter.add.f32 [tilespmem:s14], [sflag:$0x2], $0x80, s31, s17, $0xb8;
	[tilespmem:$0x1D000] =	vst v63  }
0x37: {  	_ =	swait.ge [sflag:s19], $0x4000  }
0x38: {  	s25 =	simm.s32 $0x400;
	s24 =	simm.s32 $0x200;
	[sflag:s19] =	ssyncset.done $0x0  }
.LBB2_2:
0x39: {  	s26 =	sshra.s32 s24, $0x2  }
0x3a: {  	[sflag:s19] =	ssyncadd.s32 $0xFFFFC000;
	s24 =	smov.u32 s25;
	s28 =	sadd.s32 $0x200, s25  }
0x3b: {  	[tilespmem:s14], [sflag:$0x1] =	stream.indirect.gather [hbm4b:s1+s17], $0x80, s26, s17, $0xb8;
	[tilespmem:$0x1D000] =	vst v63  }
0x3c: {  	p0 =	sne.s32 s25, $0x9C00;
	_ =	swait.ge [sflag:s18], $0x4000  }
.Ltmp0:
0x3d: {  	[sflag:s18] =	ssyncset.done $0x0;
	(pc) =	sbr.rel @p0 .LBB2_2-.Ltmp0, $4  }
0x3e: {  	s25 =	sadd.s32 $0x2800, s26;
	[sflag:s18] =	ssyncadd.s32 $0xFFFFC000  }
0x3f: {  	[spmem:s3] =	stream.indirect.scatter.add.f32 [tilespmem:s14], [sflag:$0x2], $0x80, s25, s17, $0xb8;
	[tilespmem:$0x1D000] =	vst v63  }
0x40: {  	_ =	swait.ge [sflag:s19], $0x4000  }
0x41: {  	s25 =	smov.u32 s28;
	[sflag:s19] =	ssyncset.done $0x0  }
0x42: {  	s24 =	sshra.s32 s24, $0x2;
	[sflag:s19] =	ssyncadd.s32 $0xFFFFC000  }
0x43: {  	[tilespmem:s14], [sflag:$0x1] =	stream.indirect.gather [hbm4b:s1+s17], $0x80, s24, s17, $0xb8;
	[tilespmem:$0x1D000] =	vst v63  }
0x44: {  	_ =	swait.ge [sflag:s18], $0x4000  }
0x45: {  	[sflag:s18] =	ssyncset.done $0x0  }
0x46: {  	s24 =	sadd.s32 $0x2800, s24;
	[sflag:s18] =	ssyncadd.s32 $0xFFFFC000  }
0x47: {  	[spmem:s3] =	stream.indirect.scatter.add.f32 [tilespmem:s14], [sflag:$0x2], $0x80, s24, s17, $0xb8;
	[tilespmem:$0x1D000] =	vst v63  }
0x48: {  	_ =	swait.ge [sflag:s19], $0x4000  }
0x49: {  	s23 =	sadd.s32 $0x1, s23;
	[sflag:s19] =	ssyncset.done $0x0  }
0x4a: {  	p0 =	sne.s32 s23, s13;
	[sflag:s19] =	ssyncadd.s32 $0xFFFFC000  }
.Ltmp1:
0x4b: {  	[bflag:$0x0] =	sbarrier.arrive $0xFFFF;
	(pc) =	sbr.rel @p0 .LBB2_1-.Ltmp1, $4  }
0x4c: {  	[hbm:s20], [sflag:s21] =	dma.local [spmem:s22], $0x2800  }
0x4d: {  	_ =	swait.ge [sflag:s15], $0x2800  }
0x4e: {  	[sflag:s15] =	ssyncset.done $0x0  }
0x4f: {  	[sflag:s15] =	ssyncadd.s32 $0xFFFFD800  }
0x50: {  	_ =	sfence.sel $0x180000  }
0x51: {  	[bflag:$0x0] =	sbarrier.arrive $0xFFFF  }
0x52: {  	p0 =	sne.s32 s0, $0x0;
	_ =	strace $0x9000004D  }
0x53: {  	s0 =	sadd.s32 @!p0 $0x100000, s2;
	[bflag:$0x2] =	sbarrier.arrive $0xFFFF  }
0x54: {  	[sflag:s0] =	ssyncadd.tile.s32 @!p0 $0x1;
	_ =	shalt  }
.Lfunc_end2:
_tile_overlayer_lowered:
.L_overlay_start_2:
0x55: {  	(tag) =	ssettag $0x2  }
0x56: {  	s0 =	rddreg [dreg:$0x0];
	s2 =	stileid.u32  }
0x57: {  	s1 =	rddreg [dreg:$0x1];
	p0 =	sne.s32 s2, $0x0  }
0x58: {  	s3 =	rddreg [dreg:$0x2];
	[bflag:$0x3] =	sbarrier.arrive $0xFFFF;
	s2 =	simm.s32 @!p0 $0x1C03  }
0x59: {  	[timem:s3], [sflag:s2] =	dma.local @!p0 [hbm:s0], s1  }
0x5a: {  	s0 =	simm.s32 @!p0 $0x3  }
0x5b: {  	_ =	swait.ge @!p0 [sflag:s0], s1  }
0x5c: {  	s1 =	ssub.s32 @!p0 $0x0, s1;
	[sflag:s0] =	ssyncset.done @!p0 $0x0  }
0x5d: {  	[sflag:s0] =	ssyncadd.s32 @!p0 s1  }
0x5e: {  	[bflag:$0x3] =	sbarrier.arrive $0xFFFF  }
0x5f: {  	_ =	shalt  }

// kernel: kernel.8.cloned.1.call-start
scs
__scs_entry_jumppad:
0x0: {  	(pc) =	sbr.rel $0x88, $3  }
0x1: {  	(tag) =	ssettag $0x0;
	lr =	simm.s32 $0x1  }
0x2: {  	[smem:$0x3F9B] =	sst lr;
	_ =	strace $0xD0000000  }
0x3: {  	_ = 	snop  }
0x4: {  	_ = 	snop  }
0x5: {  	_ = 	snop  }
0x6: {  	_ = 	snop  }
0x7: {  	_ = 	snop  }
__scs_overlays_trampoline_lowered:
0x8: {  	[smem:$0x3FAA] =	sst s0  }
0x9: {  	[smem:$0x3FAB] =	sst s1  }
0xa: {  	[smem:$0x3FAC] =	sst s2  }
0xb: {  	[smem:$0x3FAD] =	sst s3  }
0xc: {  	[smem:$0x3FAE] =	sst s4  }
0xd: {  	[smem:$0x3FAF] =	sst s5  }
0xe: {  	[smem:$0x3FB0] =	sst s6  }
0xf: {  	[smem:$0x3FB1] =	sst s7  }
0x10: {  	[smem:$0x3FB2] =	sst s8  }
0x11: {  	[smem:$0x3FB3] =	sst s9;
	s0 =	simm.s32 @!p0 $0x0  }
0x12: {  	s1 =	sld [smem:$0x3F99];
	s0 =	simm.s32 @p0 $0x1  }
0x13: {  	[smem:$0x3FB4] =	sst s0;
	s0 =	simm.s32 @!p1 $0x0  }
0x14: {  	s2 =	sld [smem:$0x3F98];
	s0 =	simm.s32 @p1 $0x1  }
0x15: {  	[smem:$0x3FB5] =	sst s0;
	s0 =	simm.s32 @!p2 $0x0  }
0x16: {  	s3 =	sld [smem:$0x3FDB];
	s0 =	simm.s32 @p2 $0x1  }
0x17: {  	s4 =	simm.s32 $0x1BF5;
	[smem:$0x3FB7] =	sst s0  }
0x18: {  	s0 =	sld [smem:$0x3F9A];
	_ =	swait.ge [sflag:s4], $0x0  }
0x19: {  	s7 =	sld [smem:$0x3F9B]  }
0x1a: {  	s8 =	sadd.s32 $0xFFFFE003, lr  }
0x1b: {  	s9 =	sadd.s32 $0xFFFFFEF7, lr;
	s5 =	simm.s32 $0xFFFFFFFF;
	p2 =	slt.u32 s8, $0xFFFFF086  }
0x1c: {  	p1 =	slt.u32 s9, $0xF7A;
	s5 =	simm.s32 @!p2 $0x0  }
0x1d: {  	s5 =	simm.s32 @p1 $0x1;
	p0 =	seq.s32 s7, s2  }
0x1e: {  	s7 =	smul.u32 @!p0 $0xF7A, s2;
	p2 =	seq.s32 @!p0 s5, $0x0  }
0x1f: {  	s9 =	smul.u32 $0xF7A, s1;
	s8 =	simm.s32 @!p0 $0x1BF5;
	p2 =	por !p2, p0  }
0x20: {  	[sflag:s8] =	ssyncset.s32 @!p0 $0xFFFFF086;
	s6 =	sadd.s32 @!p0 s3, s7;
	s7 =	simm.s32 @!p0 $0x108  }
0x21: {  	s3 =	sadd.s32 s3, s9;
	s6 =	sadd.s32 @!p0 $0x88, s6;
	s7 =	simm.s32 @p2 $0x1082  }
0x22: {  	[simem:s7], [sflag:s8] =	dma.local @!p0 [hbm:s6], $0xF7A  }
0x23: {  	s9 =	sor.u32 $0xD0000000, s2;
	s6 =	simm.s32 $0x108;
	_ =	swait.ge @!p0 [sflag:s8], $0x0  }
0x24: {  	s3 =	sadd.s32 $0x88, s3;
	s6 =	simm.s32 @!p1 $0x1082;
	[sflag:s4] =	ssyncset.s32 $0xFFFFF086  }
0x25: {  	[simem:s6], [sflag:s4] =	dma.local [hbm:s3], $0xF7A  }
0x26: {  	[smem:$0x3F9B] =	sst s1;
	(tag) =	ssettag s2;
	_ =	strace s9  }
0x27: {  	s1 =	sld [smem:$0x3FAB]  }
0x28: {  	s2 =	sld [smem:$0x3FAC]  }
0x29: {  	s4 =	sld [smem:$0x3FAE]  }
0x2a: {  	p0 =	seq.s32 s5, $0x0;
	s5 =	sld [smem:$0x3FAF]  }
0x2b: {  	s6 =	sld [smem:$0x3FB0]  }
0x2c: {  	s7 =	sld [smem:$0x3FB1]  }
0x2d: {  	s3 =	simm.s32 $0x108;
	s8 =	sld [smem:$0x3FB2]  }
0x2e: {  	s3 =	simm.s32 @!p0 $0x1082;
	s9 =	sld [smem:$0x3FB3]  }
0x2f: {  	lr =	sadd.s32 s0, s3;
	s0 =	sld [smem:$0x3FAA]  }
0x30: {  	s3 =	sld [smem:$0x3FAD]  }
0x31: {  	[smem:$0x3FB6] =	sst s10  }
0x32: {  	s10 =	sld [smem:$0x3FB4];
	_ =	sdelay $0x3  }
0x33: {  	p0 =	seq.s32 s10, $0x1;
	s10 =	sld [smem:$0x3FB6];
	_ =	sdelay $0x3  }
0x34: {  	[smem:$0x3FB6] =	sst s10  }
0x35: {  	s10 =	sld [smem:$0x3FB5];
	_ =	sdelay $0x3  }
0x36: {  	p1 =	seq.s32 s10, $0x1;
	s10 =	sld [smem:$0x3FB6];
	_ =	sdelay $0x3  }
0x37: {  	[smem:$0x3FB6] =	sst s10  }
0x38: {  	s10 =	sld [smem:$0x3FB7]  }
0x39: {  	_ = 	snop;
	(pc) =	sbr.ind lr, $3  }
0x3a: {  	_ = 	snop  }
0x3b: {  	_ = 	snop  }
0x3c: {  	p2 =	seq.s32 s10, $0x1;
	s10 =	sld [smem:$0x3FB6]  }
0x3d: {  	_ =	shalt  }
0x3e: {  	_ =	shalt  }
0x3f: {  	_ =	shalt  }
0x40: {  	_ =	shalt  }
0x41: {  	_ =	shalt  }
0x42: {  	_ =	shalt  }
0x43: {  	_ =	shalt  }
0x44: {  	_ =	shalt  }
0x45: {  	_ =	shalt  }
0x46: {  	_ =	shalt  }
0x47: {  	_ =	shalt  }
0x48: {  	_ =	shalt  }
0x49: {  	_ =	shalt  }
0x4a: {  	_ =	shalt  }
0x4b: {  	_ =	shalt  }
0x4c: {  	_ =	shalt  }
0x4d: {  	_ =	shalt  }
0x4e: {  	_ =	shalt  }
0x4f: {  	_ =	shalt  }
0x50: {  	_ =	shalt  }
0x51: {  	_ =	shalt  }
0x52: {  	_ =	shalt  }
0x53: {  	_ =	shalt  }
0x54: {  	_ =	shalt  }
0x55: {  	_ =	shalt  }
0x56: {  	_ =	shalt  }
0x57: {  	_ =	shalt  }
0x58: {  	_ =	shalt  }
0x59: {  	_ =	shalt  }
0x5a: {  	_ =	shalt  }
0x5b: {  	_ =	shalt  }
0x5c: {  	_ =	shalt  }
0x5d: {  	_ =	shalt  }
0x5e: {  	_ =	shalt  }
0x5f: {  	_ =	shalt  }
0x60: {  	_ =	shalt  }
0x61: {  	_ =	shalt  }
0x62: {  	_ =	shalt  }
0x63: {  	_ =	shalt  }
0x64: {  	_ =	shalt  }
0x65: {  	_ =	shalt  }
0x66: {  	_ =	shalt  }
0x67: {  	_ =	shalt  }
0x68: {  	_ =	shalt  }
0x69: {  	_ =	shalt  }
0x6a: {  	_ =	shalt  }
0x6b: {  	_ =	shalt  }
0x6c: {  	_ =	shalt  }
0x6d: {  	_ =	shalt  }
0x6e: {  	_ =	shalt  }
0x6f: {  	_ =	shalt  }
0x70: {  	_ =	shalt  }
0x71: {  	_ =	shalt  }
0x72: {  	_ =	shalt  }
0x73: {  	_ =	shalt  }
0x74: {  	_ =	shalt  }
0x75: {  	_ =	shalt  }
0x76: {  	_ =	shalt  }
0x77: {  	_ =	shalt  }
0x78: {  	_ =	shalt  }
0x79: {  	_ =	shalt  }
0x7a: {  	_ =	shalt  }
0x7b: {  	_ =	shalt  }
0x7c: {  	_ =	shalt  }
0x7d: {  	_ =	shalt  }
0x7e: {  	_ =	shalt  }
0x7f: {  	_ =	shalt  }
0x80: {  	_ =	shalt  }
0x81: {  	_ =	shalt  }
0x82: {  	_ =	shalt  }
0x83: {  	_ =	shalt  }
0x84: {  	_ =	shalt  }
0x85: {  	_ =	shalt  }
0x86: {  	_ =	shalt  }
0x87: {  	_ =	shalt  }
.Lfunc_end0:
.L_simem_size_0:
called_computation_lowered:
.L_overlay_start_0:
0x88: {  	s2 =	sld [smem:$0x3FD9]  }
0x89: {  	s3 =	sld [smem:$0x3FFE];
	_ =	sdelay $0x1  }
0x8a: {  	s1 =	srdreg.scid  }
0x8b: {  	s0 =	sand.u32 $0x1, s1  }
0x8c: {  	s17 =	sshll.u32 s0, $0xA;
	s2 =	sadd.s32 s3, s2  }
0x8d: {  	s2 =	sadd.s32 s2, s17  }
0x8e: {  	[smem:$0x3FC2] =	sst s2  }
0x8f: {  	_ = 	snop  }
0x90: {  	s2 =	sld [smem:$0x3FD0];
	(tm) =	ssettm $0x1  }
0x91: {  	s18 =	sld [smem:$0x3FFB];
	_ =	sdelay $0x3  }
0x92: {  	_ =	strace s18  }
0x93: {  	s3 =	sld [smem:$0x3FFC];
	_ =	sdelay $0x3  }
0x94: {  	_ =	strace s3  }
0x95: {  	s3 =	sld [smem:$0x3FFD];
	_ =	sdelay $0x3  }
0x96: {  	_ =	strace s3  }
0x97: {  	_ =	strace $0x8FFFFFFF  }
0x98: {  	s19 =	sld [smem:$0x3FDB];
	_ =	sdelay $0x1  }
0x99: {  	s4 =	simm.s32 $_scs_section_size  }
0x9a: {  	s5 =	simm.s32 $_size__tile_overlayer_lowered;
	s6 =	simm.s32 $_tile_overlayer_lowered  }
0x9b: {  	s22 =	simm.s32 $0x1BFF;
	s21 =	sshll.u32 s6, $0x1;
	s3 =	sadd.s32 s4, s19  }
0x9c: {  	s7 =	simm.s32 $0x0;
	s20 =	sshll.u32 s5, $0x1;
	s5 =	sadd.s32 s21, s3  }
0x9d: {  	[timem:s7], [sflag:s22] =	dma.local [hbm:s5], s20  }
0x9e: {  	_ =	swait.ge [sflag:s22], s20  }
0x9f: {  	s4 =	ssub.s32 $0x0, s20;
	[sflag:s22] =	ssyncset.done $0x0  }
0xa0: {  	[sflag:s22] =	ssyncadd.s32 s4;
	_ =	sdelay $0x1  }
0xa1: {  	s23 =	simm.s32 $0x1B8B  }
0xa2: {  	_ =	swait.ge [sflag:s23], $0x1  }
0xa3: {  	[sflag:s23] =	ssyncset.done $0x0  }
0xa4: {  	s25 =	simm.s32 $0x1B8E;
	s24 =	sld [smem:$0x3FFE];
	[sflag:s23] =	ssyncadd.s32 $0xFFFFFFFF  }
0xa5: {  	s26 =	simm.s32 $execute0_lowered;
	[smem:$0x3FD2] =	sst s25  }
0xa6: {  	s5 =	sshll.u32 s26, $0x1;
	_ =	strace $0x80000046;
	[dreg:$0x1] =	wrdreg $0xFFFFFFFF  }
0xa7: {  	s28 =	simm.s32 $_size_execute0_lowered;
	s3 =	sadd.s32 s3, s5;
	[dreg:$0x0] =	wrdreg $0x0  }
0xa8: {  	s5 =	sshll.u32 s28, $0x1;
	[dreg:$0x2] =	wrdreg s3  }
0xa9: {  	[dreg:$0x3] =	wrdreg s5  }
0xaa: {  	[dreg:$0x4] =	wrdreg $0xC0  }
0xab: {  	_ =	task [dreg:s7], $0x5FFFF  }
0xac: {  	[dreg:$0x1] =	wrdreg $0xFFFFFFFF  }
0xad: {  	[dreg:$0x0] =	wrdreg $0x60  }
0xae: {  	[dreg:$0x2] =	wrdreg s2  }
0xaf: {  	[dreg:$0x3] =	wrdreg s24  }
0xb0: {  	[dreg:$0x4] =	wrdreg $0x7B000  }
0xb1: {  	[dreg:$0x5] =	wrdreg $0x9  }
0xb2: {  	_ =	task.clear_ibuf [dreg:s7], $0x6FFFF;
	_ =	strace $0x90000046  }
0xb3: {  	s29 =	simm.s32 $0x9;
	_ =	strace $0x80000048  }
0xb4: {  	_ =	swait.ge [sflag:s29], $0x1  }
0xb5: {  	[sflag:s29] =	ssyncadd.s32 $0xFFFFFFFF  }
0xb6: {  	_ =	strace $0x90000048  }
0xb7: {  	_ =	sfence  }
0xb8: {  	s30 =	sld [smem:$0x0];
	_ =	sdelay $0x2  }
0xb9: {  	s31 =	sshll.u32 s1, $0xD;
	s1 =	sshrl.u32 s1, $0x2  }
0xba: {  	s3 =	sand.u32 $0x4000, s31;
	s1 =	sadd.s32 s1, s30  }
0xbb: {  	s0 =	sor.u32 s3, s0;
	s1 =	sshll.u32 s1, $0x11  }
0xbc: {  	s0 =	sor.u32 s1, s0  }
0xbd: {  	s0 =	sadd.s32 $0x8F2B, s0  }
0xbe: {  	[sflag:s0] =	ssyncadd.remote.s32 $0x1  }
0xbf: {  	_ =	sfence.sel $0xFFFF  }
0xc0: {  	[dreg:$0x0] =	wrdreg $0xFFFFFFFF;
	(pc) =	sbr.abs _section_cstart, $3  }
0xc1: {  	[dreg:$0x1] =	wrdreg $0xFFFFFFFF  }
0xc2: {  	_ =	task.clear_ibuf [dreg:s7], $0x2FFFF;
	_ =	strace $0x9FFFFFFF  }
0xc3: {  	(tm) =	ssettm $0x7FFFFFFF  }
tec
execute0_lowered:
.L_overlay_start_1:
0x0: {  	(tag) =	ssettag $0x1  }
0x1: {  	s0 =	rddreg [dreg:$0x0]  }
0x2: {  	s3 =	rddreg [dreg:$0x1];
	s9 =	stileid.u32  }
0x3: {  	s1 =	rddreg [dreg:$0x2];
	s2 =	simm.s32 $0x0;
	s6 =	smul.u32 $0xA000, s9  }
0x4: {  	[smem:$0x7FF] =	sst s2;
	s8 =	smul.u32 $0xA00, s9  }
0x5: {  	s5 =	sadd.s32 $0xCA00, s3;
	s22 =	sadd.s32 $0xCC00, s3;
	_ =	strace $0x80000047  }
0x6: {  	[dreg:$0x4] =	wrdreg s5;
	s25 =	sshrl.u32 s6, $0x2;
	s26 =	sshrl.u32 s8, $0x2  }
0x7: {  	[dreg:$0x5] =	wrdreg s22;
	s5 =	sadd.s32 s25, s1;
	s8 =	sadd.s32 s26, s1  }
0x8: {  	[dreg:$0x6] =	wrdreg s5;
	s10 =	sadd.s32 $0x5000, s8  }
0x9: {  	s11 =	sadd.s32 $0x7800, s8;
	[dreg:$0x9] =	wrdreg s10  }
0xa: {  	s12 =	sadd.s32 $0xA000, s8;
	[dreg:$0xa] =	wrdreg s11  }
0xb: {  	s13 =	sadd.s32 $0xC800, s8;
	[dreg:$0xb] =	wrdreg s12  }
0xc: {  	s14 =	sadd.s32 $0xF000, s8;
	[dreg:$0xc] =	wrdreg s13  }
0xd: {  	s15 =	sadd.s32 $0x11800, s8;
	[dreg:$0xd] =	wrdreg s14  }
0xe: {  	s4 =	srdreg.scid;
	s16 =	sadd.s32 $0x14000, s8;
	[dreg:$0xe] =	wrdreg s15  }
0xf: {  	s4 =	sand.u32 $0x1, s4;
	s17 =	sadd.s32 $0x16800, s8;
	[dreg:$0xf] =	wrdreg s16  }
0x10: {  	s23 =	sshll.u32 s4, $0x4;
	s18 =	sadd.s32 $0x19000, s8;
	[dreg:$0x10] =	wrdreg s17  }
0x11: {  	s4 =	ssub.s32 $0x2, s4;
	s19 =	sadd.s32 $0x1B800, s8;
	[dreg:$0x11] =	wrdreg s18  }
0x12: {  	s7 =	sor.u32 s9, s23;
	s21 =	sadd.s32 $0x1E000, s8;
	[dreg:$0x12] =	wrdreg s19  }
0x13: {  	s3 =	sadd.s32 s23, s3;
	s22 =	sadd.s32 $0x20800, s8;
	[dreg:$0x13] =	wrdreg s21  }
0x14: {  	s24 =	sshrl.u32 s4, $0x1;
	s23 =	sadd.s32 $0x23000, s8;
	[dreg:$0x14] =	wrdreg s22  }
0x15: {  	s4 =	ssub.s32 s4, s24;
	s24 =	sadd.s32 $0x25800, s8;
	[dreg:$0x15] =	wrdreg s23  }
0x16: {  	s25 =	smax.u32 s4, $0x1;
	[dreg:$0x17] =	wrdreg s24  }
0x17: {  	s26 =	sadd.s32 $0x80, s8;
	[dreg:$0x18] =	wrdreg s25  }
0x18: {  	s4 =	sadd.s32 $0x180, s8;
	[dreg:$0x19] =	wrdreg s26  }
0x19: {  	s5 =	sadd.s32 $0x200, s8;
	[dreg:$0x1b] =	wrdreg s4  }
0x1a: {  	s7 =	smul.u32 $0x500, s7;
	s6 =	sadd.s32 $0x2880, s8;
	[dreg:$0x1c] =	wrdreg s5  }
0x1b: {  	s20 =	smul.u32 $0xA0, s9;
	s9 =	sadd.s32 $0x2980, s8;
	[dreg:$0x1d] =	wrdreg s6  }
0x1c: {  	s0 =	sadd.s32 s0, s7;
	[dreg:$0x1f] =	wrdreg s9  }
0x1d: {  	s7 =	sadd.s32 $0x2800, s8;
	[dreg:$0x7] =	wrdreg s0  }
0x1e: {  	s10 =	sadd.s32 $0x2A00, s8;
	[dreg:$0x8] =	wrdreg s7  }
0x1f: {  	s11 =	sadd.s32 $0x5080, s8;
	[smem:$0x7D6] =	sst s10  }
0x20: {  	s12 =	sadd.s32 $0x5100, s8;
	[smem:$0x7D7] =	sst s11  }
0x21: {  	s13 =	sadd.s32 $0x5180, s8;
	[smem:$0x7D8] =	sst s12  }
0x22: {  	s14 =	sadd.s32 $0x5200, s8;
	[smem:$0x7D9] =	sst s13  }
0x23: {  	s15 =	sadd.s32 $0x7880, s8;
	[smem:$0x7DA] =	sst s14  }
0x24: {  	s16 =	sadd.s32 $0x7900, s8;
	[smem:$0x7DB] =	sst s15  }
0x25: {  	s17 =	sadd.s32 $0x7980, s8;
	[smem:$0x7DC] =	sst s16  }
0x26: {  	s18 =	sadd.s32 $0x7A00, s8;
	[smem:$0x7DD] =	sst s17  }
0x27: {  	s19 =	sadd.s32 $0xA080, s8;
	[smem:$0x7DE] =	sst s18  }
0x28: {  	s21 =	sadd.s32 $0xA180, s8;
	[smem:$0x7DF] =	sst s19  }
0x29: {  	s22 =	sadd.s32 $0xA200, s8;
	[smem:$0x7E1] =	sst s21  }
0x2a: {  	s23 =	sadd.s32 $0xC880, s8;
	[smem:$0x7E2] =	sst s22  }
0x2b: {  	s24 =	sadd.s32 $0xC900, s8;
	[smem:$0x7E3] =	sst s23  }
0x2c: {  	s25 =	sadd.s32 $0xC980, s8;
	[smem:$0x7E4] =	sst s24  }
0x2d: {  	s26 =	sadd.s32 $0xCA00, s8;
	[smem:$0x7E5] =	sst s25  }
0x2e: {  	s4 =	sadd.s32 $0xF100, s8;
	[smem:$0x7E6] =	sst s26  }
0x2f: {  	s5 =	sadd.s32 $0xF180, s8;
	[smem:$0x7E8] =	sst s4  }
0x30: {  	s6 =	sadd.s32 $0xF200, s8;
	[smem:$0x7E9] =	sst s5  }
0x31: {  	s3 =	sadd.s32 $0xD200, s3;
	s9 =	sadd.s32 $0x11900, s8;
	[smem:$0x7EA] =	sst s6  }
0x32: {  	s0 =	sadd.s32 s20, s3;
	[smem:$0x7EC] =	sst s9  }
0x33: {  	s3 =	sadd.s32 $0x100, s8;
	[dreg:$0x16] =	wrdreg s0  }
0x34: {  	s7 =	sadd.s32 $0x2900, s8;
	[dreg:$0x1a] =	wrdreg s3  }
0x35: {  	s20 =	sadd.s32 $0xA100, s8;
	[dreg:$0x1e] =	wrdreg s7  }
0x36: {  	s10 =	sadd.s32 $0x11980, s8;
	[smem:$0x7E0] =	sst s20  }
0x37: {  	s11 =	sadd.s32 $0x11A00, s8;
	[smem:$0x7ED] =	sst s10  }
0x38: {  	s12 =	sadd.s32 $0x14080, s8;
	[smem:$0x7EE] =	sst s11  }
0x39: {  	s13 =	sadd.s32 $0x14100, s8;
	[smem:$0x7EF] =	sst s12  }
0x3a: {  	s14 =	sadd.s32 $0x14180, s8;
	[smem:$0x7F0] =	sst s13  }
0x3b: {  	s15 =	sadd.s32 $0x14200, s8;
	[smem:$0x7F1] =	sst s14  }
0x3c: {  	s16 =	sadd.s32 $0x16880, s8;
	[smem:$0x7F2] =	sst s15  }
0x3d: {  	s28 =	sadd.s32 $0x23100, s8;
	s17 =	sadd.s32 $0x16900, s8;
	[smem:$0x7F3] =	sst s16  }
0x3e: {  	s29 =	sadd.s32 $0x23180, s8;
	s18 =	sadd.s32 $0x16980, s8;
	[smem:$0x7F4] =	sst s17  }
0x3f: {  	s30 =	sadd.s32 $0x23200, s8;
	s19 =	sadd.s32 $0x16A00, s8;
	[smem:$0x7F5] =	sst s18  }
0x40: {  	s31 =	sadd.s32 $0x25880, s8;
	s21 =	sadd.s32 $0x19100, s8;
	[smem:$0x7F6] =	sst s19  }
0x41: {  	s22 =	sadd.s32 $0x19180, s8;
	s23 =	sadd.s32 $0x19200, s8;
	[smem:$0x7F8] =	sst s21  }
0x42: {  	s24 =	sadd.s32 $0x1B880, s8;
	s25 =	sadd.s32 $0x1B900, s8;
	[smem:$0x7F9] =	sst s22  }
0x43: {  	s26 =	sadd.s32 $0x1B980, s8;
	s4 =	sadd.s32 $0x25A00, s8;
	[smem:$0x7FA] =	sst s23  }
0x44: {  	s5 =	simm.s32 $0x2880;
	s6 =	simm.s32 $0x2;
	[smem:$0x7FB] =	sst s24  }
0x45: {  	s9 =	simm.s32 $0x80;
	s3 =	sadd.s32 $0xF080, s8;
	[smem:$0x7FC] =	sst s25  }
0x46: {  	s7 =	sadd.s32 $0x11880, s8;
	s20 =	sadd.s32 $0x19080, s8;
	[smem:$0x7FD] =	sst s26  }
0x47: {  	s17 =	sadd.s32 $0x1BA00, s8;
	s18 =	sadd.s32 $0x1E080, s8;
	s19 =	sadd.s32 $0x1E100, s8  }
0x48: {  	s21 =	sadd.s32 $0x1E200, s8;
	s22 =	sadd.s32 $0x20880, s8;
	s23 =	sadd.s32 $0x20900, s8  }
0x49: {  	s24 =	sadd.s32 $0x20980, s8;
	s25 =	sadd.s32 $0x20A00, s8;
	[smem:$0x7E7] =	sst s3  }
0x4a: {  	s26 =	sadd.s32 $0x23080, s8;
	s0 =	sadd.s32 $0x25900, s8;
	[smem:$0x7EB] =	sst s7  }
0x4b: {  	s10 =	simm.s32 $0x1;
	s11 =	simm.s32 $0x0;
	[smem:$0x7F7] =	sst s20  }
0x4c: {  	s20 =	sadd.s32 $0x1E180, s8;
	s3 =	sadd.s32 $0x25980, s8;
	s7 =	simm.s32 $0x2800  }
.LBB2_1:
0x4d: {  	s12 =	rddreg [dreg:$0x5]  }
0x4e: {  	[tilespmem:s5], [sflag:$0x2] =	stream.linear.gather [hbm4b:s12+s2], $0x2800, $0x38;
	[tilespmem:$0xA300] =	vst v63  }
0x4f: {  	_ =	swait.ge [sflag:s6], $0x2800  }
0x50: {  	[sflag:s6] =	ssyncset.done $0x0  }
0x51: {  	s13 =	rddreg [dreg:$0x6];
	[sflag:s6] =	ssyncadd.s32 $0xFFFFD800  }
0x52: {  	[spmem:s13] =	stream.linear.scatter [tilespmem:s5], [sflag:$0x2], $0x2800, $0x38;
	[tilespmem:$0xA300] =	vst v63  }
0x53: {  	_ =	swait.ge [sflag:s6], $0x2800  }
0x54: {  	[sflag:s6] =	ssyncset.done $0x0  }
0x55: {  	s14 =	rddreg [dreg:$0x4];
	[sflag:s6] =	ssyncadd.s32 $0xFFFFD800  }
0x56: {  	[tilespmem:s7], [sflag:$0x2] =	stream.linear.gather [hbm4b:s14+s2], $0x80, $0x38;
	[tilespmem:$0xA300] =	vst v63  }
0x57: {  	_ =	swait.ge [sflag:s6], $0x80  }
0x58: {  	[sflag:s6] =	ssyncset.done $0x0  }
0x59: {  	s15 =	rddreg [dreg:$0x7];
	[sflag:s6] =	ssyncadd.s32 $0xFFFFFF80  }
0x5a: {  	[tilespmem:s2], [sflag:$0x2] =	stream.linear.gather [hbm4b:s15+s2], $0x2780, $0x38;
	[tilespmem:$0xA300] =	vst v63  }
0x5b: {  	_ =	swait.ge [sflag:s6], $0x2780  }
0x5c: {  	[sflag:s6] =	ssyncset.done $0x0  }
0x5d: {  	[sflag:s6] =	ssyncadd.s32 $0xFFFFD880  }
0x5e: {  	s16 =	simm.s32 $0x0;
	[bflag:$0x0] =	sbarrier.arrive $0xFFFF  }
0x5f: {  	[spmem:s1] =	stream.indirect.scatter.add.f32 [tilespmem:s7], [sflag:$0x1], $0x1, s16, s9, $0xb8;
	[tilespmem:$0xA300] =	vst v63  }
0x60: {  	_ =	swait.ge [sflag:s10], $0x80  }
0x61: {  	s12 =	simm.s32 $0x200;
	[sflag:s10] =	ssyncset.done $0x0  }
.LBB2_2:
0x62: {  	s13 =	sshra.s32 s12, $0x2;
	[sflag:s10] =	ssyncadd.s32 $0xFFFFFF80;
	p0 =	sne.s32 s12, $0x9C00  }
0x63: {  	[spmem:s1] =	stream.indirect.scatter.add.f32 [tilespmem:s7], [sflag:$0x1], $0x1, s13, s9, $0xb8;
	[tilespmem:$0xA300] =	vst v63  }
.Ltmp0:
0x64: {  	_ = 	snop;
	(pc) =	sbr.rel @p0 .LBB2_2-.Ltmp0, $4  }
0x65: {  	_ = 	snop  }
0x66: {  	s12 =	sadd.s32 $0x200, s12  }
0x67: {  	_ =	swait.ge [sflag:s10], $0x80  }
0x68: {  	[sflag:s10] =	ssyncset.done $0x0  }
0x69: {  	[sflag:s10] =	ssyncadd.s32 $0xFFFFFF80  }
0x6a: {  	s12 =	simm.s32 $0x5080;
	[bflag:$0x0] =	sbarrier.arrive $0xFFFF  }
0x6b: {  	[tilespmem:s12], [sflag:$0x2] =	stream.linear.gather [spmem:s8], $0x80, $0x38;
	[tilespmem:$0xA300] =	vst v63  }
0x6c: {  	s13 =	simm.s32 $0x5480;
	s16 =	rddreg [dreg:$0x19]  }
0x6d: {  	[tilespmem:s13], [sflag:$0x2] =	stream.linear.gather [spmem:s16], $0x80, $0x38;
	[tilespmem:$0xA300] =	vst v63  }
0x6e: {  	s14 =	simm.s32 $0x5880;
	s13 =	rddreg [dreg:$0x1a]  }
0x6f: {  	[tilespmem:s14], [sflag:$0x2] =	stream.linear.gather [spmem:s13], $0x80, $0x38;
	[tilespmem:$0xA300] =	vst v63  }
0x70: {  	s15 =	rddreg [dreg:$0x1b];
	s16 =	simm.s32 $0x5C80  }
0x71: {  	[tilespmem:s16], [sflag:$0x2] =	stream.linear.gather [spmem:s15], $0x80, $0x38;
	[tilespmem:$0xA300] =	vst v63  }
0x72: {  	s13 =	rddreg [dreg:$0x1c];
	s14 =	simm.s32 $0x6080  }
0x73: {  	[tilespmem:s14], [sflag:$0x2] =	stream.linear.gather [spmem:s13], $0x80, $0x38;
	[tilespmem:$0xA300] =	vst v63  }
0x74: {  	_ =	swait.ge [sflag:s6], $0x280  }
0x75: {  	[sflag:s6] =	ssyncset.done $0x0;
	s15 =	rddreg [dreg:$0x8]  }
0x76: {  	s16 =	simm.s32 $0x5100;
	s13 =	rddreg [dreg:$0x1d];
	[sflag:s6] =	ssyncadd.s32 $0xFFFFFD80  }
0x77: {  	[tilespmem:s16], [sflag:$0x2] =	stream.linear.gather [spmem:s15], $0x80, $0x38;
	[tilespmem:$0xA300] =	vst v63  }
0x78: {  	s14 =	simm.s32 $0x5500;
	s15 =	rddreg [dreg:$0x1e]  }
0x79: {  	[tilespmem:s14], [sflag:$0x2] =	stream.linear.gather [spmem:s13], $0x80, $0x38;
	[tilespmem:$0xA300] =	vst v63  }
0x7a: {  	s16 =	simm.s32 $0x5900;
	s13 =	rddreg [dreg:$0x1f]  }
0x7b: {  	[tilespmem:s16], [sflag:$0x2] =	stream.linear.gather [spmem:s15], $0x80, $0x38;
	[tilespmem:$0xA300] =	vst v63  }
0x7c: {  	s14 =	simm.s32 $0x5D00;
	s15 =	sld [smem:$0x7D6]  }
0x7d: {  	[tilespmem:s14], [sflag:$0x2] =	stream.linear.gather [spmem:s13], $0x80, $0x38;
	[tilespmem:$0xA300] =	vst v63  }
0x7e: {  	s16 =	simm.s32 $0x6100  }
0x7f: {  	[tilespmem:s16], [sflag:$0x2] =	stream.linear.gather [spmem:s15], $0x80, $0x38;
	[tilespmem:$0xA300] =	vst v63  }
0x80: {  	_ =	swait.ge [sflag:s6], $0x280  }
0x81: {  	[sflag:s6] =	ssyncset.done $0x0;
	s13 =	rddreg [dreg:$0x9]  }
0x82: {  	s14 =	simm.s32 $0x5180;
	s15 =	sld [smem:$0x7D7];
	[sflag:s6] =	ssyncadd.s32 $0xFFFFFD80  }
0x83: {  	[tilespmem:s14], [sflag:$0x2] =	stream.linear.gather [spmem:s13], $0x80, $0x38;
	[tilespmem:$0xA300] =	vst v63  }
0x84: {  	s16 =	simm.s32 $0x5580;
	s13 =	sld [smem:$0x7D8]  }
0x85: {  	[tilespmem:s16], [sflag:$0x2] =	stream.linear.gather [spmem:s15], $0x80, $0x38;
	[tilespmem:$0xA300] =	vst v63  }
0x86: {  	s14 =	simm.s32 $0x5980;
	s15 =	sld [smem:$0x7D9]  }
0x87: {  	[tilespmem:s14], [sflag:$0x2] =	stream.linear.gather [spmem:s13], $0x80, $0x38;
	[tilespmem:$0xA300] =	vst v63  }
0x88: {  	s16 =	simm.s32 $0x5D80;
	s13 =	sld [smem:$0x7DA]  }
0x89: {  	[tilespmem:s16], [sflag:$0x2] =	stream.linear.gather [spmem:s15], $0x80, $0x38;
	[tilespmem:$0xA300] =	vst v63  }
0x8a: {  	s14 =	simm.s32 $0x6180  }
0x8b: {  	[tilespmem:s14], [sflag:$0x2] =	stream.linear.gather [spmem:s13], $0x80, $0x38;
	[tilespmem:$0xA300] =	vst v63  }
0x8c: {  	_ =	swait.ge [sflag:s6], $0x280  }
0x8d: {  	[sflag:s6] =	ssyncset.done $0x0;
	s15 =	rddreg [dreg:$0xa]  }
0x8e: {  	s16 =	simm.s32 $0x5200;
	s13 =	sld [smem:$0x7DB];
	[sflag:s6] =	ssyncadd.s32 $0xFFFFFD80  }
0x8f: {  	[tilespmem:s16], [sflag:$0x2] =	stream.linear.gather [spmem:s15], $0x80, $0x38;
	[tilespmem:$0xA300] =	vst v63  }
0x90: {  	s14 =	simm.s32 $0x5600;
	s15 =	sld [smem:$0x7DC]  }
0x91: {  	[tilespmem:s14], [sflag:$0x2] =	stream.linear.gather [spmem:s13], $0x80, $0x38;
	[tilespmem:$0xA300] =	vst v63  }
0x92: {  	s16 =	simm.s32 $0x5A00;
	s13 =	sld [smem:$0x7DD]  }
0x93: {  	[tilespmem:s16], [sflag:$0x2] =	stream.linear.gather [spmem:s15], $0x80, $0x38;
	[tilespmem:$0xA300] =	vst v63  }
0x94: {  	s14 =	simm.s32 $0x5E00;
	s15 =	sld [smem:$0x7DE]  }
0x95: {  	[tilespmem:s14], [sflag:$0x2] =	stream.linear.gather [spmem:s13], $0x80, $0x38;
	[tilespmem:$0xA300] =	vst v63  }
0x96: {  	s16 =	simm.s32 $0x6200  }
0x97: {  	[tilespmem:s16], [sflag:$0x2] =	stream.linear.gather [spmem:s15], $0x80, $0x38;
	[tilespmem:$0xA300] =	vst v63  }
0x98: {  	_ =	swait.ge [sflag:s6], $0x280  }
0x99: {  	[sflag:s6] =	ssyncset.done $0x0;
	s13 =	rddreg [dreg:$0xb]  }
0x9a: {  	s14 =	simm.s32 $0x5280;
	s15 =	sld [smem:$0x7DF];
	[sflag:s6] =	ssyncadd.s32 $0xFFFFFD80  }
0x9b: {  	[tilespmem:s14], [sflag:$0x2] =	stream.linear.gather [spmem:s13], $0x80, $0x38;
	[tilespmem:$0xA300] =	vst v63  }
0x9c: {  	s16 =	simm.s32 $0x5680;
	s13 =	sld [smem:$0x7E0]  }
0x9d: {  	[tilespmem:s16], [sflag:$0x2] =	stream.linear.gather [spmem:s15], $0x80, $0x38;
	[tilespmem:$0xA300] =	vst v63  }
0x9e: {  	s14 =	simm.s32 $0x5A80;
	s15 =	sld [smem:$0x7E1]  }
0x9f: {  	[tilespmem:s14], [sflag:$0x2] =	stream.linear.gather [spmem:s13], $0x80, $0x38;
	[tilespmem:$0xA300] =	vst v63  }
0xa0: {  	s16 =	simm.s32 $0x5E80;
	s13 =	sld [smem:$0x7E2]  }
0xa1: {  	[tilespmem:s16], [sflag:$0x2] =	stream.linear.gather [spmem:s15], $0x80, $0x38;
	[tilespmem:$0xA300] =	vst v63  }
0xa2: {  	s14 =	simm.s32 $0x6280  }
0xa3: {  	[tilespmem:s14], [sflag:$0x2] =	stream.linear.gather [spmem:s13], $0x80, $0x38;
	[tilespmem:$0xA300] =	vst v63  }
0xa4: {  	_ =	swait.ge [sflag:s6], $0x280  }
0xa5: {  	[sflag:s6] =	ssyncset.done $0x0;
	s15 =	rddreg [dreg:$0xc]  }
0xa6: {  	s16 =	simm.s32 $0x5300;
	s13 =	sld [smem:$0x7E3];
	[sflag:s6] =	ssyncadd.s32 $0xFFFFFD80  }
0xa7: {  	[tilespmem:s16], [sflag:$0x2] =	stream.linear.gather [spmem:s15], $0x80, $0x38;
	[tilespmem:$0xA300] =	vst v63  }
0xa8: {  	s14 =	simm.s32 $0x5700;
	s15 =	sld [smem:$0x7E4]  }
0xa9: {  	[tilespmem:s14], [sflag:$0x2] =	stream.linear.gather [spmem:s13], $0x80, $0x38;
	[tilespmem:$0xA300] =	vst v63  }
0xaa: {  	s16 =	simm.s32 $0x5B00;
	s13 =	sld [smem:$0x7E5]  }
0xab: {  	[tilespmem:s16], [sflag:$0x2] =	stream.linear.gather [spmem:s15], $0x80, $0x38;
	[tilespmem:$0xA300] =	vst v63  }
0xac: {  	s14 =	simm.s32 $0x5F00;
	s15 =	sld [smem:$0x7E6]  }
0xad: {  	[tilespmem:s14], [sflag:$0x2] =	stream.linear.gather [spmem:s13], $0x80, $0x38;
	[tilespmem:$0xA300] =	vst v63  }
0xae: {  	s16 =	simm.s32 $0x6300  }
0xaf: {  	[tilespmem:s16], [sflag:$0x2] =	stream.linear.gather [spmem:s15], $0x80, $0x38;
	[tilespmem:$0xA300] =	vst v63  }
0xb0: {  	_ =	swait.ge [sflag:s6], $0x280  }
0xb1: {  	[sflag:s6] =	ssyncset.done $0x0;
	s13 =	rddreg [dreg:$0xd]  }
0xb2: {  	s14 =	simm.s32 $0x5380;
	s15 =	sld [smem:$0x7E7];
	[sflag:s6] =	ssyncadd.s32 $0xFFFFFD80  }
0xb3: {  	[tilespmem:s14], [sflag:$0x2] =	stream.linear.gather [spmem:s13], $0x80, $0x38;
	[tilespmem:$0xA300] =	vst v63  }
0xb4: {  	s16 =	simm.s32 $0x5780;
	s13 =	sld [smem:$0x7E8]  }
0xb5: {  	[tilespmem:s16], [sflag:$0x2] =	stream.linear.gather [spmem:s15], $0x80, $0x38;
	[tilespmem:$0xA300] =	vst v63  }
0xb6: {  	s14 =	simm.s32 $0x5B80;
	s15 =	sld [smem:$0x7E9]  }
0xb7: {  	[tilespmem:s14], [sflag:$0x2] =	stream.linear.gather [spmem:s13], $0x80, $0x38;
	[tilespmem:$0xA300] =	vst v63  }
0xb8: {  	s16 =	simm.s32 $0x5F80;
	s13 =	sld [smem:$0x7EA]  }
0xb9: {  	[tilespmem:s16], [sflag:$0x2] =	stream.linear.gather [spmem:s15], $0x80, $0x38;
	[tilespmem:$0xA300] =	vst v63  }
0xba: {  	s14 =	simm.s32 $0x6380  }
0xbb: {  	[tilespmem:s14], [sflag:$0x2] =	stream.linear.gather [spmem:s13], $0x80, $0x38;
	[tilespmem:$0xA300] =	vst v63  }
0xbc: {  	_ =	swait.ge [sflag:s6], $0x280  }
0xbd: {  	[sflag:s6] =	ssyncset.done $0x0;
	s15 =	rddreg [dreg:$0xe]  }
0xbe: {  	s16 =	simm.s32 $0x5400;
	s13 =	sld [smem:$0x7EB];
	[sflag:s6] =	ssyncadd.s32 $0xFFFFFD80  }
0xbf: {  	[tilespmem:s16], [sflag:$0x2] =	stream.linear.gather [spmem:s15], $0x80, $0x38;
	[tilespmem:$0xA300] =	vst v63  }
0xc0: {  	s14 =	simm.s32 $0x5800;
	s15 =	sld [smem:$0x7EC]  }
0xc1: {  	[tilespmem:s14], [sflag:$0x2] =	stream.linear.gather [spmem:s13], $0x80, $0x38;
	[tilespmem:$0xA300] =	vst v63  }
0xc2: {  	s16 =	simm.s32 $0x5C00;
	s13 =	sld [smem:$0x7ED]  }
0xc3: {  	[tilespmem:s16], [sflag:$0x2] =	stream.linear.gather [spmem:s15], $0x80, $0x38;
	[tilespmem:$0xA300] =	vst v63  }
0xc4: {  	s14 =	simm.s32 $0x6000;
	s15 =	sld [smem:$0x7EE]  }
0xc5: {  	[tilespmem:s14], [sflag:$0x2] =	stream.linear.gather [spmem:s13], $0x80, $0x38;
	[tilespmem:$0xA300] =	vst v63  }
0xc6: {  	s16 =	simm.s32 $0x6400  }
0xc7: {  	[tilespmem:s16], [sflag:$0x2] =	stream.linear.gather [spmem:s15], $0x80, $0x38;
	[tilespmem:$0xA300] =	vst v63  }
0xc8: {  	_ =	swait.ge [sflag:s6], $0x280  }
0xc9: {  	[sflag:s6] =	ssyncset.done $0x0;
	s13 =	rddreg [dreg:$0xf]  }
0xca: {  	s14 =	simm.s32 $0x6480;
	s15 =	sld [smem:$0x7EF];
	[sflag:s6] =	ssyncadd.s32 $0xFFFFFD80  }
0xcb: {  	[tilespmem:s14], [sflag:$0x2] =	stream.linear.gather [spmem:s13], $0x80, $0x38;
	[tilespmem:$0xA300] =	vst v63  }
0xcc: {  	s16 =	simm.s32 $0x6880;
	s13 =	sld [smem:$0x7F0]  }
0xcd: {  	[tilespmem:s16], [sflag:$0x2] =	stream.linear.gather [spmem:s15], $0x80, $0x38;
	[tilespmem:$0xA300] =	vst v63  }
0xce: {  	s14 =	simm.s32 $0x6C80;
	s15 =	sld [smem:$0x7F1]  }
0xcf: {  	[tilespmem:s14], [sflag:$0x2] =	stream.linear.gather [spmem:s13], $0x80, $0x38;
	[tilespmem:$0xA300] =	vst v63  }
0xd0: {  	s16 =	simm.s32 $0x7080;
	s13 =	sld [smem:$0x7F2]  }
0xd1: {  	[tilespmem:s16], [sflag:$0x2] =	stream.linear.gather [spmem:s15], $0x80, $0x38;
	[tilespmem:$0xA300] =	vst v63  }
0xd2: {  	s14 =	simm.s32 $0x7480  }
0xd3: {  	[tilespmem:s14], [sflag:$0x2] =	stream.linear.gather [spmem:s13], $0x80, $0x38;
	[tilespmem:$0xA300] =	vst v63  }
0xd4: {  	_ =	swait.ge [sflag:s6], $0x280  }
0xd5: {  	[sflag:s6] =	ssyncset.done $0x0;
	s15 =	rddreg [dreg:$0x10]  }
0xd6: {  	s16 =	simm.s32 $0x6500;
	s13 =	sld [smem:$0x7F3];
	[sflag:s6] =	ssyncadd.s32 $0xFFFFFD80  }
0xd7: {  	[tilespmem:s16], [sflag:$0x2] =	stream.linear.gather [spmem:s15], $0x80, $0x38;
	[tilespmem:$0xA300] =	vst v63  }
0xd8: {  	s14 =	simm.s32 $0x6900;
	s15 =	sld [smem:$0x7F4]  }
0xd9: {  	[tilespmem:s14], [sflag:$0x2] =	stream.linear.gather [spmem:s13], $0x80, $0x38;
	[tilespmem:$0xA300] =	vst v63  }
0xda: {  	s16 =	simm.s32 $0x6D00;
	s13 =	sld [smem:$0x7F5]  }
0xdb: {  	[tilespmem:s16], [sflag:$0x2] =	stream.linear.gather [spmem:s15], $0x80, $0x38;
	[tilespmem:$0xA300] =	vst v63  }
0xdc: {  	s14 =	simm.s32 $0x7100;
	s15 =	sld [smem:$0x7F6]  }
0xdd: {  	[tilespmem:s14], [sflag:$0x2] =	stream.linear.gather [spmem:s13], $0x80, $0x38;
	[tilespmem:$0xA300] =	vst v63  }
0xde: {  	s16 =	simm.s32 $0x7500  }
0xdf: {  	[tilespmem:s16], [sflag:$0x2] =	stream.linear.gather [spmem:s15], $0x80, $0x38;
	[tilespmem:$0xA300] =	vst v63  }
0xe0: {  	_ =	swait.ge [sflag:s6], $0x280  }
0xe1: {  	[sflag:s6] =	ssyncset.done $0x0;
	s13 =	rddreg [dreg:$0x11]  }
0xe2: {  	s14 =	simm.s32 $0x6580;
	s15 =	sld [smem:$0x7F7];
	[sflag:s6] =	ssyncadd.s32 $0xFFFFFD80  }
0xe3: {  	[tilespmem:s14], [sflag:$0x2] =	stream.linear.gather [spmem:s13], $0x80, $0x38;
	[tilespmem:$0xA300] =	vst v63  }
0xe4: {  	s16 =	simm.s32 $0x6980;
	s13 =	sld [smem:$0x7F8]  }
0xe5: {  	[tilespmem:s16], [sflag:$0x2] =	stream.linear.gather [spmem:s15], $0x80, $0x38;
	[tilespmem:$0xA300] =	vst v63  }
0xe6: {  	s14 =	simm.s32 $0x6D80;
	s15 =	sld [smem:$0x7F9]  }
0xe7: {  	[tilespmem:s14], [sflag:$0x2] =	stream.linear.gather [spmem:s13], $0x80, $0x38;
	[tilespmem:$0xA300] =	vst v63  }
0xe8: {  	s16 =	simm.s32 $0x7180;
	s13 =	sld [smem:$0x7FA]  }
0xe9: {  	[tilespmem:s16], [sflag:$0x2] =	stream.linear.gather [spmem:s15], $0x80, $0x38;
	[tilespmem:$0xA300] =	vst v63  }
0xea: {  	s14 =	simm.s32 $0x7580  }
0xeb: {  	[tilespmem:s14], [sflag:$0x2] =	stream.linear.gather [spmem:s13], $0x80, $0x38;
	[tilespmem:$0xA300] =	vst v63  }
0xec: {  	_ =	swait.ge [sflag:s6], $0x280  }
0xed: {  	[sflag:s6] =	ssyncset.done $0x0;
	s15 =	rddreg [dreg:$0x12]  }
0xee: {  	s16 =	simm.s32 $0x6600;
	s13 =	sld [smem:$0x7FB];
	[sflag:s6] =	ssyncadd.s32 $0xFFFFFD80  }
0xef: {  	[tilespmem:s16], [sflag:$0x2] =	stream.linear.gather [spmem:s15], $0x80, $0x38;
	[tilespmem:$0xA300] =	vst v63  }
0xf0: {  	s14 =	simm.s32 $0x6A00;
	s15 =	sld [smem:$0x7FC]  }
0xf1: {  	[tilespmem:s14], [sflag:$0x2] =	stream.linear.gather [spmem:s13], $0x80, $0x38;
	[tilespmem:$0xA300] =	vst v63  }
0xf2: {  	s16 =	simm.s32 $0x6E00;
	s14 =	sld [smem:$0x7FD]  }
0xf3: {  	[tilespmem:s16], [sflag:$0x2] =	stream.linear.gather [spmem:s15], $0x80, $0x38;
	[tilespmem:$0xA300] =	vst v63  }
0xf4: {  	s15 =	simm.s32 $0x7200  }
0xf5: {  	[tilespmem:s15], [sflag:$0x2] =	stream.linear.gather [spmem:s14], $0x80, $0x38;
	[tilespmem:$0xA300] =	vst v63  }
0xf6: {  	s16 =	simm.s32 $0x7600  }
0xf7: {  	[tilespmem:s16], [sflag:$0x2] =	stream.linear.gather [spmem:s17], $0x80, $0x38;
	[tilespmem:$0xA300] =	vst v63  }
0xf8: {  	_ =	swait.ge [sflag:s6], $0x280  }
0xf9: {  	[sflag:s6] =	ssyncset.done $0x0  }
0xfa: {  	s14 =	simm.s32 $0x6680;
	s13 =	rddreg [dreg:$0x13];
	[sflag:s6] =	ssyncadd.s32 $0xFFFFFD80  }
0xfb: {  	[tilespmem:s14], [sflag:$0x2] =	stream.linear.gather [spmem:s13], $0x80, $0x38;
	[tilespmem:$0xA300] =	vst v63  }
0xfc: {  	s15 =	simm.s32 $0x6A80  }
0xfd: {  	[tilespmem:s15], [sflag:$0x2] =	stream.linear.gather [spmem:s18], $0x80, $0x38;
	[tilespmem:$0xA300] =	vst v63  }
0xfe: {  	s16 =	simm.s32 $0x6E80  }
0xff: {  	[tilespmem:s16], [sflag:$0x2] =	stream.linear.gather [spmem:s19], $0x80, $0x38;
	[tilespmem:$0xA300] =	vst v63  }
0x100: {  	s13 =	simm.s32 $0x7280  }
0x101: {  	[tilespmem:s13], [sflag:$0x2] =	stream.linear.gather [spmem:s20], $0x80, $0x38;
	[tilespmem:$0xA300] =	vst v63  }
0x102: {  	s14 =	simm.s32 $0x7680  }
0x103: {  	[tilespmem:s14], [sflag:$0x2] =	stream.linear.gather [spmem:s21], $0x80, $0x38;
	[tilespmem:$0xA300] =	vst v63  }
0x104: {  	_ =	swait.ge [sflag:s6], $0x280  }
0x105: {  	[sflag:s6] =	ssyncset.done $0x0  }
0x106: {  	s16 =	simm.s32 $0x6700;
	s15 =	rddreg [dreg:$0x14];
	[sflag:s6] =	ssyncadd.s32 $0xFFFFFD80  }
0x107: {  	[tilespmem:s16], [sflag:$0x2] =	stream.linear.gather [spmem:s15], $0x80, $0x38;
	[tilespmem:$0xA300] =	vst v63  }
0x108: {  	s13 =	simm.s32 $0x6B00  }
0x109: {  	[tilespmem:s13], [sflag:$0x2] =	stream.linear.gather [spmem:s22], $0x80, $0x38;
	[tilespmem:$0xA300] =	vst v63  }
0x10a: {  	s14 =	simm.s32 $0x6F00  }
0x10b: {  	[tilespmem:s14], [sflag:$0x2] =	stream.linear.gather [spmem:s23], $0x80, $0x38;
	[tilespmem:$0xA300] =	vst v63  }
0x10c: {  	s15 =	simm.s32 $0x7300  }
0x10d: {  	[tilespmem:s15], [sflag:$0x2] =	stream.linear.gather [spmem:s24], $0x80, $0x38;
	[tilespmem:$0xA300] =	vst v63  }
0x10e: {  	s16 =	simm.s32 $0x7700  }
0x10f: {  	[tilespmem:s16], [sflag:$0x2] =	stream.linear.gather [spmem:s25], $0x80, $0x38;
	[tilespmem:$0xA300] =	vst v63  }
0x110: {  	_ =	swait.ge [sflag:s6], $0x280  }
0x111: {  	[sflag:s6] =	ssyncset.done $0x0  }
0x112: {  	s14 =	simm.s32 $0x6780;
	s13 =	rddreg [dreg:$0x15];
	[sflag:s6] =	ssyncadd.s32 $0xFFFFFD80  }
0x113: {  	[tilespmem:s14], [sflag:$0x2] =	stream.linear.gather [spmem:s13], $0x80, $0x38;
	[tilespmem:$0xA300] =	vst v63  }
0x114: {  	s15 =	simm.s32 $0x6B80  }
0x115: {  	[tilespmem:s15], [sflag:$0x2] =	stream.linear.gather [spmem:s26], $0x80, $0x38;
	[tilespmem:$0xA300] =	vst v63  }
0x116: {  	s16 =	simm.s32 $0x6F80  }
0x117: {  	[tilespmem:s16], [sflag:$0x2] =	stream.linear.gather [spmem:s28], $0x80, $0x38;
	[tilespmem:$0xA300] =	vst v63  }
0x118: {  	s13 =	simm.s32 $0x7380  }
0x119: {  	[tilespmem:s13], [sflag:$0x2] =	stream.linear.gather [spmem:s29], $0x80, $0x38;
	[tilespmem:$0xA300] =	vst v63  }
0x11a: {  	s14 =	simm.s32 $0x7780  }
0x11b: {  	[tilespmem:s14], [sflag:$0x2] =	stream.linear.gather [spmem:s30], $0x80, $0x38;
	[tilespmem:$0xA300] =	vst v63  }
0x11c: {  	_ =	swait.ge [sflag:s6], $0x280  }
0x11d: {  	[sflag:s6] =	ssyncset.done $0x0  }
0x11e: {  	s16 =	simm.s32 $0x6800;
	s15 =	rddreg [dreg:$0x17];
	[sflag:s6] =	ssyncadd.s32 $0xFFFFFD80  }
0x11f: {  	[tilespmem:s16], [sflag:$0x2] =	stream.linear.gather [spmem:s15], $0x80, $0x38;
	[tilespmem:$0xA300] =	vst v63  }
0x120: {  	s14 =	simm.s32 $0x6C00  }
0x121: {  	[tilespmem:s14], [sflag:$0x2] =	stream.linear.gather [spmem:s31], $0x80, $0x38;
	[tilespmem:$0xA300] =	vst v63  }
0x122: {  	s15 =	simm.s32 $0x7000  }
0x123: {  	[tilespmem:s15], [sflag:$0x2] =	stream.linear.gather [spmem:s0], $0x80, $0x38;
	[tilespmem:$0xA300] =	vst v63  }
0x124: {  	s16 =	simm.s32 $0x7400  }
0x125: {  	[tilespmem:s16], [sflag:$0x2] =	stream.linear.gather [spmem:s3], $0x80, $0x38;
	[tilespmem:$0xA300] =	vst v63  }
0x126: {  	s13 =	simm.s32 $0x7800  }
0x127: {  	[tilespmem:s13], [sflag:$0x2] =	stream.linear.gather [spmem:s4], $0x80, $0x38;
	[tilespmem:$0xA300] =	vst v63  }
0x128: {  	s14 =	simm.s32 $0x0;
	_ =	swait.ge [sflag:s6], $0x280  }
0x129: {  	s12 =	sand.u32 $0x1C00, s14;
	s15 =	sand.u32 $0x70, s14;
	[sflag:s6] =	ssyncset.done $0x0  }
0x12a: {  	s12 =	sor.u32 s15, s12;
	[sflag:s6] =	ssyncadd.s32 $0xFFFFFD80  }
0x12b: {  	v0 =	vld [tilespmem:s12+$0x5100]  }
0x12c: {  	v1 =	vld [tilespmem:s12+$0x5080];
	_ =	sdelay $0x1  }
0x12d: {  	v2 =	vld [tilespmem:s12+$0x5180];
	_ =	sdelay $0x1  }
0x12e: {  	v3 =	vld [tilespmem:s12+$0x5200]  }
0x12f: {  	v0 =	vadd.f32 v0, v1  }
0x130: {  	v52 =	vld [tilespmem:s12+$0x5280]  }
0x131: {  	v0 =	vadd.f32 v2, v0  }
0x132: {  	v53 =	vld [tilespmem:s12+$0x5300]  }
0x133: {  	v0 =	vadd.f32 v3, v0  }
0x134: {  	v54 =	vld [tilespmem:s12+$0x5380]  }
0x135: {  	v0 =	vadd.f32 v52, v0  }
0x136: {  	v55 =	vld [tilespmem:s12+$0x5400]  }
0x137: {  	v0 =	vadd.f32 v53, v0  }
0x138: {  	v56 =	vld [tilespmem:s12+$0x6480]  }
0x139: {  	v0 =	vadd.f32 v54, v0  }
0x13a: {  	v57 =	vld [tilespmem:s12+$0x6500]  }
0x13b: {  	v0 =	vadd.f32 v55, v0  }
0x13c: {  	v58 =	vld [tilespmem:s12+$0x6580]  }
0x13d: {  	v0 =	vadd.f32 v56, v0  }
0x13e: {  	v59 =	vld [tilespmem:s12+$0x6600]  }
0x13f: {  	v0 =	vadd.f32 v57, v0  }
0x140: {  	v60 =	vld [tilespmem:s12+$0x6680]  }
0x141: {  	v0 =	vadd.f32 v58, v0  }
0x142: {  	v61 =	vld [tilespmem:s12+$0x6700]  }
0x143: {  	v0 =	vadd.f32 v59, v0  }
0x144: {  	v62 =	vld [tilespmem:s12+$0x6780]  }
0x145: {  	v0 =	vadd.f32 v60, v0  }
0x146: {  	v63 =	vld [tilespmem:s12+$0x6800]  }
0x147: {  	v0 =	vadd.f32 v61, v0;
	_ =	sdelay $0x1  }
0x148: {  	v0 =	vadd.f32 v62, v0;
	_ =	sdelay $0x1  }
0x149: {  	s14 =	simm.s32 $0x80;
	s16 =	simm.s32 $0x10;
	v0 =	vadd.f32 v63, v0  }
0x14a: {  	s15 =	sand.u32 $0x1C00, s14;
	s13 =	sand.u32 $0x70, s16;
	s12 =	simm.s32 $0x7880  }
0x14b: {  	s13 =	sor.u32 s13, s15;
	s15 =	simm.s32 $0x20;
	[tilespmem:s12+$0x0] =	vst v0  }
.LBB2_4:
0x14c: {  	p0 =	sne.s32 s15, $0x270;
	v0 =	vld [tilespmem:s13+$0x5100]  }
0x14d: {  	v1 =	vld [tilespmem:s13+$0x5080];
	_ =	sdelay $0x1  }
0x14e: {  	v2 =	vld [tilespmem:s13+$0x5180];
	_ =	sdelay $0x1  }
0x14f: {  	v3 =	vld [tilespmem:s13+$0x5200]  }
0x150: {  	v0 =	vadd.f32 v0, v1  }
0x151: {  	v1 =	vld [tilespmem:s13+$0x5280]  }
0x152: {  	v0 =	vadd.f32 v2, v0  }
0x153: {  	v2 =	vld [tilespmem:s13+$0x5300]  }
0x154: {  	v0 =	vadd.f32 v3, v0  }
0x155: {  	v3 =	vld [tilespmem:s13+$0x5380]  }
0x156: {  	v0 =	vadd.f32 v1, v0  }
0x157: {  	v1 =	vld [tilespmem:s13+$0x5400]  }
0x158: {  	v0 =	vadd.f32 v2, v0  }
0x159: {  	v2 =	vld [tilespmem:s13+$0x6480]  }
0x15a: {  	v0 =	vadd.f32 v3, v0  }
0x15b: {  	v3 =	vld [tilespmem:s13+$0x6500]  }
0x15c: {  	v0 =	vadd.f32 v1, v0  }
0x15d: {  	v1 =	vld [tilespmem:s13+$0x6580]  }
0x15e: {  	v0 =	vadd.f32 v2, v0  }
0x15f: {  	v2 =	vld [tilespmem:s13+$0x6600]  }
0x160: {  	v0 =	vadd.f32 v3, v0  }
0x161: {  	v3 =	vld [tilespmem:s13+$0x6680]  }
0x162: {  	v0 =	vadd.f32 v1, v0  }
0x163: {  	v1 =	vld [tilespmem:s13+$0x6700]  }
0x164: {  	v0 =	vadd.f32 v2, v0  }
0x165: {  	v2 =	vld [tilespmem:s13+$0x6780]  }
0x166: {  	v0 =	vadd.f32 v3, v0  }
0x167: {  	v3 =	vld [tilespmem:s13+$0x6800]  }
0x168: {  	v0 =	vadd.f32 v1, v0;
	_ =	sdelay $0x1  }
.Ltmp1:
0x169: {  	v0 =	vadd.f32 v2, v0;
	(pc) =	sbr.rel @p0 .LBB2_4-.Ltmp1, $4  }
0x16a: {  	_ = 	snop  }
0x16b: {  	s14 =	sadd.s32 $0x80, s14;
	v0 =	vadd.f32 v3, v0  }
0x16c: {  	s12 =	sadd.s32 $0x10, s12;
	s16 =	sand.u32 $0x1C00, s14;
	s13 =	sand.u32 $0x70, s15  }
0x16d: {  	s15 =	sadd.s32 $0x10, s15;
	s13 =	sor.u32 s13, s16;
	[tilespmem:s12+$0x0] =	vst v0  }
0x16e: {  	v0 =	vld [tilespmem:s13+$0x5100]  }
0x16f: {  	v1 =	vld [tilespmem:s13+$0x5080];
	_ =	sdelay $0x1  }
0x170: {  	v2 =	vld [tilespmem:s13+$0x5180];
	_ =	sdelay $0x1  }
0x171: {  	v3 =	vld [tilespmem:s13+$0x5200]  }
0x172: {  	v0 =	vadd.f32 v0, v1  }
0x173: {  	v52 =	vld [tilespmem:s13+$0x5280]  }
0x174: {  	v0 =	vadd.f32 v2, v0  }
0x175: {  	v53 =	vld [tilespmem:s13+$0x5300]  }
0x176: {  	v0 =	vadd.f32 v3, v0  }
0x177: {  	v54 =	vld [tilespmem:s13+$0x5380]  }
0x178: {  	v0 =	vadd.f32 v52, v0  }
0x179: {  	v55 =	vld [tilespmem:s13+$0x5400]  }
0x17a: {  	v0 =	vadd.f32 v53, v0  }
0x17b: {  	v56 =	vld [tilespmem:s13+$0x6480]  }
0x17c: {  	v0 =	vadd.f32 v54, v0  }
0x17d: {  	v57 =	vld [tilespmem:s13+$0x6500]  }
0x17e: {  	v0 =	vadd.f32 v55, v0  }
0x17f: {  	v58 =	vld [tilespmem:s13+$0x6580]  }
0x180: {  	v0 =	vadd.f32 v56, v0  }
0x181: {  	v59 =	vld [tilespmem:s13+$0x6600]  }
0x182: {  	v0 =	vadd.f32 v57, v0  }
0x183: {  	v60 =	vld [tilespmem:s13+$0x6680]  }
0x184: {  	v0 =	vadd.f32 v58, v0  }
0x185: {  	v61 =	vld [tilespmem:s13+$0x6700]  }
0x186: {  	v0 =	vadd.f32 v59, v0  }
0x187: {  	v62 =	vld [tilespmem:s13+$0x6780]  }
0x188: {  	v0 =	vadd.f32 v60, v0  }
0x189: {  	v63 =	vld [tilespmem:s13+$0x6800]  }
0x18a: {  	v0 =	vadd.f32 v61, v0;
	_ =	sdelay $0x1  }
0x18b: {  	v0 =	vadd.f32 v62, v0;
	_ =	sdelay $0x1  }
0x18c: {  	v0 =	vadd.f32 v63, v0  }
0x18d: {  	s12 =	sadd.s32 $0x10, s12  }
0x18e: {  	s13 =	rddreg [dreg:$0x16];
	s15 =	simm.s32 $0x100;
	s14 =	simm.s32 $0x7880;
	[tilespmem:s12+$0x0] =	vst v0  }
0x18f: {  	[hbm4b:s13+s9] =	stream.strided.scatter [tilespmem:s14], [sflag:$0x2], $0x280, s15, s9, $0x38;
	[tilespmem:$0xA300] =	vst v63  }
0x190: {  	_ =	swait.ge [sflag:s6], $0x280  }
0x191: {  	s11 =	sadd.s32 $0x1, s11;
	s16 =	rddreg [dreg:$0x18]  }
0x192: {  	p0 =	sne.s32 s11, s16  }
.Ltmp2:
0x193: {  	_ = 	snop;
	(pc) =	sbr.rel @p0 .LBB2_1-.Ltmp2, $3  }
0x194: {  	_ =	sdelay $0x1  }
0x195: {  	[sflag:s6] =	ssyncset.done $0x0  }
0x196: {  	[sflag:s6] =	ssyncadd.s32 $0xFFFFFD80  }
0x197: {  	_ =	sfence.sel $0x180000  }
0x198: {  	[bflag:$0x0] =	sbarrier.arrive $0xFFFF  }
0x199: {  	_ =	strace $0x90000047  }
0x19a: {  	s0 =	stileid.u32;
	[bflag:$0x2] =	sbarrier.arrive $0xFFFF  }
0x19b: {  	p0 =	sne.s32 s0, $0x0;
	s0 =	rddreg [dreg:$0x3]  }
0x19c: {  	s0 =	sadd.s32 @!p0 $0x100000, s0  }
0x19d: {  	[sflag:s0] =	ssyncadd.tile.s32 @!p0 $0x1;
	_ =	shalt  }
.Lfunc_end2:
_tile_overlayer_lowered:
.L_overlay_start_2:
0x19e: {  	(tag) =	ssettag $0x2  }
0x19f: {  	s0 =	rddreg [dreg:$0x0];
	s2 =	stileid.u32  }
0x1a0: {  	s1 =	rddreg [dreg:$0x1];
	p0 =	sne.s32 s2, $0x0  }
0x1a1: {  	s3 =	rddreg [dreg:$0x2];
	[bflag:$0x3] =	sbarrier.arrive $0xFFFF;
	s2 =	simm.s32 @!p0 $0x1C02  }
0x1a2: {  	[timem:s3], [sflag:s2] =	dma.local @!p0 [hbm:s0], s1  }
0x1a3: {  	s0 =	simm.s32 @!p0 $0x2  }
0x1a4: {  	_ =	swait.ge @!p0 [sflag:s0], s1  }
0x1a5: {  	s1 =	ssub.s32 @!p0 $0x0, s1;
	[sflag:s0] =	ssyncset.done @!p0 $0x0  }
0x1a6: {  	[sflag:s0] =	ssyncadd.s32 @!p0 s1  }
0x1a7: {  	[bflag:$0x3] =	sbarrier.arrive $0xFFFF  }
0x1a8: {  	_ =	shalt  }

</sc_bundles>
